<compile_context>
chip_gen: v7x
topology: tpu7x:2x2x1
jax: 0.10.2.dev20260603
libtpu: 0.0.44.dev20260713+nightly
codegen_flags: <defaults>
</compile_context>

<pallas_src>
import functools

import jax
import jax.numpy as jnp
from jax import lax
from jax.experimental import pallas as pl
from jax.experimental.pallas import tpu as pltpu
from jax.experimental.pallas import tpu_sc as plsc

NUM_DAYS = 512
EMB = 128
NC, NS = 2, 16
NW = NC * NS
CHUNK = 128
NSLOT = 3
LANES = 16


def _sc_partial_sums(nid2, cid2, did2, news_table, cat_table):
    n_chunks_total = nid2.shape[0]
    n_chunks = n_chunks_total // NW
    rows_per_sub = NUM_DAYS // NS
    mesh = plsc.VectorSubcoreMesh(core_axis_name="c", subcore_axis_name="s")

    @functools.partial(
        pl.kernel,
        out_type=jax.ShapeDtypeStruct((NC, NUM_DAYS, EMB), jnp.float32),
        mesh=mesh,
        scratch_types=[
            pltpu.VMEM((3, n_chunks, CHUNK), jnp.int32),
            pltpu.VMEM((NSLOT, CHUNK, EMB), jnp.float32),
            pltpu.VMEM((NSLOT, CHUNK, EMB), jnp.float32),
            pltpu.VMEM((NUM_DAYS // NS, EMB), jnp.float32),
            pltpu.VMEM_SHARED((NUM_DAYS, EMB), jnp.float32),
        ] + [pltpu.SemaphoreType.DMA] * (2 * NSLOT),
    )
    def k(nid_hbm, cid_hbm, did_hbm, news_hbm, cat_hbm, zp_hbm,
          idx_v, bufn_v, bufc_v, zinit_v, zacc_s, *sems):
        gsem = sems[:NSLOT]
        ssem = sems[NSLOT:]
        core = lax.axis_index("c")
        sid = lax.axis_index("s")
        wid = sid * NC + core
        my_rows = pl.ds(sid * rows_per_sub, rows_per_sub)
        my_chunks = pl.ds(wid * n_chunks, n_chunks)

        pltpu.sync_copy(nid_hbm.at[my_chunks], idx_v.at[0])
        pltpu.sync_copy(cid_hbm.at[my_chunks], idx_v.at[1])
        pltpu.sync_copy(did_hbm.at[my_chunks], idx_v.at[2])

        gd = [None] * NSLOT
        sd = [None] * NSLOT

        def fire_gathers(i):
            s = i % NSLOT
            gd[s] = [
                pltpu.async_copy(news_hbm.at[idx_v.at[0].at[i]],
                                 bufn_v.at[s], gsem[s]),
                pltpu.async_copy(cat_hbm.at[idx_v.at[1].at[i]],
                                 bufc_v.at[s], gsem[s]),
            ]

        def fire_scatters(i):
            s = i % NSLOT
            for d in gd[s]:
                d.wait()

            @pl.loop(0, CHUNK)
            def _(r):
                for c in range(EMB // LANES):
                    sl = pl.ds(c * LANES, LANES)
                    bufn_v[s, r, sl] = bufn_v[s, r, sl] + bufc_v[s, r, sl]

            day_idx = idx_v.at[2].at[i]
            sd[s] = [
                pltpu.async_copy(bufn_v.at[s], zacc_s.at[day_idx],
                                 ssem[s], add=True),
            ]

        fire_gathers(0)


        zero_r = jnp.zeros((LANES,), jnp.float32)

        @pl.loop(0, rows_per_sub)
        def _(r):
            for c in range(EMB // LANES):
                zinit_v[r, pl.ds(c * LANES, LANES)] = zero_r

        pltpu.sync_copy(zinit_v, zacc_s.at[my_rows])

        plsc.subcore_barrier()

        for i in range(1, n_chunks):
            s = i % NSLOT
            if sd[s] is not None:
                for d in sd[s]:
                    d.wait()
                sd[s] = None
            fire_gathers(i)
            fire_scatters(i - 1)
        fire_scatters(n_chunks - 1)
        for slot in range(NSLOT):
            if sd[slot] is not None:
                for d in sd[slot]:
                    d.wait()

        plsc.subcore_barrier()
        pltpu.sync_copy(zacc_s.at[my_rows], zp_hbm.at[core].at[my_rows])

    return k(nid2, cid2, did2, news_table, cat_table)


HB = 2048


def _tc_day_histogram(did2):
    n = did2.size

    def body(ids_ref, out_ref):
        @pl.when(pl.program_id(0) == 0)
        def _():
            out_ref[...] = jnp.zeros_like(out_ref)

        x = ids_ref[...].reshape(HB, 1)
        days = lax.broadcasted_iota(jnp.int32, (1, NUM_DAYS), 1)
        eq = (x == days).astype(jnp.float32)
        out_ref[...] += jnp.sum(eq, axis=0, keepdims=True)

    return pl.pallas_call(
        body,
        grid=(n // HB,),
        in_specs=[pl.BlockSpec((1, 1, HB), lambda i: (i, 0, 0))],
        out_specs=pl.BlockSpec((1, NUM_DAYS), lambda i: (0, 0)),
        out_shape=jax.ShapeDtypeStruct((1, NUM_DAYS), jnp.float32),
    )(did2.reshape(n // HB, 1, HB))


def _tc_combine(zp, counts):
    def body(zp_ref, cnt_ref, out_ref):
        z = zp_ref[0] + zp_ref[1]
        c = cnt_ref[...].reshape(NUM_DAYS, 1)
        out_ref[...] = z / jnp.maximum(c, 1.0)

    return pl.pallas_call(
        body,
        out_shape=jax.ShapeDtypeStruct((NUM_DAYS, EMB), jnp.float32),
    )(zp, counts)


def kernel(news_ids, category_ids, day_ids, delta_days, news_table, cat_table):
    n = news_ids.shape[0]
    n_chunks_total = n // CHUNK
    nid2 = news_ids.astype(jnp.int32).reshape(n_chunks_total, CHUNK)
    cid2 = category_ids.astype(jnp.int32).reshape(n_chunks_total, CHUNK)
    did2 = day_ids.astype(jnp.int32).reshape(n_chunks_total, CHUNK)
    counts = _tc_day_histogram(did2)
    zp = _sc_partial_sums(nid2, cid2, did2, news_table, cat_table)
    Z = _tc_combine(zp, counts)
    return (Z, delta_days.astype(jnp.float32))

# --- scband reference (transcript-rebuilt; emitter-appended) ---
"""Pipeline reference for scband-long-term-model-85126251806847 (READ-ONLY COPY).

The authoritative reference and input builder live on the scoring server;
editing this copy changes nothing except your own understanding.
"""

import jax, jax.numpy as jnp
import numpy as np

NUM_NEWS = 100000
NUM_CATEGORIES = 1000
EMB_DIM = 128
N_INTER = 32768
N_DAYS = 512

def setup_inputs(seed: int = 0) -> dict:
    key = jax.random.key(seed)
    k1, k2, k3, k4, k5, k6 = jax.random.split(key, 6)
    news_ids = jax.random.randint(k1, (N_INTER,), 0, NUM_NEWS, dtype=jnp.int64) if jax.config.jax_enable_x64 else jax.random.randint(k1, (N_INTER,), 0, NUM_NEWS).astype(jnp.int32)
    category_ids = jax.random.randint(k2, (N_INTER,), 0, NUM_CATEGORIES).astype(news_ids.dtype)
    day_ids = jnp.sort(jax.random.randint(k3, (N_INTER,), 0, N_DAYS)).astype(news_ids.dtype)
    delta_days = jax.random.uniform(k4, (N_DAYS,), dtype=jnp.float32) * 30.0
    news_table = jax.random.normal(k5, (NUM_NEWS, EMB_DIM), dtype=jnp.float32) * 0.02
    cat_table = jax.random.normal(k6, (NUM_CATEGORIES, EMB_DIM), dtype=jnp.float32) * 0.02
    return {"news_ids": news_ids, "category_ids": category_ids, "day_ids": day_ids, "delta_days": delta_days, "news_table": news_table, "cat_table": cat_table}

def reference(news_ids, category_ids, day_ids, delta_days, news_table, cat_table):
    # NewsCategoryEmbedding: lookup news + category embeddings and combine (sum)
    interaction_emb = jnp.take(news_table, news_ids, axis=0) + jnp.take(cat_table, category_ids, axis=0)
    # Mean pooling within daily chunks (ragged segments given by day_ids)
    sums = jax.ops.segment_sum(interaction_emb, day_ids, num_segments=N_DAYS)
    counts = jax.ops.segment_sum(jnp.ones((interaction_emb.shape[0],), dtype=jnp.float32), day_ids, num_segments=N_DAYS)
    Z = sums / jnp.maximum(counts, 1.0)[:, None]
    delta_t = delta_days.astype(jnp.float32)
    return (Z, delta_t)

if __name__ == "__main__":
    import jax
    _d = setup_inputs()
    print(jax.jit(kernel)(*tuple(_d.values())))

</pallas_src>

<mosaic_0001>
#map = affine_map<(d0, d1) -> (0, 0)>
#map1 = affine_map<(d0, d1) -> (0, 0, 0)>
module attributes {stable_mosaic.version = 14 : i64} {
  func.func @k(%arg0: i32, %arg1: i32, %arg2: memref<256x128xi32, #tpu.memory_space<hbm>>, %arg3: memref<256x128xi32, #tpu.memory_space<hbm>>, %arg4: memref<256x128xi32, #tpu.memory_space<hbm>>, %arg5: memref<100000x128xf32, #tpu.memory_space<hbm>>, %arg6: memref<1000x128xf32, #tpu.memory_space<hbm>>, %arg7: memref<2x512x128xf32, #tpu.memory_space<hbm>>, %arg8: memref<3x8x128xi32, #tpu.memory_space<vmem>>, %arg9: memref<3x128x128xf32, #tpu.memory_space<vmem>>, %arg10: memref<3x128x128xf32, #tpu.memory_space<vmem>>, %arg11: memref<32x128xf32, #tpu.memory_space<vmem>>, %arg12: memref<512x128xf32, #tpu.memory_space<vmem_shared>>, %arg13: memref<!tpu.dma_semaphore, #tpu.memory_space<semaphore_mem>>, %arg14: memref<!tpu.dma_semaphore, #tpu.memory_space<semaphore_mem>>, %arg15: memref<!tpu.dma_semaphore, #tpu.memory_space<semaphore_mem>>, %arg16: memref<!tpu.dma_semaphore, #tpu.memory_space<semaphore_mem>>, %arg17: memref<!tpu.dma_semaphore, #tpu.memory_space<semaphore_mem>>, %arg18: memref<!tpu.dma_semaphore, #tpu.memory_space<semaphore_mem>>) attributes {dimension_semantics = [#tpu.dimension_semantics<core_parallel>, #tpu.dimension_semantics<subcore_parallel>], iteration_bounds = array<i64: 2, 16>, scalar_prefetch = 0 : i64, scratch_operands = 11 : i64, tpu.core_type = #tpu.core_type<sc_vector_subcore>, window_params = [{transform_indices = #map}, {transform_indices = #map}, {transform_indices = #map}, {transform_indices = #map}, {transform_indices = #map}, {transform_indices = #map1}]} {
    %mul3A = arith.constant 2 : i32
    %mul3A_0 = arith.muli %arg1, %mul3A : i32
    %add3A = arith.addi %mul3A_0, %arg0 : i32
    %mul3A_1 = arith.constant 32 : i32
    %mul3A_2 = arith.muli %arg1, %mul3A_1 : i32
    %mul3A_3 = arith.constant 8 : i32
    %mul3A_4 = arith.muli %add3A, %mul3A_3 : i32
    %run_scoped3A = arith.constant 0 : i32
    "tpu.region"() ({
      %run_scoped3A_867 = tpu.sem_alloc : memref<!tpu.dma_semaphore, #tpu.memory_space<semaphore_mem>>
      %dma_start3A_868 = arith.constant 0 : i32
      %dma_start3A_869 = arith.constant 0 : i32
      %dma_start3A_870 = tpu.memref_slice %arg8[%run_scoped3A, %dma_start3A_868, %dma_start3A_869] : memref<3x8x128xi32, #tpu.memory_space<vmem>> -> memref<1x8x128xi32, #tpu.memory_space<vmem>>
      %dma_start3A_871 = tpu.memref_squeeze %dma_start3A_870 : memref<1x8x128xi32, #tpu.memory_space<vmem>> -> memref<8x128xi32, #tpu.memory_space<vmem>>
      %dma_start3A_872 = arith.constant 0 : i32
      %dma_start3A_873 = tpu.memref_slice %arg2[%mul3A_4, %dma_start3A_872] : memref<256x128xi32, #tpu.memory_space<hbm>> -> memref<8x128xi32, #tpu.memory_space<hbm>>
      %dma_start3A_874 = arith.constant 0 : i32
      %dma_start3A_875 = arith.constant 0 : i32
      %dma_start3A_876 = tpu.memref_slice %arg8[%run_scoped3A, %dma_start3A_874, %dma_start3A_875] : memref<3x8x128xi32, #tpu.memory_space<vmem>> -> memref<1x8x128xi32, #tpu.memory_space<vmem>>
      %dma_start3A_877 = tpu.memref_squeeze %dma_start3A_876 : memref<1x8x128xi32, #tpu.memory_space<vmem>> -> memref<8x128xi32, #tpu.memory_space<vmem>>
      %dma_start3A_878 = arith.constant 0 : i32
      %dma_start3A_879 = tpu.memref_slice %arg2[%mul3A_4, %dma_start3A_878] : memref<256x128xi32, #tpu.memory_space<hbm>> -> memref<8x128xi32, #tpu.memory_space<hbm>>
      tpu.enqueue_dma source(%dma_start3A_879 : memref<8x128xi32, #tpu.memory_space<hbm>>) target(%dma_start3A_877 : memref<8x128xi32, #tpu.memory_space<vmem>>) target_semaphore(%run_scoped3A_867 : memref<!tpu.dma_semaphore, #tpu.memory_space<semaphore_mem>>)
      %dma_wait3A_880 = arith.constant 0 : i32
      %dma_wait3A_881 = arith.constant 0 : i32
      %dma_wait3A_882 = tpu.memref_slice %arg8[%run_scoped3A, %dma_wait3A_880, %dma_wait3A_881] : memref<3x8x128xi32, #tpu.memory_space<vmem>> -> memref<1x8x128xi32, #tpu.memory_space<vmem>>
      %dma_wait3A_883 = tpu.memref_squeeze %dma_wait3A_882 : memref<1x8x128xi32, #tpu.memory_space<vmem>> -> memref<8x128xi32, #tpu.memory_space<vmem>>
      %dma_wait3A_884 = arith.constant 0 : i32
      %dma_wait3A_885 = tpu.memref_slice %arg2[%mul3A_4, %dma_wait3A_884] : memref<256x128xi32, #tpu.memory_space<hbm>> -> memref<8x128xi32, #tpu.memory_space<hbm>>
      %dma_wait3A_886 = arith.constant 0 : i32
      %dma_wait3A_887 = arith.constant 0 : i32
      %dma_wait3A_888 = tpu.memref_slice %arg8[%run_scoped3A, %dma_wait3A_886, %dma_wait3A_887] : memref<3x8x128xi32, #tpu.memory_space<vmem>> -> memref<1x8x128xi32, #tpu.memory_space<vmem>>
      %dma_wait3A_889 = tpu.memref_squeeze %dma_wait3A_888 : memref<1x8x128xi32, #tpu.memory_space<vmem>> -> memref<8x128xi32, #tpu.memory_space<vmem>>
      %dma_wait3A_890 = arith.constant 0 : i32
      %dma_wait3A_891 = tpu.memref_slice %arg2[%mul3A_4, %dma_wait3A_890] : memref<256x128xi32, #tpu.memory_space<hbm>> -> memref<8x128xi32, #tpu.memory_space<hbm>>
      tpu.wait_dma2 semaphore(%run_scoped3A_867 : memref<!tpu.dma_semaphore, #tpu.memory_space<semaphore_mem>>) src(%dma_wait3A_891 : memref<8x128xi32, #tpu.memory_space<hbm>>) dst(%dma_wait3A_889 : memref<8x128xi32, #tpu.memory_space<vmem>>)
      tpu.yield
    }) : () -> ()
    %run_scoped3A_5 = arith.constant 1 : i32
    "tpu.region"() ({
      %run_scoped3A_867 = tpu.sem_alloc : memref<!tpu.dma_semaphore, #tpu.memory_space<semaphore_mem>>
      %dma_start3A_868 = arith.constant 0 : i32
      %dma_start3A_869 = arith.constant 0 : i32
      %dma_start3A_870 = tpu.memref_slice %arg8[%run_scoped3A_5, %dma_start3A_868, %dma_start3A_869] : memref<3x8x128xi32, #tpu.memory_space<vmem>> -> memref<1x8x128xi32, #tpu.memory_space<vmem>>
      %dma_start3A_871 = tpu.memref_squeeze %dma_start3A_870 : memref<1x8x128xi32, #tpu.memory_space<vmem>> -> memref<8x128xi32, #tpu.memory_space<vmem>>
      %dma_start3A_872 = arith.constant 0 : i32
      %dma_start3A_873 = tpu.memref_slice %arg3[%mul3A_4, %dma_start3A_872] : memref<256x128xi32, #tpu.memory_space<hbm>> -> memref<8x128xi32, #tpu.memory_space<hbm>>
      %dma_start3A_874 = arith.constant 0 : i32
      %dma_start3A_875 = arith.constant 0 : i32
      %dma_start3A_876 = tpu.memref_slice %arg8[%run_scoped3A_5, %dma_start3A_874, %dma_start3A_875] : memref<3x8x128xi32, #tpu.memory_space<vmem>> -> memref<1x8x128xi32, #tpu.memory_space<vmem>>
      %dma_start3A_877 = tpu.memref_squeeze %dma_start3A_876 : memref<1x8x128xi32, #tpu.memory_space<vmem>> -> memref<8x128xi32, #tpu.memory_space<vmem>>
      %dma_start3A_878 = arith.constant 0 : i32
      %dma_start3A_879 = tpu.memref_slice %arg3[%mul3A_4, %dma_start3A_878] : memref<256x128xi32, #tpu.memory_space<hbm>> -> memref<8x128xi32, #tpu.memory_space<hbm>>
      tpu.enqueue_dma source(%dma_start3A_879 : memref<8x128xi32, #tpu.memory_space<hbm>>) target(%dma_start3A_877 : memref<8x128xi32, #tpu.memory_space<vmem>>) target_semaphore(%run_scoped3A_867 : memref<!tpu.dma_semaphore, #tpu.memory_space<semaphore_mem>>)
      %dma_wait3A_880 = arith.constant 0 : i32
      %dma_wait3A_881 = arith.constant 0 : i32
      %dma_wait3A_882 = tpu.memref_slice %arg8[%run_scoped3A_5, %dma_wait3A_880, %dma_wait3A_881] : memref<3x8x128xi32, #tpu.memory_space<vmem>> -> memref<1x8x128xi32, #tpu.memory_space<vmem>>
      %dma_wait3A_883 = tpu.memref_squeeze %dma_wait3A_882 : memref<1x8x128xi32, #tpu.memory_space<vmem>> -> memref<8x128xi32, #tpu.memory_space<vmem>>
      %dma_wait3A_884 = arith.constant 0 : i32
      %dma_wait3A_885 = tpu.memref_slice %arg3[%mul3A_4, %dma_wait3A_884] : memref<256x128xi32, #tpu.memory_space<hbm>> -> memref<8x128xi32, #tpu.memory_space<hbm>>
      %dma_wait3A_886 = arith.constant 0 : i32
      %dma_wait3A_887 = arith.constant 0 : i32
      %dma_wait3A_888 = tpu.memref_slice %arg8[%run_scoped3A_5, %dma_wait3A_886, %dma_wait3A_887] : memref<3x8x128xi32, #tpu.memory_space<vmem>> -> memref<1x8x128xi32, #tpu.memory_space<vmem>>
      %dma_wait3A_889 = tpu.memref_squeeze %dma_wait3A_888 : memref<1x8x128xi32, #tpu.memory_space<vmem>> -> memref<8x128xi32, #tpu.memory_space<vmem>>
      %dma_wait3A_890 = arith.constant 0 : i32
      %dma_wait3A_891 = tpu.memref_slice %arg3[%mul3A_4, %dma_wait3A_890] : memref<256x128xi32, #tpu.memory_space<hbm>> -> memref<8x128xi32, #tpu.memory_space<hbm>>
      tpu.wait_dma2 semaphore(%run_scoped3A_867 : memref<!tpu.dma_semaphore, #tpu.memory_space<semaphore_mem>>) src(%dma_wait3A_891 : memref<8x128xi32, #tpu.memory_space<hbm>>) dst(%dma_wait3A_889 : memref<8x128xi32, #tpu.memory_space<vmem>>)
      tpu.yield
    }) : () -> ()
    %run_scoped3A_6 = arith.constant 2 : i32
    "tpu.region"() ({
      %run_scoped3A_867 = tpu.sem_alloc : memref<!tpu.dma_semaphore, #tpu.memory_space<semaphore_mem>>
      %dma_start3A_868 = arith.constant 0 : i32
      %dma_start3A_869 = arith.constant 0 : i32
      %dma_start3A_870 = tpu.memref_slice %arg8[%run_scoped3A_6, %dma_start3A_868, %dma_start3A_869] : memref<3x8x128xi32, #tpu.memory_space<vmem>> -> memref<1x8x128xi32, #tpu.memory_space<vmem>>
      %dma_start3A_871 = tpu.memref_squeeze %dma_start3A_870 : memref<1x8x128xi32, #tpu.memory_space<vmem>> -> memref<8x128xi32, #tpu.memory_space<vmem>>
      %dma_start3A_872 = arith.constant 0 : i32
      %dma_start3A_873 = tpu.memref_slice %arg4[%mul3A_4, %dma_start3A_872] : memref<256x128xi32, #tpu.memory_space<hbm>> -> memref<8x128xi32, #tpu.memory_space<hbm>>
      %dma_start3A_874 = arith.constant 0 : i32
      %dma_start3A_875 = arith.constant 0 : i32
      %dma_start3A_876 = tpu.memref_slice %arg8[%run_scoped3A_6, %dma_start3A_874, %dma_start3A_875] : memref<3x8x128xi32, #tpu.memory_space<vmem>> -> memref<1x8x128xi32, #tpu.memory_space<vmem>>
      %dma_start3A_877 = tpu.memref_squeeze %dma_start3A_876 : memref<1x8x128xi32, #tpu.memory_space<vmem>> -> memref<8x128xi32, #tpu.memory_space<vmem>>
      %dma_start3A_878 = arith.constant 0 : i32
      %dma_start3A_879 = tpu.memref_slice %arg4[%mul3A_4, %dma_start3A_878] : memref<256x128xi32, #tpu.memory_space<hbm>> -> memref<8x128xi32, #tpu.memory_space<hbm>>
      tpu.enqueue_dma source(%dma_start3A_879 : memref<8x128xi32, #tpu.memory_space<hbm>>) target(%dma_start3A_877 : memref<8x128xi32, #tpu.memory_space<vmem>>) target_semaphore(%run_scoped3A_867 : memref<!tpu.dma_semaphore, #tpu.memory_space<semaphore_mem>>)
      %dma_wait3A_880 = arith.constant 0 : i32
      %dma_wait3A_881 = arith.constant 0 : i32
      %dma_wait3A_882 = tpu.memref_slice %arg8[%run_scoped3A_6, %dma_wait3A_880, %dma_wait3A_881] : memref<3x8x128xi32, #tpu.memory_space<vmem>> -> memref<1x8x128xi32, #tpu.memory_space<vmem>>
      %dma_wait3A_883 = tpu.memref_squeeze %dma_wait3A_882 : memref<1x8x128xi32, #tpu.memory_space<vmem>> -> memref<8x128xi32, #tpu.memory_space<vmem>>
      %dma_wait3A_884 = arith.constant 0 : i32
      %dma_wait3A_885 = tpu.memref_slice %arg4[%mul3A_4, %dma_wait3A_884] : memref<256x128xi32, #tpu.memory_space<hbm>> -> memref<8x128xi32, #tpu.memory_space<hbm>>
      %dma_wait3A_886 = arith.constant 0 : i32
      %dma_wait3A_887 = arith.constant 0 : i32
      %dma_wait3A_888 = tpu.memref_slice %arg8[%run_scoped3A_6, %dma_wait3A_886, %dma_wait3A_887] : memref<3x8x128xi32, #tpu.memory_space<vmem>> -> memref<1x8x128xi32, #tpu.memory_space<vmem>>
      %dma_wait3A_889 = tpu.memref_squeeze %dma_wait3A_888 : memref<1x8x128xi32, #tpu.memory_space<vmem>> -> memref<8x128xi32, #tpu.memory_space<vmem>>
      %dma_wait3A_890 = arith.constant 0 : i32
      %dma_wait3A_891 = tpu.memref_slice %arg4[%mul3A_4, %dma_wait3A_890] : memref<256x128xi32, #tpu.memory_space<hbm>> -> memref<8x128xi32, #tpu.memory_space<hbm>>
      tpu.wait_dma2 semaphore(%run_scoped3A_867 : memref<!tpu.dma_semaphore, #tpu.memory_space<semaphore_mem>>) src(%dma_wait3A_891 : memref<8x128xi32, #tpu.memory_space<hbm>>) dst(%dma_wait3A_889 : memref<8x128xi32, #tpu.memory_space<vmem>>)
      tpu.yield
    }) : () -> ()
    %dma_start3A = arith.constant 0 : i32
    %dma_start3A_7 = arith.constant 0 : i32
    %dma_start3A_8 = arith.constant 0 : i32
    %dma_start3A_9 = arith.constant 0 : i32
    %dma_start3A_10 = arith.constant 0 : i32
    %dma_start3A_11 = tpu.memref_slice %arg9[%dma_start3A_8, %dma_start3A_9, %dma_start3A_10] : memref<3x128x128xf32, #tpu.memory_space<vmem>> -> memref<1x128x128xf32, #tpu.memory_space<vmem>>
    %dma_start3A_12 = tpu.memref_squeeze %dma_start3A_11 : memref<1x128x128xf32, #tpu.memory_space<vmem>> -> memref<128x128xf32, #tpu.memory_space<vmem>>
    %dma_start3A_13 = arith.constant 0 : i32
    %dma_start3A_14 = arith.constant 0 : i32
    %dma_start3A_15 = tpu.memref_slice %arg8[%dma_start3A, %dma_start3A_13, %dma_start3A_14] : memref<3x8x128xi32, #tpu.memory_space<vmem>> -> memref<1x8x128xi32, #tpu.memory_space<vmem>>
    %dma_start3A_16 = tpu.memref_squeeze %dma_start3A_15 : memref<1x8x128xi32, #tpu.memory_space<vmem>> -> memref<8x128xi32, #tpu.memory_space<vmem>>
    %dma_start3A_17 = arith.constant 0 : i32
    %dma_start3A_18 = tpu.memref_slice %dma_start3A_16[%dma_start3A_7, %dma_start3A_17] : memref<8x128xi32, #tpu.memory_space<vmem>> -> memref<1x128xi32, #tpu.memory_space<vmem>>
    %dma_start3A_19 = tpu.memref_squeeze %dma_start3A_18 : memref<1x128xi32, #tpu.memory_space<vmem>> -> memref<128xi32, #tpu.memory_space<vmem>>
    %dma_start3A_20 = arith.constant 0 : i32
    %dma_start3A_21 = arith.constant 0 : i32
    %dma_start3A_22 = tpu.memref_slice %arg5[%dma_start3A_20, %dma_start3A_21] : memref<100000x128xf32, #tpu.memory_space<hbm>> -> memref<100000x128xf32, #tpu.memory_space<hbm>>
    tpu.enqueue_indirect_dma source(%dma_start3A_22 : memref<100000x128xf32, #tpu.memory_space<hbm>>) target(%dma_start3A_12 : memref<128x128xf32, #tpu.memory_space<vmem>>) offsets(%dma_start3A_19 : memref<128xi32, #tpu.memory_space<vmem>>) semaphore(%arg13 : memref<!tpu.dma_semaphore, #tpu.memory_space<semaphore_mem>>)
    %dma_start3A_23 = arith.constant 1 : i32
    %dma_start3A_24 = arith.constant 0 : i32
    %dma_start3A_25 = arith.constant 0 : i32
    %dma_start3A_26 = arith.constant 0 : i32
    %dma_start3A_27 = arith.constant 0 : i32
    %dma_start3A_28 = tpu.memref_slice %arg10[%dma_start3A_25, %dma_start3A_26, %dma_start3A_27] : memref<3x128x128xf32, #tpu.memory_space<vmem>> -> memref<1x128x128xf32, #tpu.memory_space<vmem>>
    %dma_start3A_29 = tpu.memref_squeeze %dma_start3A_28 : memref<1x128x128xf32, #tpu.memory_space<vmem>> -> memref<128x128xf32, #tpu.memory_space<vmem>>
    %dma_start3A_30 = arith.constant 0 : i32
    %dma_start3A_31 = arith.constant 0 : i32
    %dma_start3A_32 = tpu.memref_slice %arg8[%dma_start3A_23, %dma_start3A_30, %dma_start3A_31] : memref<3x8x128xi32, #tpu.memory_space<vmem>> -> memref<1x8x128xi32, #tpu.memory_space<vmem>>
    %dma_start3A_33 = tpu.memref_squeeze %dma_start3A_32 : memref<1x8x128xi32, #tpu.memory_space<vmem>> -> memref<8x128xi32, #tpu.memory_space<vmem>>
    %dma_start3A_34 = arith.constant 0 : i32
    %dma_start3A_35 = tpu.memref_slice %dma_start3A_33[%dma_start3A_24, %dma_start3A_34] : memref<8x128xi32, #tpu.memory_space<vmem>> -> memref<1x128xi32, #tpu.memory_space<vmem>>
    %dma_start3A_36 = tpu.memref_squeeze %dma_start3A_35 : memref<1x128xi32, #tpu.memory_space<vmem>> -> memref<128xi32, #tpu.memory_space<vmem>>
    %dma_start3A_37 = arith.constant 0 : i32
    %dma_start3A_38 = arith.constant 0 : i32
    %dma_start3A_39 = tpu.memref_slice %arg6[%dma_start3A_37, %dma_start3A_38] : memref<1000x128xf32, #tpu.memory_space<hbm>> -> memref<1000x128xf32, #tpu.memory_space<hbm>>
    tpu.enqueue_indirect_dma source(%dma_start3A_39 : memref<1000x128xf32, #tpu.memory_space<hbm>>) target(%dma_start3A_29 : memref<128x128xf32, #tpu.memory_space<vmem>>) offsets(%dma_start3A_36 : memref<128xi32, #tpu.memory_space<vmem>>) semaphore(%arg13 : memref<!tpu.dma_semaphore, #tpu.memory_space<semaphore_mem>>)
    %broadcast_in_dim3A = arith.constant 0.000000e+00 : f32
    %broadcast_in_dim3A_40 = vector.broadcast %broadcast_in_dim3A : f32 to vector<16xf32>
    %scan3A = arith.constant 0 : i32
    %scan3A_41 = arith.constant 32 : i32
    %scan3A_42 = arith.addi %scan3A, %scan3A_41 : i32
    %scan3A_43 = arith.constant 1 : i32
    scf.for %scan3A_867 = %scan3A to %scan3A_42 step %scan3A_43  : i32 {
      %mul3A_868 = arith.constant 1 : i32
      %mul3A_869 = arith.muli %scan3A_867, %mul3A_868 : i32
      %add3A_870 = arith.constant 0 : i32
      %add3A_871 = arith.addi %add3A_870, %mul3A_869 : i32
      %swap3A = arith.index_cast %add3A_871 : i32 to index
      %swap3A_872 = arith.constant 0 : index
      %swap3A_873 = tpu.vector_load %arg11[%swap3A, %swap3A_872] {strides = array<i32>} : memref<32x128xf32, #tpu.memory_space<vmem>>, vector<1x16xf32>,
      %swap3A_874 = vector.shape_cast %swap3A_873 : vector<1x16xf32> to vector<16xf32>
      %swap3A_875 = vector.shape_cast %broadcast_in_dim3A_40 : vector<16xf32> to vector<1x16xf32>
      tpu.vector_store %arg11[%swap3A, %swap3A_872], %swap3A_875 {strides = array<i32>} : memref<32x128xf32, #tpu.memory_space<vmem>>, vector<1x16xf32>,
      %swap3A_876 = arith.index_cast %add3A_871 : i32 to index
      %swap3A_877 = arith.constant 16 : index
      %swap3A_878 = tpu.vector_load %arg11[%swap3A_876, %swap3A_877] {strides = array<i32>} : memref<32x128xf32, #tpu.memory_space<vmem>>, vector<1x16xf32>,
      %swap3A_879 = vector.shape_cast %swap3A_878 : vector<1x16xf32> to vector<16xf32>
      %swap3A_880 = vector.shape_cast %broadcast_in_dim3A_40 : vector<16xf32> to vector<1x16xf32>
      tpu.vector_store %arg11[%swap3A_876, %swap3A_877], %swap3A_880 {strides = array<i32>} : memref<32x128xf32, #tpu.memory_space<vmem>>, vector<1x16xf32>,
      %swap3A_881 = arith.index_cast %add3A_871 : i32 to index
      %swap3A_882 = arith.constant 32 : index
      %swap3A_883 = tpu.vector_load %arg11[%swap3A_881, %swap3A_882] {strides = array<i32>} : memref<32x128xf32, #tpu.memory_space<vmem>>, vector<1x16xf32>,
      %swap3A_884 = vector.shape_cast %swap3A_883 : vector<1x16xf32> to vector<16xf32>
      %swap3A_885 = vector.shape_cast %broadcast_in_dim3A_40 : vector<16xf32> to vector<1x16xf32>
      tpu.vector_store %arg11[%swap3A_881, %swap3A_882], %swap3A_885 {strides = array<i32>} : memref<32x128xf32, #tpu.memory_space<vmem>>, vector<1x16xf32>,
      %swap3A_886 = arith.index_cast %add3A_871 : i32 to index
      %swap3A_887 = arith.constant 48 : index
      %swap3A_888 = tpu.vector_load %arg11[%swap3A_886, %swap3A_887] {strides = array<i32>} : memref<32x128xf32, #tpu.memory_space<vmem>>, vector<1x16xf32>,
      %swap3A_889 = vector.shape_cast %swap3A_888 : vector<1x16xf32> to vector<16xf32>
      %swap3A_890 = vector.shape_cast %broadcast_in_dim3A_40 : vector<16xf32> to vector<1x16xf32>
      tpu.vector_store %arg11[%swap3A_886, %swap3A_887], %swap3A_890 {strides = array<i32>} : memref<32x128xf32, #tpu.memory_space<vmem>>, vector<1x16xf32>,
      %swap3A_891 = arith.index_cast %add3A_871 : i32 to index
      %swap3A_892 = arith.constant 64 : index
      %swap3A_893 = tpu.vector_load %arg11[%swap3A_891, %swap3A_892] {strides = array<i32>} : memref<32x128xf32, #tpu.memory_space<vmem>>, vector<1x16xf32>,
      %swap3A_894 = vector.shape_cast %swap3A_893 : vector<1x16xf32> to vector<16xf32>
      %swap3A_895 = vector.shape_cast %broadcast_in_dim3A_40 : vector<16xf32> to vector<1x16xf32>
      tpu.vector_store %arg11[%swap3A_891, %swap3A_892], %swap3A_895 {strides = array<i32>} : memref<32x128xf32, #tpu.memory_space<vmem>>, vector<1x16xf32>,
      %swap3A_896 = arith.index_cast %add3A_871 : i32 to index
      %swap3A_897 = arith.constant 80 : index
      %swap3A_898 = tpu.vector_load %arg11[%swap3A_896, %swap3A_897] {strides = array<i32>} : memref<32x128xf32, #tpu.memory_space<vmem>>, vector<1x16xf32>,
      %swap3A_899 = vector.shape_cast %swap3A_898 : vector<1x16xf32> to vector<16xf32>
      %swap3A_900 = vector.shape_cast %broadcast_in_dim3A_40 : vector<16xf32> to vector<1x16xf32>
      tpu.vector_store %arg11[%swap3A_896, %swap3A_897], %swap3A_900 {strides = array<i32>} : memref<32x128xf32, #tpu.memory_space<vmem>>, vector<1x16xf32>,
      %swap3A_901 = arith.index_cast %add3A_871 : i32 to index
      %swap3A_902 = arith.constant 96 : index
      %swap3A_903 = tpu.vector_load %arg11[%swap3A_901, %swap3A_902] {strides = array<i32>} : memref<32x128xf32, #tpu.memory_space<vmem>>, vector<1x16xf32>,
      %swap3A_904 = vector.shape_cast %swap3A_903 : vector<1x16xf32> to vector<16xf32>
      %swap3A_905 = vector.shape_cast %broadcast_in_dim3A_40 : vector<16xf32> to vector<1x16xf32>
      tpu.vector_store %arg11[%swap3A_901, %swap3A_902], %swap3A_905 {strides = array<i32>} : memref<32x128xf32, #tpu.memory_space<vmem>>, vector<1x16xf32>,
      %swap3A_906 = arith.index_cast %add3A_871 : i32 to index
      %swap3A_907 = arith.constant 112 : index
      %swap3A_908 = tpu.vector_load %arg11[%swap3A_906, %swap3A_907] {strides = array<i32>} : memref<32x128xf32, #tpu.memory_space<vmem>>, vector<1x16xf32>,
      %swap3A_909 = vector.shape_cast %swap3A_908 : vector<1x16xf32> to vector<16xf32>
      %swap3A_910 = vector.shape_cast %broadcast_in_dim3A_40 : vector<16xf32> to vector<1x16xf32>
      tpu.vector_store %arg11[%swap3A_906, %swap3A_907], %swap3A_910 {strides = array<i32>} : memref<32x128xf32, #tpu.memory_space<vmem>>, vector<1x16xf32>,
    }
    %scan3A_44 = arith.constant 32 : i32
    "tpu.region"() ({
      %run_scoped3A_867 = tpu.sem_alloc : memref<!tpu.dma_semaphore, #tpu.memory_space<semaphore_mem>>
      %dma_start3A_868 = arith.constant 0 : i32
      %dma_start3A_869 = tpu.memref_slice %arg12[%mul3A_2, %dma_start3A_868] : memref<512x128xf32, #tpu.memory_space<vmem_shared>> -> memref<32x128xf32, #tpu.memory_space<vmem_shared>>
      %dma_start3A_870 = arith.constant 0 : i32
      %dma_start3A_871 = tpu.memref_slice %arg12[%mul3A_2, %dma_start3A_870] : memref<512x128xf32, #tpu.memory_space<vmem_shared>> -> memref<32x128xf32, #tpu.memory_space<vmem_shared>>
      tpu.enqueue_dma source(%arg11 : memref<32x128xf32, #tpu.memory_space<vmem>>) target(%dma_start3A_871 : memref<32x128xf32, #tpu.memory_space<vmem_shared>>) target_semaphore(%run_scoped3A_867 : memref<!tpu.dma_semaphore, #tpu.memory_space<semaphore_mem>>)
      %dma_wait3A_872 = arith.constant 0 : i32
      %dma_wait3A_873 = tpu.memref_slice %arg12[%mul3A_2, %dma_wait3A_872] : memref<512x128xf32, #tpu.memory_space<vmem_shared>> -> memref<32x128xf32, #tpu.memory_space<vmem_shared>>
      %dma_wait3A_874 = arith.constant 0 : i32
      %dma_wait3A_875 = tpu.memref_slice %arg12[%mul3A_2, %dma_wait3A_874] : memref<512x128xf32, #tpu.memory_space<vmem_shared>> -> memref<32x128xf32, #tpu.memory_space<vmem_shared>>
      tpu.wait_dma2 semaphore(%run_scoped3A_867 : memref<!tpu.dma_semaphore, #tpu.memory_space<semaphore_mem>>) src(%arg11 : memref<32x128xf32, #tpu.memory_space<vmem>>) dst(%dma_wait3A_875 : memref<32x128xf32, #tpu.memory_space<vmem_shared>>)
      tpu.yield
    }) : () -> ()
    %barrier3A = arith.constant 0 : index
    tpu.barrier barrier_id(%barrier3A)
    %dma_start3A_45 = arith.constant 0 : i32
    %dma_start3A_46 = arith.constant 1 : i32
    %dma_start3A_47 = arith.constant 1 : i32
    %dma_start3A_48 = arith.constant 0 : i32
    %dma_start3A_49 = arith.constant 0 : i32
    %dma_start3A_50 = tpu.memref_slice %arg9[%dma_start3A_47, %dma_start3A_48, %dma_start3A_49] : memref<3x128x128xf32, #tpu.memory_space<vmem>> -> memref<1x128x128xf32, #tpu.memory_space<vmem>>
    %dma_start3A_51 = tpu.memref_squeeze %dma_start3A_50 : memref<1x128x128xf32, #tpu.memory_space<vmem>> -> memref<128x128xf32, #tpu.memory_space<vmem>>
    %dma_start3A_52 = arith.constant 0 : i32
    %dma_start3A_53 = arith.constant 0 : i32
    %dma_start3A_54 = tpu.memref_slice %arg8[%dma_start3A_45, %dma_start3A_52, %dma_start3A_53] : memref<3x8x128xi32, #tpu.memory_space<vmem>> -> memref<1x8x128xi32, #tpu.memory_space<vmem>>
    %dma_start3A_55 = tpu.memref_squeeze %dma_start3A_54 : memref<1x8x128xi32, #tpu.memory_space<vmem>> -> memref<8x128xi32, #tpu.memory_space<vmem>>
    %dma_start3A_56 = arith.constant 0 : i32
    %dma_start3A_57 = tpu.memref_slice %dma_start3A_55[%dma_start3A_46, %dma_start3A_56] : memref<8x128xi32, #tpu.memory_space<vmem>> -> memref<1x128xi32, #tpu.memory_space<vmem>>
    %dma_start3A_58 = tpu.memref_squeeze %dma_start3A_57 : memref<1x128xi32, #tpu.memory_space<vmem>> -> memref<128xi32, #tpu.memory_space<vmem>>
    %dma_start3A_59 = arith.constant 0 : i32
    %dma_start3A_60 = arith.constant 0 : i32
    %dma_start3A_61 = tpu.memref_slice %arg5[%dma_start3A_59, %dma_start3A_60] : memref<100000x128xf32, #tpu.memory_space<hbm>> -> memref<100000x128xf32, #tpu.memory_space<hbm>>
    tpu.enqueue_indirect_dma source(%dma_start3A_61 : memref<100000x128xf32, #tpu.memory_space<hbm>>) target(%dma_start3A_51 : memref<128x128xf32, #tpu.memory_space<vmem>>) offsets(%dma_start3A_58 : memref<128xi32, #tpu.memory_space<vmem>>) semaphore(%arg14 : memref<!tpu.dma_semaphore, #tpu.memory_space<semaphore_mem>>)
    %dma_start3A_62 = arith.constant 1 : i32
    %dma_start3A_63 = arith.constant 1 : i32
    %dma_start3A_64 = arith.constant 1 : i32
    %dma_start3A_65 = arith.constant 0 : i32
    %dma_start3A_66 = arith.constant 0 : i32
    %dma_start3A_67 = tpu.memref_slice %arg10[%dma_start3A_64, %dma_start3A_65, %dma_start3A_66] : memref<3x128x128xf32, #tpu.memory_space<vmem>> -> memref<1x128x128xf32, #tpu.memory_space<vmem>>
    %dma_start3A_68 = tpu.memref_squeeze %dma_start3A_67 : memref<1x128x128xf32, #tpu.memory_space<vmem>> -> memref<128x128xf32, #tpu.memory_space<vmem>>
    %dma_start3A_69 = arith.constant 0 : i32
    %dma_start3A_70 = arith.constant 0 : i32
    %dma_start3A_71 = tpu.memref_slice %arg8[%dma_start3A_62, %dma_start3A_69, %dma_start3A_70] : memref<3x8x128xi32, #tpu.memory_space<vmem>> -> memref<1x8x128xi32, #tpu.memory_space<vmem>>
    %dma_start3A_72 = tpu.memref_squeeze %dma_start3A_71 : memref<1x8x128xi32, #tpu.memory_space<vmem>> -> memref<8x128xi32, #tpu.memory_space<vmem>>
    %dma_start3A_73 = arith.constant 0 : i32
    %dma_start3A_74 = tpu.memref_slice %dma_start3A_72[%dma_start3A_63, %dma_start3A_73] : memref<8x128xi32, #tpu.memory_space<vmem>> -> memref<1x128xi32, #tpu.memory_space<vmem>>
    %dma_start3A_75 = tpu.memref_squeeze %dma_start3A_74 : memref<1x128xi32, #tpu.memory_space<vmem>> -> memref<128xi32, #tpu.memory_space<vmem>>
    %dma_start3A_76 = arith.constant 0 : i32
    %dma_start3A_77 = arith.constant 0 : i32
    %dma_start3A_78 = tpu.memref_slice %arg6[%dma_start3A_76, %dma_start3A_77] : memref<1000x128xf32, #tpu.memory_space<hbm>> -> memref<1000x128xf32, #tpu.memory_space<hbm>>
    tpu.enqueue_indirect_dma source(%dma_start3A_78 : memref<1000x128xf32, #tpu.memory_space<hbm>>) target(%dma_start3A_68 : memref<128x128xf32, #tpu.memory_space<vmem>>) offsets(%dma_start3A_75 : memref<128xi32, #tpu.memory_space<vmem>>) semaphore(%arg14 : memref<!tpu.dma_semaphore, #tpu.memory_space<semaphore_mem>>)
    %dma_wait3A = arith.constant 0 : i32
    %dma_wait3A_79 = arith.constant 0 : i32
    %dma_wait3A_80 = arith.constant 0 : i32
    %dma_wait3A_81 = arith.constant 0 : i32
    %dma_wait3A_82 = arith.constant 0 : i32
    %dma_wait3A_83 = tpu.memref_slice %arg9[%dma_wait3A_80, %dma_wait3A_81, %dma_wait3A_82] : memref<3x128x128xf32, #tpu.memory_space<vmem>> -> memref<1x128x128xf32, #tpu.memory_space<vmem>>
    %dma_wait3A_84 = tpu.memref_squeeze %dma_wait3A_83 : memref<1x128x128xf32, #tpu.memory_space<vmem>> -> memref<128x128xf32, #tpu.memory_space<vmem>>
    %dma_wait3A_85 = arith.constant 0 : i32
    %dma_wait3A_86 = arith.constant 0 : i32
    %dma_wait3A_87 = tpu.memref_slice %arg8[%dma_wait3A, %dma_wait3A_85, %dma_wait3A_86] : memref<3x8x128xi32, #tpu.memory_space<vmem>> -> memref<1x8x128xi32, #tpu.memory_space<vmem>>
    %dma_wait3A_88 = tpu.memref_squeeze %dma_wait3A_87 : memref<1x8x128xi32, #tpu.memory_space<vmem>> -> memref<8x128xi32, #tpu.memory_space<vmem>>
    %dma_wait3A_89 = arith.constant 0 : i32
    %dma_wait3A_90 = tpu.memref_slice %dma_wait3A_88[%dma_wait3A_79, %dma_wait3A_89] : memref<8x128xi32, #tpu.memory_space<vmem>> -> memref<1x128xi32, #tpu.memory_space<vmem>>
    %dma_wait3A_91 = tpu.memref_squeeze %dma_wait3A_90 : memref<1x128xi32, #tpu.memory_space<vmem>> -> memref<128xi32, #tpu.memory_space<vmem>>
    %dma_wait3A_92 = arith.constant 0 : i32
    %dma_wait3A_93 = arith.constant 0 : i32
    %dma_wait3A_94 = tpu.memref_slice %arg5[%dma_wait3A_92, %dma_wait3A_93] : memref<100000x128xf32, #tpu.memory_space<hbm>> -> memref<100000x128xf32, #tpu.memory_space<hbm>>
    tpu.wait_indirect_dma semaphore(%arg13 : memref<!tpu.dma_semaphore, #tpu.memory_space<semaphore_mem>>) src(%dma_wait3A_94 : memref<100000x128xf32, #tpu.memory_space<hbm>>) dst(%dma_wait3A_84 : memref<128x128xf32, #tpu.memory_space<vmem>>)
    %dma_wait3A_95 = arith.constant 1 : i32
    %dma_wait3A_96 = arith.constant 0 : i32
    %dma_wait3A_97 = arith.constant 0 : i32
    %dma_wait3A_98 = arith.constant 0 : i32
    %dma_wait3A_99 = arith.constant 0 : i32
    %dma_wait3A_100 = tpu.memref_slice %arg10[%dma_wait3A_97, %dma_wait3A_98, %dma_wait3A_99] : memref<3x128x128xf32, #tpu.memory_space<vmem>> -> memref<1x128x128xf32, #tpu.memory_space<vmem>>
    %dma_wait3A_101 = tpu.memref_squeeze %dma_wait3A_100 : memref<1x128x128xf32, #tpu.memory_space<vmem>> -> memref<128x128xf32, #tpu.memory_space<vmem>>
    %dma_wait3A_102 = arith.constant 0 : i32
    %dma_wait3A_103 = arith.constant 0 : i32
    %dma_wait3A_104 = tpu.memref_slice %arg8[%dma_wait3A_95, %dma_wait3A_102, %dma_wait3A_103] : memref<3x8x128xi32, #tpu.memory_space<vmem>> -> memref<1x8x128xi32, #tpu.memory_space<vmem>>
    %dma_wait3A_105 = tpu.memref_squeeze %dma_wait3A_104 : memref<1x8x128xi32, #tpu.memory_space<vmem>> -> memref<8x128xi32, #tpu.memory_space<vmem>>
    %dma_wait3A_106 = arith.constant 0 : i32
    %dma_wait3A_107 = tpu.memref_slice %dma_wait3A_105[%dma_wait3A_96, %dma_wait3A_106] : memref<8x128xi32, #tpu.memory_space<vmem>> -> memref<1x128xi32, #tpu.memory_space<vmem>>
    %dma_wait3A_108 = tpu.memref_squeeze %dma_wait3A_107 : memref<1x128xi32, #tpu.memory_space<vmem>> -> memref<128xi32, #tpu.memory_space<vmem>>
    %dma_wait3A_109 = arith.constant 0 : i32
    %dma_wait3A_110 = arith.constant 0 : i32
    %dma_wait3A_111 = tpu.memref_slice %arg6[%dma_wait3A_109, %dma_wait3A_110] : memref<1000x128xf32, #tpu.memory_space<hbm>> -> memref<1000x128xf32, #tpu.memory_space<hbm>>
    tpu.wait_indirect_dma semaphore(%arg13 : memref<!tpu.dma_semaphore, #tpu.memory_space<semaphore_mem>>) src(%dma_wait3A_111 : memref<1000x128xf32, #tpu.memory_space<hbm>>) dst(%dma_wait3A_101 : memref<128x128xf32, #tpu.memory_space<vmem>>)
    %scan3A_112 = arith.constant 0 : i32
    %scan3A_113 = arith.constant 128 : i32
    %scan3A_114 = arith.addi %scan3A_112, %scan3A_113 : i32
    %scan3A_115 = arith.constant 1 : i32
    scf.for %scan3A_867 = %scan3A_112 to %scan3A_114 step %scan3A_115  : i32 {
      %mul3A_868 = arith.constant 1 : i32
      %mul3A_869 = arith.muli %scan3A_867, %mul3A_868 : i32
      %add3A_870 = arith.constant 0 : i32
      %add3A_871 = arith.addi %add3A_870, %mul3A_869 : i32
      %get3A = arith.constant 0 : i32
      %get3A_872 = arith.index_cast %get3A : i32 to index
      %get3A_873 = arith.index_cast %add3A_871 : i32 to index
      %get3A_874 = arith.constant 0 : index
      %get3A_875 = tpu.vector_load %arg9[%get3A_872, %get3A_873, %get3A_874] {strides = array<i32>} : memref<3x128x128xf32, #tpu.memory_space<vmem>>, vector<1x1x16xf32>,
      %get3A_876 = vector.shape_cast %get3A_875 : vector<1x1x16xf32> to vector<16xf32>
      %get3A_877 = arith.constant 0 : i32
      %get3A_878 = arith.index_cast %get3A_877 : i32 to index
      %get3A_879 = arith.index_cast %add3A_871 : i32 to index
      %get3A_880 = arith.constant 0 : index
      %get3A_881 = tpu.vector_load %arg10[%get3A_878, %get3A_879, %get3A_880] {strides = array<i32>} : memref<3x128x128xf32, #tpu.memory_space<vmem>>, vector<1x1x16xf32>,
      %get3A_882 = vector.shape_cast %get3A_881 : vector<1x1x16xf32> to vector<16xf32>
      %add3A_883 = arith.addf %get3A_876, %get3A_882 : vector<16xf32>
      %swap3A = arith.constant 0 : i32
      %swap3A_884 = arith.index_cast %swap3A : i32 to index
      %swap3A_885 = arith.index_cast %add3A_871 : i32 to index
      %swap3A_886 = arith.constant 0 : index
      %swap3A_887 = tpu.vector_load %arg9[%swap3A_884, %swap3A_885, %swap3A_886] {strides = array<i32>} : memref<3x128x128xf32, #tpu.memory_space<vmem>>, vector<1x1x16xf32>,
      %swap3A_888 = vector.shape_cast %swap3A_887 : vector<1x1x16xf32> to vector<16xf32>
      %swap3A_889 = vector.shape_cast %add3A_883 : vector<16xf32> to vector<1x1x16xf32>
      tpu.vector_store %arg9[%swap3A_884, %swap3A_885, %swap3A_886], %swap3A_889 {strides = array<i32>} : memref<3x128x128xf32, #tpu.memory_space<vmem>>, vector<1x1x16xf32>,
      %get3A_890 = arith.constant 0 : i32
      %get3A_891 = arith.index_cast %get3A_890 : i32 to index
      %get3A_892 = arith.index_cast %add3A_871 : i32 to index
      %get3A_893 = arith.constant 16 : index
      %get3A_894 = tpu.vector_load %arg9[%get3A_891, %get3A_892, %get3A_893] {strides = array<i32>} : memref<3x128x128xf32, #tpu.memory_space<vmem>>, vector<1x1x16xf32>,
      %get3A_895 = vector.shape_cast %get3A_894 : vector<1x1x16xf32> to vector<16xf32>
      %get3A_896 = arith.constant 0 : i32
      %get3A_897 = arith.index_cast %get3A_896 : i32 to index
      %get3A_898 = arith.index_cast %add3A_871 : i32 to index
      %get3A_899 = arith.constant 16 : index
      %get3A_900 = tpu.vector_load %arg10[%get3A_897, %get3A_898, %get3A_899] {strides = array<i32>} : memref<3x128x128xf32, #tpu.memory_space<vmem>>, vector<1x1x16xf32>,
      %get3A_901 = vector.shape_cast %get3A_900 : vector<1x1x16xf32> to vector<16xf32>
      %add3A_902 = arith.addf %get3A_895, %get3A_901 : vector<16xf32>
      %swap3A_903 = arith.constant 0 : i32
      %swap3A_904 = arith.index_cast %swap3A_903 : i32 to index
      %swap3A_905 = arith.index_cast %add3A_871 : i32 to index
      %swap3A_906 = arith.constant 16 : index
      %swap3A_907 = tpu.vector_load %arg9[%swap3A_904, %swap3A_905, %swap3A_906] {strides = array<i32>} : memref<3x128x128xf32, #tpu.memory_space<vmem>>, vector<1x1x16xf32>,
      %swap3A_908 = vector.shape_cast %swap3A_907 : vector<1x1x16xf32> to vector<16xf32>
      %swap3A_909 = vector.shape_cast %add3A_902 : vector<16xf32> to vector<1x1x16xf32>
      tpu.vector_store %arg9[%swap3A_904, %swap3A_905, %swap3A_906], %swap3A_909 {strides = array<i32>} : memref<3x128x128xf32, #tpu.memory_space<vmem>>, vector<1x1x16xf32>,
      %get3A_910 = arith.constant 0 : i32
      %get3A_911 = arith.index_cast %get3A_910 : i32 to index
      %get3A_912 = arith.index_cast %add3A_871 : i32 to index
      %get3A_913 = arith.constant 32 : index
      %get3A_914 = tpu.vector_load %arg9[%get3A_911, %get3A_912, %get3A_913] {strides = array<i32>} : memref<3x128x128xf32, #tpu.memory_space<vmem>>, vector<1x1x16xf32>,
      %get3A_915 = vector.shape_cast %get3A_914 : vector<1x1x16xf32> to vector<16xf32>
      %get3A_916 = arith.constant 0 : i32
      %get3A_917 = arith.index_cast %get3A_916 : i32 to index
      %get3A_918 = arith.index_cast %add3A_871 : i32 to index
      %get3A_919 = arith.constant 32 : index
      %get3A_920 = tpu.vector_load %arg10[%get3A_917, %get3A_918, %get3A_919] {strides = array<i32>} : memref<3x128x128xf32, #tpu.memory_space<vmem>>, vector<1x1x16xf32>,
      %get3A_921 = vector.shape_cast %get3A_920 : vector<1x1x16xf32> to vector<16xf32>
      %add3A_922 = arith.addf %get3A_915, %get3A_921 : vector<16xf32>
      %swap3A_923 = arith.constant 0 : i32
      %swap3A_924 = arith.index_cast %swap3A_923 : i32 to index
      %swap3A_925 = arith.index_cast %add3A_871 : i32 to index
      %swap3A_926 = arith.constant 32 : index
      %swap3A_927 = tpu.vector_load %arg9[%swap3A_924, %swap3A_925, %swap3A_926] {strides = array<i32>} : memref<3x128x128xf32, #tpu.memory_space<vmem>>, vector<1x1x16xf32>,
      %swap3A_928 = vector.shape_cast %swap3A_927 : vector<1x1x16xf32> to vector<16xf32>
      %swap3A_929 = vector.shape_cast %add3A_922 : vector<16xf32> to vector<1x1x16xf32>
      tpu.vector_store %arg9[%swap3A_924, %swap3A_925, %swap3A_926], %swap3A_929 {strides = array<i32>} : memref<3x128x128xf32, #tpu.memory_space<vmem>>, vector<1x1x16xf32>,
      %get3A_930 = arith.constant 0 : i32
      %get3A_931 = arith.index_cast %get3A_930 : i32 to index
      %get3A_932 = arith.index_cast %add3A_871 : i32 to index
      %get3A_933 = arith.constant 48 : index
      %get3A_934 = tpu.vector_load %arg9[%get3A_931, %get3A_932, %get3A_933] {strides = array<i32>} : memref<3x128x128xf32, #tpu.memory_space<vmem>>, vector<1x1x16xf32>,
      %get3A_935 = vector.shape_cast %get3A_934 : vector<1x1x16xf32> to vector<16xf32>
      %get3A_936 = arith.constant 0 : i32
      %get3A_937 = arith.index_cast %get3A_936 : i32 to index
      %get3A_938 = arith.index_cast %add3A_871 : i32 to index
      %get3A_939 = arith.constant 48 : index
      %get3A_940 = tpu.vector_load %arg10[%get3A_937, %get3A_938, %get3A_939] {strides = array<i32>} : memref<3x128x128xf32, #tpu.memory_space<vmem>>, vector<1x1x16xf32>,
      %get3A_941 = vector.shape_cast %get3A_940 : vector<1x1x16xf32> to vector<16xf32>
      %add3A_942 = arith.addf %get3A_935, %get3A_941 : vector<16xf32>
      %swap3A_943 = arith.constant 0 : i32
      %swap3A_944 = arith.index_cast %swap3A_943 : i32 to index
      %swap3A_945 = arith.index_cast %add3A_871 : i32 to index
      %swap3A_946 = arith.constant 48 : index
      %swap3A_947 = tpu.vector_load %arg9[%swap3A_944, %swap3A_945, %swap3A_946] {strides = array<i32>} : memref<3x128x128xf32, #tpu.memory_space<vmem>>, vector<1x1x16xf32>,
      %swap3A_948 = vector.shape_cast %swap3A_947 : vector<1x1x16xf32> to vector<16xf32>
      %swap3A_949 = vector.shape_cast %add3A_942 : vector<16xf32> to vector<1x1x16xf32>
      tpu.vector_store %arg9[%swap3A_944, %swap3A_945, %swap3A_946], %swap3A_949 {strides = array<i32>} : memref<3x128x128xf32, #tpu.memory_space<vmem>>, vector<1x1x16xf32>,
      %get3A_950 = arith.constant 0 : i32
      %get3A_951 = arith.index_cast %get3A_950 : i32 to index
      %get3A_952 = arith.index_cast %add3A_871 : i32 to index
      %get3A_953 = arith.constant 64 : index
      %get3A_954 = tpu.vector_load %arg9[%get3A_951, %get3A_952, %get3A_953] {strides = array<i32>} : memref<3x128x128xf32, #tpu.memory_space<vmem>>, vector<1x1x16xf32>,
      %get3A_955 = vector.shape_cast %get3A_954 : vector<1x1x16xf32> to vector<16xf32>
      %get3A_956 = arith.constant 0 : i32
      %get3A_957 = arith.index_cast %get3A_956 : i32 to index
      %get3A_958 = arith.index_cast %add3A_871 : i32 to index
      %get3A_959 = arith.constant 64 : index
      %get3A_960 = tpu.vector_load %arg10[%get3A_957, %get3A_958, %get3A_959] {strides = array<i32>} : memref<3x128x128xf32, #tpu.memory_space<vmem>>, vector<1x1x16xf32>,
      %get3A_961 = vector.shape_cast %get3A_960 : vector<1x1x16xf32> to vector<16xf32>
      %add3A_962 = arith.addf %get3A_955, %get3A_961 : vector<16xf32>
      %swap3A_963 = arith.constant 0 : i32
      %swap3A_964 = arith.index_cast %swap3A_963 : i32 to index
      %swap3A_965 = arith.index_cast %add3A_871 : i32 to index
      %swap3A_966 = arith.constant 64 : index
      %swap3A_967 = tpu.vector_load %arg9[%swap3A_964, %swap3A_965, %swap3A_966] {strides = array<i32>} : memref<3x128x128xf32, #tpu.memory_space<vmem>>, vector<1x1x16xf32>,
      %swap3A_968 = vector.shape_cast %swap3A_967 : vector<1x1x16xf32> to vector<16xf32>
      %swap3A_969 = vector.shape_cast %add3A_962 : vector<16xf32> to vector<1x1x16xf32>
      tpu.vector_store %arg9[%swap3A_964, %swap3A_965, %swap3A_966], %swap3A_969 {strides = array<i32>} : memref<3x128x128xf32, #tpu.memory_space<vmem>>, vector<1x1x16xf32>,
      %get3A_970 = arith.constant 0 : i32
      %get3A_971 = arith.index_cast %get3A_970 : i32 to index
      %get3A_972 = arith.index_cast %add3A_871 : i32 to index
      %get3A_973 = arith.constant 80 : index
      %get3A_974 = tpu.vector_load %arg9[%get3A_971, %get3A_972, %get3A_973] {strides = array<i32>} : memref<3x128x128xf32, #tpu.memory_space<vmem>>, vector<1x1x16xf32>,
      %get3A_975 = vector.shape_cast %get3A_974 : vector<1x1x16xf32> to vector<16xf32>
      %get3A_976 = arith.constant 0 : i32
      %get3A_977 = arith.index_cast %get3A_976 : i32 to index
      %get3A_978 = arith.index_cast %add3A_871 : i32 to index
      %get3A_979 = arith.constant 80 : index
      %get3A_980 = tpu.vector_load %arg10[%get3A_977, %get3A_978, %get3A_979] {strides = array<i32>} : memref<3x128x128xf32, #tpu.memory_space<vmem>>, vector<1x1x16xf32>,
      %get3A_981 = vector.shape_cast %get3A_980 : vector<1x1x16xf32> to vector<16xf32>
      %add3A_982 = arith.addf %get3A_975, %get3A_981 : vector<16xf32>
      %swap3A_983 = arith.constant 0 : i32
      %swap3A_984 = arith.index_cast %swap3A_983 : i32 to index
      %swap3A_985 = arith.index_cast %add3A_871 : i32 to index
      %swap3A_986 = arith.constant 80 : index
      %swap3A_987 = tpu.vector_load %arg9[%swap3A_984, %swap3A_985, %swap3A_986] {strides = array<i32>} : memref<3x128x128xf32, #tpu.memory_space<vmem>>, vector<1x1x16xf32>,
      %swap3A_988 = vector.shape_cast %swap3A_987 : vector<1x1x16xf32> to vector<16xf32>
      %swap3A_989 = vector.shape_cast %add3A_982 : vector<16xf32> to vector<1x1x16xf32>
      tpu.vector_store %arg9[%swap3A_984, %swap3A_985, %swap3A_986], %swap3A_989 {strides = array<i32>} : memref<3x128x128xf32, #tpu.memory_space<vmem>>, vector<1x1x16xf32>,
      %get3A_990 = arith.constant 0 : i32
      %get3A_991 = arith.index_cast %get3A_990 : i32 to index
      %get3A_992 = arith.index_cast %add3A_871 : i32 to index
      %get3A_993 = arith.constant 96 : index
      %get3A_994 = tpu.vector_load %arg9[%get3A_991, %get3A_992, %get3A_993] {strides = array<i32>} : memref<3x128x128xf32, #tpu.memory_space<vmem>>, vector<1x1x16xf32>,
      %get3A_995 = vector.shape_cast %get3A_994 : vector<1x1x16xf32> to vector<16xf32>
      %get3A_996 = arith.constant 0 : i32
      %get3A_997 = arith.index_cast %get3A_996 : i32 to index
      %get3A_998 = arith.index_cast %add3A_871 : i32 to index
      %get3A_999 = arith.constant 96 : index
      %get3A_1000 = tpu.vector_load %arg10[%get3A_997, %get3A_998, %get3A_999] {strides = array<i32>} : memref<3x128x128xf32, #tpu.memory_space<vmem>>, vector<1x1x16xf32>,
      %get3A_1001 = vector.shape_cast %get3A_1000 : vector<1x1x16xf32> to vector<16xf32>
      %add3A_1002 = arith.addf %get3A_995, %get3A_1001 : vector<16xf32>
      %swap3A_1003 = arith.constant 0 : i32
      %swap3A_1004 = arith.index_cast %swap3A_1003 : i32 to index
      %swap3A_1005 = arith.index_cast %add3A_871 : i32 to index
      %swap3A_1006 = arith.constant 96 : index
      %swap3A_1007 = tpu.vector_load %arg9[%swap3A_1004, %swap3A_1005, %swap3A_1006] {strides = array<i32>} : memref<3x128x128xf32, #tpu.memory_space<vmem>>, vector<1x1x16xf32>,
      %swap3A_1008 = vector.shape_cast %swap3A_1007 : vector<1x1x16xf32> to vector<16xf32>
      %swap3A_1009 = vector.shape_cast %add3A_1002 : vector<16xf32> to vector<1x1x16xf32>
      tpu.vector_store %arg9[%swap3A_1004, %swap3A_1005, %swap3A_1006], %swap3A_1009 {strides = array<i32>} : memref<3x128x128xf32, #tpu.memory_space<vmem>>, vector<1x1x16xf32>,
      %get3A_1010 = arith.constant 0 : i32
      %get3A_1011 = arith.index_cast %get3A_1010 : i32 to index
      %get3A_1012 = arith.index_cast %add3A_871 : i32 to index
      %get3A_1013 = arith.constant 112 : index
      %get3A_1014 = tpu.vector_load %arg9[%get3A_1011, %get3A_1012, %get3A_1013] {strides = array<i32>} : memref<3x128x128xf32, #tpu.memory_space<vmem>>, vector<1x1x16xf32>,
      %get3A_1015 = vector.shape_cast %get3A_1014 : vector<1x1x16xf32> to vector<16xf32>
      %get3A_1016 = arith.constant 0 : i32
      %get3A_1017 = arith.index_cast %get3A_1016 : i32 to index
      %get3A_1018 = arith.index_cast %add3A_871 : i32 to index
      %get3A_1019 = arith.constant 112 : index
      %get3A_1020 = tpu.vector_load %arg10[%get3A_1017, %get3A_1018, %get3A_1019] {strides = array<i32>} : memref<3x128x128xf32, #tpu.memory_space<vmem>>, vector<1x1x16xf32>,
      %get3A_1021 = vector.shape_cast %get3A_1020 : vector<1x1x16xf32> to vector<16xf32>
      %add3A_1022 = arith.addf %get3A_1015, %get3A_1021 : vector<16xf32>
      %swap3A_1023 = arith.constant 0 : i32
      %swap3A_1024 = arith.index_cast %swap3A_1023 : i32 to index
      %swap3A_1025 = arith.index_cast %add3A_871 : i32 to index
      %swap3A_1026 = arith.constant 112 : index
      %swap3A_1027 = tpu.vector_load %arg9[%swap3A_1024, %swap3A_1025, %swap3A_1026] {strides = array<i32>} : memref<3x128x128xf32, #tpu.memory_space<vmem>>, vector<1x1x16xf32>,
      %swap3A_1028 = vector.shape_cast %swap3A_1027 : vector<1x1x16xf32> to vector<16xf32>
      %swap3A_1029 = vector.shape_cast %add3A_1022 : vector<16xf32> to vector<1x1x16xf32>
      tpu.vector_store %arg9[%swap3A_1024, %swap3A_1025, %swap3A_1026], %swap3A_1029 {strides = array<i32>} : memref<3x128x128xf32, #tpu.memory_space<vmem>>, vector<1x1x16xf32>,
    }
    %scan3A_116 = arith.constant 128 : i32
    %dma_start3A_117 = arith.constant 0 : i32
    %dma_start3A_118 = arith.constant 2 : i32
    %dma_start3A_119 = arith.constant 0 : i32
    %dma_start3A_120 = arith.constant 0 : i32
    %dma_start3A_121 = arith.constant 0 : i32
    %dma_start3A_122 = tpu.memref_slice %arg9[%dma_start3A_117, %dma_start3A_120, %dma_start3A_121] : memref<3x128x128xf32, #tpu.memory_space<vmem>> -> memref<1x128x128xf32, #tpu.memory_space<vmem>>
    %dma_start3A_123 = tpu.memref_squeeze %dma_start3A_122 : memref<1x128x128xf32, #tpu.memory_space<vmem>> -> memref<128x128xf32, #tpu.memory_space<vmem>>
    %dma_start3A_124 = arith.constant 0 : i32
    %dma_start3A_125 = arith.constant 0 : i32
    %dma_start3A_126 = tpu.memref_slice %arg8[%dma_start3A_118, %dma_start3A_124, %dma_start3A_125] : memref<3x8x128xi32, #tpu.memory_space<vmem>> -> memref<1x8x128xi32, #tpu.memory_space<vmem>>
    %dma_start3A_127 = tpu.memref_squeeze %dma_start3A_126 : memref<1x8x128xi32, #tpu.memory_space<vmem>> -> memref<8x128xi32, #tpu.memory_space<vmem>>
    %dma_start3A_128 = arith.constant 0 : i32
    %dma_start3A_129 = tpu.memref_slice %dma_start3A_127[%dma_start3A_119, %dma_start3A_128] : memref<8x128xi32, #tpu.memory_space<vmem>> -> memref<1x128xi32, #tpu.memory_space<vmem>>
    %dma_start3A_130 = tpu.memref_squeeze %dma_start3A_129 : memref<1x128xi32, #tpu.memory_space<vmem>> -> memref<128xi32, #tpu.memory_space<vmem>>
    %dma_start3A_131 = arith.constant 0 : i32
    %dma_start3A_132 = arith.constant 0 : i32
    %dma_start3A_133 = tpu.memref_slice %arg12[%dma_start3A_131, %dma_start3A_132] : memref<512x128xf32, #tpu.memory_space<vmem_shared>> -> memref<512x128xf32, #tpu.memory_space<vmem_shared>>
    tpu.enqueue_indirect_dma source(%dma_start3A_123 : memref<128x128xf32, #tpu.memory_space<vmem>>) target(%dma_start3A_133 : memref<512x128xf32, #tpu.memory_space<vmem_shared>>) offsets(%dma_start3A_130 : memref<128xi32, #tpu.memory_space<vmem>>) semaphore(%arg16 : memref<!tpu.dma_semaphore, #tpu.memory_space<semaphore_mem>>) {add = true}
    %dma_start3A_134 = arith.constant 0 : i32
    %dma_start3A_135 = arith.constant 2 : i32
    %dma_start3A_136 = arith.constant 2 : i32
    %dma_start3A_137 = arith.constant 0 : i32
    %dma_start3A_138 = arith.constant 0 : i32
    %dma_start3A_139 = tpu.memref_slice %arg9[%dma_start3A_136, %dma_start3A_137, %dma_start3A_138] : memref<3x128x128xf32, #tpu.memory_space<vmem>> -> memref<1x128x128xf32, #tpu.memory_space<vmem>>
    %dma_start3A_140 = tpu.memref_squeeze %dma_start3A_139 : memref<1x128x128xf32, #tpu.memory_space<vmem>> -> memref<128x128xf32, #tpu.memory_space<vmem>>
    %dma_start3A_141 = arith.constant 0 : i32
    %dma_start3A_142 = arith.constant 0 : i32
    %dma_start3A_143 = tpu.memref_slice %arg8[%dma_start3A_134, %dma_start3A_141, %dma_start3A_142] : memref<3x8x128xi32, #tpu.memory_space<vmem>> -> memref<1x8x128xi32, #tpu.memory_space<vmem>>
    %dma_start3A_144 = tpu.memref_squeeze %dma_start3A_143 : memref<1x8x128xi32, #tpu.memory_space<vmem>> -> memref<8x128xi32, #tpu.memory_space<vmem>>
    %dma_start3A_145 = arith.constant 0 : i32
    %dma_start3A_146 = tpu.memref_slice %dma_start3A_144[%dma_start3A_135, %dma_start3A_145] : memref<8x128xi32, #tpu.memory_space<vmem>> -> memref<1x128xi32, #tpu.memory_space<vmem>>
    %dma_start3A_147 = tpu.memref_squeeze %dma_start3A_146 : memref<1x128xi32, #tpu.memory_space<vmem>> -> memref<128xi32, #tpu.memory_space<vmem>>
    %dma_start3A_148 = arith.constant 0 : i32
    %dma_start3A_149 = arith.constant 0 : i32
    %dma_start3A_150 = tpu.memref_slice %arg5[%dma_start3A_148, %dma_start3A_149] : memref<100000x128xf32, #tpu.memory_space<hbm>> -> memref<100000x128xf32, #tpu.memory_space<hbm>>
    tpu.enqueue_indirect_dma source(%dma_start3A_150 : memref<100000x128xf32, #tpu.memory_space<hbm>>) target(%dma_start3A_140 : memref<128x128xf32, #tpu.memory_space<vmem>>) offsets(%dma_start3A_147 : memref<128xi32, #tpu.memory_space<vmem>>) semaphore(%arg15 : memref<!tpu.dma_semaphore, #tpu.memory_space<semaphore_mem>>)
    %dma_start3A_151 = arith.constant 1 : i32
    %dma_start3A_152 = arith.constant 2 : i32
    %dma_start3A_153 = arith.constant 2 : i32
    %dma_start3A_154 = arith.constant 0 : i32
    %dma_start3A_155 = arith.constant 0 : i32
    %dma_start3A_156 = tpu.memref_slice %arg10[%dma_start3A_153, %dma_start3A_154, %dma_start3A_155] : memref<3x128x128xf32, #tpu.memory_space<vmem>> -> memref<1x128x128xf32, #tpu.memory_space<vmem>>
    %dma_start3A_157 = tpu.memref_squeeze %dma_start3A_156 : memref<1x128x128xf32, #tpu.memory_space<vmem>> -> memref<128x128xf32, #tpu.memory_space<vmem>>
    %dma_start3A_158 = arith.constant 0 : i32
    %dma_start3A_159 = arith.constant 0 : i32
    %dma_start3A_160 = tpu.memref_slice %arg8[%dma_start3A_151, %dma_start3A_158, %dma_start3A_159] : memref<3x8x128xi32, #tpu.memory_space<vmem>> -> memref<1x8x128xi32, #tpu.memory_space<vmem>>
    %dma_start3A_161 = tpu.memref_squeeze %dma_start3A_160 : memref<1x8x128xi32, #tpu.memory_space<vmem>> -> memref<8x128xi32, #tpu.memory_space<vmem>>
    %dma_start3A_162 = arith.constant 0 : i32
    %dma_start3A_163 = tpu.memref_slice %dma_start3A_161[%dma_start3A_152, %dma_start3A_162] : memref<8x128xi32, #tpu.memory_space<vmem>> -> memref<1x128xi32, #tpu.memory_space<vmem>>
    %dma_start3A_164 = tpu.memref_squeeze %dma_start3A_163 : memref<1x128xi32, #tpu.memory_space<vmem>> -> memref<128xi32, #tpu.memory_space<vmem>>
    %dma_start3A_165 = arith.constant 0 : i32
    %dma_start3A_166 = arith.constant 0 : i32
    %dma_start3A_167 = tpu.memref_slice %arg6[%dma_start3A_165, %dma_start3A_166] : memref<1000x128xf32, #tpu.memory_space<hbm>> -> memref<1000x128xf32, #tpu.memory_space<hbm>>
    tpu.enqueue_indirect_dma source(%dma_start3A_167 : memref<1000x128xf32, #tpu.memory_space<hbm>>) target(%dma_start3A_157 : memref<128x128xf32, #tpu.memory_space<vmem>>) offsets(%dma_start3A_164 : memref<128xi32, #tpu.memory_space<vmem>>) semaphore(%arg15 : memref<!tpu.dma_semaphore, #tpu.memory_space<semaphore_mem>>)
    %dma_wait3A_168 = arith.constant 0 : i32
    %dma_wait3A_169 = arith.constant 1 : i32
    %dma_wait3A_170 = arith.constant 1 : i32
    %dma_wait3A_171 = arith.constant 0 : i32
    %dma_wait3A_172 = arith.constant 0 : i32
    %dma_wait3A_173 = tpu.memref_slice %arg9[%dma_wait3A_170, %dma_wait3A_171, %dma_wait3A_172] : memref<3x128x128xf32, #tpu.memory_space<vmem>> -> memref<1x128x128xf32, #tpu.memory_space<vmem>>
    %dma_wait3A_174 = tpu.memref_squeeze %dma_wait3A_173 : memref<1x128x128xf32, #tpu.memory_space<vmem>> -> memref<128x128xf32, #tpu.memory_space<vmem>>
    %dma_wait3A_175 = arith.constant 0 : i32
    %dma_wait3A_176 = arith.constant 0 : i32
    %dma_wait3A_177 = tpu.memref_slice %arg8[%dma_wait3A_168, %dma_wait3A_175, %dma_wait3A_176] : memref<3x8x128xi32, #tpu.memory_space<vmem>> -> memref<1x8x128xi32, #tpu.memory_space<vmem>>
    %dma_wait3A_178 = tpu.memref_squeeze %dma_wait3A_177 : memref<1x8x128xi32, #tpu.memory_space<vmem>> -> memref<8x128xi32, #tpu.memory_space<vmem>>
    %dma_wait3A_179 = arith.constant 0 : i32
    %dma_wait3A_180 = tpu.memref_slice %dma_wait3A_178[%dma_wait3A_169, %dma_wait3A_179] : memref<8x128xi32, #tpu.memory_space<vmem>> -> memref<1x128xi32, #tpu.memory_space<vmem>>
    %dma_wait3A_181 = tpu.memref_squeeze %dma_wait3A_180 : memref<1x128xi32, #tpu.memory_space<vmem>> -> memref<128xi32, #tpu.memory_space<vmem>>
    %dma_wait3A_182 = arith.constant 0 : i32
    %dma_wait3A_183 = arith.constant 0 : i32
    %dma_wait3A_184 = tpu.memref_slice %arg5[%dma_wait3A_182, %dma_wait3A_183] : memref<100000x128xf32, #tpu.memory_space<hbm>> -> memref<100000x128xf32, #tpu.memory_space<hbm>>
    tpu.wait_indirect_dma semaphore(%arg14 : memref<!tpu.dma_semaphore, #tpu.memory_space<semaphore_mem>>) src(%dma_wait3A_184 : memref<100000x128xf32, #tpu.memory_space<hbm>>) dst(%dma_wait3A_174 : memref<128x128xf32, #tpu.memory_space<vmem>>)
    %dma_wait3A_185 = arith.constant 1 : i32
    %dma_wait3A_186 = arith.constant 1 : i32
    %dma_wait3A_187 = arith.constant 1 : i32
    %dma_wait3A_188 = arith.constant 0 : i32
    %dma_wait3A_189 = arith.constant 0 : i32
    %dma_wait3A_190 = tpu.memref_slice %arg10[%dma_wait3A_187, %dma_wait3A_188, %dma_wait3A_189] : memref<3x128x128xf32, #tpu.memory_space<vmem>> -> memref<1x128x128xf32, #tpu.memory_space<vmem>>
    %dma_wait3A_191 = tpu.memref_squeeze %dma_wait3A_190 : memref<1x128x128xf32, #tpu.memory_space<vmem>> -> memref<128x128xf32, #tpu.memory_space<vmem>>
    %dma_wait3A_192 = arith.constant 0 : i32
    %dma_wait3A_193 = arith.constant 0 : i32
    %dma_wait3A_194 = tpu.memref_slice %arg8[%dma_wait3A_185, %dma_wait3A_192, %dma_wait3A_193] : memref<3x8x128xi32, #tpu.memory_space<vmem>> -> memref<1x8x128xi32, #tpu.memory_space<vmem>>
    %dma_wait3A_195 = tpu.memref_squeeze %dma_wait3A_194 : memref<1x8x128xi32, #tpu.memory_space<vmem>> -> memref<8x128xi32, #tpu.memory_space<vmem>>
    %dma_wait3A_196 = arith.constant 0 : i32
    %dma_wait3A_197 = tpu.memref_slice %dma_wait3A_195[%dma_wait3A_186, %dma_wait3A_196] : memref<8x128xi32, #tpu.memory_space<vmem>> -> memref<1x128xi32, #tpu.memory_space<vmem>>
    %dma_wait3A_198 = tpu.memref_squeeze %dma_wait3A_197 : memref<1x128xi32, #tpu.memory_space<vmem>> -> memref<128xi32, #tpu.memory_space<vmem>>
    %dma_wait3A_199 = arith.constant 0 : i32
    %dma_wait3A_200 = arith.constant 0 : i32
    %dma_wait3A_201 = tpu.memref_slice %arg6[%dma_wait3A_199, %dma_wait3A_200] : memref<1000x128xf32, #tpu.memory_space<hbm>> -> memref<1000x128xf32, #tpu.memory_space<hbm>>
    tpu.wait_indirect_dma semaphore(%arg14 : memref<!tpu.dma_semaphore, #tpu.memory_space<semaphore_mem>>) src(%dma_wait3A_201 : memref<1000x128xf32, #tpu.memory_space<hbm>>) dst(%dma_wait3A_191 : memref<128x128xf32, #tpu.memory_space<vmem>>)
    %scan3A_202 = arith.constant 0 : i32
    %scan3A_203 = arith.constant 128 : i32
    %scan3A_204 = arith.addi %scan3A_202, %scan3A_203 : i32
    %scan3A_205 = arith.constant 1 : i32
    scf.for %scan3A_867 = %scan3A_202 to %scan3A_204 step %scan3A_205  : i32 {
      %mul3A_868 = arith.constant 1 : i32
      %mul3A_869 = arith.muli %scan3A_867, %mul3A_868 : i32
      %add3A_870 = arith.constant 0 : i32
      %add3A_871 = arith.addi %add3A_870, %mul3A_869 : i32
      %get3A = arith.constant 1 : i32
      %get3A_872 = arith.index_cast %get3A : i32 to index
      %get3A_873 = arith.index_cast %add3A_871 : i32 to index
      %get3A_874 = arith.constant 0 : index
      %get3A_875 = tpu.vector_load %arg9[%get3A_872, %get3A_873, %get3A_874] {strides = array<i32>} : memref<3x128x128xf32, #tpu.memory_space<vmem>>, vector<1x1x16xf32>,
      %get3A_876 = vector.shape_cast %get3A_875 : vector<1x1x16xf32> to vector<16xf32>
      %get3A_877 = arith.constant 1 : i32
      %get3A_878 = arith.index_cast %get3A_877 : i32 to index
      %get3A_879 = arith.index_cast %add3A_871 : i32 to index
      %get3A_880 = arith.constant 0 : index
      %get3A_881 = tpu.vector_load %arg10[%get3A_878, %get3A_879, %get3A_880] {strides = array<i32>} : memref<3x128x128xf32, #tpu.memory_space<vmem>>, vector<1x1x16xf32>,
      %get3A_882 = vector.shape_cast %get3A_881 : vector<1x1x16xf32> to vector<16xf32>
      %add3A_883 = arith.addf %get3A_876, %get3A_882 : vector<16xf32>
      %swap3A = arith.constant 1 : i32
      %swap3A_884 = arith.index_cast %swap3A : i32 to index
      %swap3A_885 = arith.index_cast %add3A_871 : i32 to index
      %swap3A_886 = arith.constant 0 : index
      %swap3A_887 = tpu.vector_load %arg9[%swap3A_884, %swap3A_885, %swap3A_886] {strides = array<i32>} : memref<3x128x128xf32, #tpu.memory_space<vmem>>, vector<1x1x16xf32>,
      %swap3A_888 = vector.shape_cast %swap3A_887 : vector<1x1x16xf32> to vector<16xf32>
      %swap3A_889 = vector.shape_cast %add3A_883 : vector<16xf32> to vector<1x1x16xf32>
      tpu.vector_store %arg9[%swap3A_884, %swap3A_885, %swap3A_886], %swap3A_889 {strides = array<i32>} : memref<3x128x128xf32, #tpu.memory_space<vmem>>, vector<1x1x16xf32>,
      %get3A_890 = arith.constant 1 : i32
      %get3A_891 = arith.index_cast %get3A_890 : i32 to index
      %get3A_892 = arith.index_cast %add3A_871 : i32 to index
      %get3A_893 = arith.constant 16 : index
      %get3A_894 = tpu.vector_load %arg9[%get3A_891, %get3A_892, %get3A_893] {strides = array<i32>} : memref<3x128x128xf32, #tpu.memory_space<vmem>>, vector<1x1x16xf32>,
      %get3A_895 = vector.shape_cast %get3A_894 : vector<1x1x16xf32> to vector<16xf32>
      %get3A_896 = arith.constant 1 : i32
      %get3A_897 = arith.index_cast %get3A_896 : i32 to index
      %get3A_898 = arith.index_cast %add3A_871 : i32 to index
      %get3A_899 = arith.constant 16 : index
      %get3A_900 = tpu.vector_load %arg10[%get3A_897, %get3A_898, %get3A_899] {strides = array<i32>} : memref<3x128x128xf32, #tpu.memory_space<vmem>>, vector<1x1x16xf32>,
      %get3A_901 = vector.shape_cast %get3A_900 : vector<1x1x16xf32> to vector<16xf32>
      %add3A_902 = arith.addf %get3A_895, %get3A_901 : vector<16xf32>
      %swap3A_903 = arith.constant 1 : i32
      %swap3A_904 = arith.index_cast %swap3A_903 : i32 to index
      %swap3A_905 = arith.index_cast %add3A_871 : i32 to index
      %swap3A_906 = arith.constant 16 : index
      %swap3A_907 = tpu.vector_load %arg9[%swap3A_904, %swap3A_905, %swap3A_906] {strides = array<i32>} : memref<3x128x128xf32, #tpu.memory_space<vmem>>, vector<1x1x16xf32>,
      %swap3A_908 = vector.shape_cast %swap3A_907 : vector<1x1x16xf32> to vector<16xf32>
      %swap3A_909 = vector.shape_cast %add3A_902 : vector<16xf32> to vector<1x1x16xf32>
      tpu.vector_store %arg9[%swap3A_904, %swap3A_905, %swap3A_906], %swap3A_909 {strides = array<i32>} : memref<3x128x128xf32, #tpu.memory_space<vmem>>, vector<1x1x16xf32>,
      %get3A_910 = arith.constant 1 : i32
      %get3A_911 = arith.index_cast %get3A_910 : i32 to index
      %get3A_912 = arith.index_cast %add3A_871 : i32 to index
      %get3A_913 = arith.constant 32 : index
      %get3A_914 = tpu.vector_load %arg9[%get3A_911, %get3A_912, %get3A_913] {strides = array<i32>} : memref<3x128x128xf32, #tpu.memory_space<vmem>>, vector<1x1x16xf32>,
      %get3A_915 = vector.shape_cast %get3A_914 : vector<1x1x16xf32> to vector<16xf32>
      %get3A_916 = arith.constant 1 : i32
      %get3A_917 = arith.index_cast %get3A_916 : i32 to index
      %get3A_918 = arith.index_cast %add3A_871 : i32 to index
      %get3A_919 = arith.constant 32 : index
      %get3A_920 = tpu.vector_load %arg10[%get3A_917, %get3A_918, %get3A_919] {strides = array<i32>} : memref<3x128x128xf32, #tpu.memory_space<vmem>>, vector<1x1x16xf32>,
      %get3A_921 = vector.shape_cast %get3A_920 : vector<1x1x16xf32> to vector<16xf32>
      %add3A_922 = arith.addf %get3A_915, %get3A_921 : vector<16xf32>
      %swap3A_923 = arith.constant 1 : i32
      %swap3A_924 = arith.index_cast %swap3A_923 : i32 to index
      %swap3A_925 = arith.index_cast %add3A_871 : i32 to index
      %swap3A_926 = arith.constant 32 : index
      %swap3A_927 = tpu.vector_load %arg9[%swap3A_924, %swap3A_925, %swap3A_926] {strides = array<i32>} : memref<3x128x128xf32, #tpu.memory_space<vmem>>, vector<1x1x16xf32>,
      %swap3A_928 = vector.shape_cast %swap3A_927 : vector<1x1x16xf32> to vector<16xf32>
      %swap3A_929 = vector.shape_cast %add3A_922 : vector<16xf32> to vector<1x1x16xf32>
      tpu.vector_store %arg9[%swap3A_924, %swap3A_925, %swap3A_926], %swap3A_929 {strides = array<i32>} : memref<3x128x128xf32, #tpu.memory_space<vmem>>, vector<1x1x16xf32>,
      %get3A_930 = arith.constant 1 : i32
      %get3A_931 = arith.index_cast %get3A_930 : i32 to index
      %get3A_932 = arith.index_cast %add3A_871 : i32 to index
      %get3A_933 = arith.constant 48 : index
      %get3A_934 = tpu.vector_load %arg9[%get3A_931, %get3A_932, %get3A_933] {strides = array<i32>} : memref<3x128x128xf32, #tpu.memory_space<vmem>>, vector<1x1x16xf32>,
      %get3A_935 = vector.shape_cast %get3A_934 : vector<1x1x16xf32> to vector<16xf32>
      %get3A_936 = arith.constant 1 : i32
      %get3A_937 = arith.index_cast %get3A_936 : i32 to index
      %get3A_938 = arith.index_cast %add3A_871 : i32 to index
      %get3A_939 = arith.constant 48 : index
      %get3A_940 = tpu.vector_load %arg10[%get3A_937, %get3A_938, %get3A_939] {strides = array<i32>} : memref<3x128x128xf32, #tpu.memory_space<vmem>>, vector<1x1x16xf32>,
      %get3A_941 = vector.shape_cast %get3A_940 : vector<1x1x16xf32> to vector<16xf32>
      %add3A_942 = arith.addf %get3A_935, %get3A_941 : vector<16xf32>
      %swap3A_943 = arith.constant 1 : i32
      %swap3A_944 = arith.index_cast %swap3A_943 : i32 to index
      %swap3A_945 = arith.index_cast %add3A_871 : i32 to index
      %swap3A_946 = arith.constant 48 : index
      %swap3A_947 = tpu.vector_load %arg9[%swap3A_944, %swap3A_945, %swap3A_946] {strides = array<i32>} : memref<3x128x128xf32, #tpu.memory_space<vmem>>, vector<1x1x16xf32>,
      %swap3A_948 = vector.shape_cast %swap3A_947 : vector<1x1x16xf32> to vector<16xf32>
      %swap3A_949 = vector.shape_cast %add3A_942 : vector<16xf32> to vector<1x1x16xf32>
      tpu.vector_store %arg9[%swap3A_944, %swap3A_945, %swap3A_946], %swap3A_949 {strides = array<i32>} : memref<3x128x128xf32, #tpu.memory_space<vmem>>, vector<1x1x16xf32>,
      %get3A_950 = arith.constant 1 : i32
      %get3A_951 = arith.index_cast %get3A_950 : i32 to index
      %get3A_952 = arith.index_cast %add3A_871 : i32 to index
      %get3A_953 = arith.constant 64 : index
      %get3A_954 = tpu.vector_load %arg9[%get3A_951, %get3A_952, %get3A_953] {strides = array<i32>} : memref<3x128x128xf32, #tpu.memory_space<vmem>>, vector<1x1x16xf32>,
      %get3A_955 = vector.shape_cast %get3A_954 : vector<1x1x16xf32> to vector<16xf32>
      %get3A_956 = arith.constant 1 : i32
      %get3A_957 = arith.index_cast %get3A_956 : i32 to index
      %get3A_958 = arith.index_cast %add3A_871 : i32 to index
      %get3A_959 = arith.constant 64 : index
      %get3A_960 = tpu.vector_load %arg10[%get3A_957, %get3A_958, %get3A_959] {strides = array<i32>} : memref<3x128x128xf32, #tpu.memory_space<vmem>>, vector<1x1x16xf32>,
      %get3A_961 = vector.shape_cast %get3A_960 : vector<1x1x16xf32> to vector<16xf32>
      %add3A_962 = arith.addf %get3A_955, %get3A_961 : vector<16xf32>
      %swap3A_963 = arith.constant 1 : i32
      %swap3A_964 = arith.index_cast %swap3A_963 : i32 to index
      %swap3A_965 = arith.index_cast %add3A_871 : i32 to index
      %swap3A_966 = arith.constant 64 : index
      %swap3A_967 = tpu.vector_load %arg9[%swap3A_964, %swap3A_965, %swap3A_966] {strides = array<i32>} : memref<3x128x128xf32, #tpu.memory_space<vmem>>, vector<1x1x16xf32>,
      %swap3A_968 = vector.shape_cast %swap3A_967 : vector<1x1x16xf32> to vector<16xf32>
      %swap3A_969 = vector.shape_cast %add3A_962 : vector<16xf32> to vector<1x1x16xf32>
      tpu.vector_store %arg9[%swap3A_964, %swap3A_965, %swap3A_966], %swap3A_969 {strides = array<i32>} : memref<3x128x128xf32, #tpu.memory_space<vmem>>, vector<1x1x16xf32>,
      %get3A_970 = arith.constant 1 : i32
      %get3A_971 = arith.index_cast %get3A_970 : i32 to index
      %get3A_972 = arith.index_cast %add3A_871 : i32 to index
      %get3A_973 = arith.constant 80 : index
      %get3A_974 = tpu.vector_load %arg9[%get3A_971, %get3A_972, %get3A_973] {strides = array<i32>} : memref<3x128x128xf32, #tpu.memory_space<vmem>>, vector<1x1x16xf32>,
      %get3A_975 = vector.shape_cast %get3A_974 : vector<1x1x16xf32> to vector<16xf32>
      %get3A_976 = arith.constant 1 : i32
      %get3A_977 = arith.index_cast %get3A_976 : i32 to index
      %get3A_978 = arith.index_cast %add3A_871 : i32 to index
      %get3A_979 = arith.constant 80 : index
      %get3A_980 = tpu.vector_load %arg10[%get3A_977, %get3A_978, %get3A_979] {strides = array<i32>} : memref<3x128x128xf32, #tpu.memory_space<vmem>>, vector<1x1x16xf32>,
      %get3A_981 = vector.shape_cast %get3A_980 : vector<1x1x16xf32> to vector<16xf32>
      %add3A_982 = arith.addf %get3A_975, %get3A_981 : vector<16xf32>
      %swap3A_983 = arith.constant 1 : i32
      %swap3A_984 = arith.index_cast %swap3A_983 : i32 to index
      %swap3A_985 = arith.index_cast %add3A_871 : i32 to index
      %swap3A_986 = arith.constant 80 : index
      %swap3A_987 = tpu.vector_load %arg9[%swap3A_984, %swap3A_985, %swap3A_986] {strides = array<i32>} : memref<3x128x128xf32, #tpu.memory_space<vmem>>, vector<1x1x16xf32>,
      %swap3A_988 = vector.shape_cast %swap3A_987 : vector<1x1x16xf32> to vector<16xf32>
      %swap3A_989 = vector.shape_cast %add3A_982 : vector<16xf32> to vector<1x1x16xf32>
      tpu.vector_store %arg9[%swap3A_984, %swap3A_985, %swap3A_986], %swap3A_989 {strides = array<i32>} : memref<3x128x128xf32, #tpu.memory_space<vmem>>, vector<1x1x16xf32>,
      %get3A_990 = arith.constant 1 : i32
      %get3A_991 = arith.index_cast %get3A_990 : i32 to index
      %get3A_992 = arith.index_cast %add3A_871 : i32 to index
      %get3A_993 = arith.constant 96 : index
      %get3A_994 = tpu.vector_load %arg9[%get3A_991, %get3A_992, %get3A_993] {strides = array<i32>} : memref<3x128x128xf32, #tpu.memory_space<vmem>>, vector<1x1x16xf32>,
      %get3A_995 = vector.shape_cast %get3A_994 : vector<1x1x16xf32> to vector<16xf32>
      %get3A_996 = arith.constant 1 : i32
      %get3A_997 = arith.index_cast %get3A_996 : i32 to index
      %get3A_998 = arith.index_cast %add3A_871 : i32 to index
      %get3A_999 = arith.constant 96 : index
      %get3A_1000 = tpu.vector_load %arg10[%get3A_997, %get3A_998, %get3A_999] {strides = array<i32>} : memref<3x128x128xf32, #tpu.memory_space<vmem>>, vector<1x1x16xf32>,
      %get3A_1001 = vector.shape_cast %get3A_1000 : vector<1x1x16xf32> to vector<16xf32>
      %add3A_1002 = arith.addf %get3A_995, %get3A_1001 : vector<16xf32>
      %swap3A_1003 = arith.constant 1 : i32
      %swap3A_1004 = arith.index_cast %swap3A_1003 : i32 to index
      %swap3A_1005 = arith.index_cast %add3A_871 : i32 to index
      %swap3A_1006 = arith.constant 96 : index
      %swap3A_1007 = tpu.vector_load %arg9[%swap3A_1004, %swap3A_1005, %swap3A_1006] {strides = array<i32>} : memref<3x128x128xf32, #tpu.memory_space<vmem>>, vector<1x1x16xf32>,
      %swap3A_1008 = vector.shape_cast %swap3A_1007 : vector<1x1x16xf32> to vector<16xf32>
      %swap3A_1009 = vector.shape_cast %add3A_1002 : vector<16xf32> to vector<1x1x16xf32>
      tpu.vector_store %arg9[%swap3A_1004, %swap3A_1005, %swap3A_1006], %swap3A_1009 {strides = array<i32>} : memref<3x128x128xf32, #tpu.memory_space<vmem>>, vector<1x1x16xf32>,
      %get3A_1010 = arith.constant 1 : i32
      %get3A_1011 = arith.index_cast %get3A_1010 : i32 to index
      %get3A_1012 = arith.index_cast %add3A_871 : i32 to index
      %get3A_1013 = arith.constant 112 : index
      %get3A_1014 = tpu.vector_load %arg9[%get3A_1011, %get3A_1012, %get3A_1013] {strides = array<i32>} : memref<3x128x128xf32, #tpu.memory_space<vmem>>, vector<1x1x16xf32>,
      %get3A_1015 = vector.shape_cast %get3A_1014 : vector<1x1x16xf32> to vector<16xf32>
      %get3A_1016 = arith.constant 1 : i32
      %get3A_1017 = arith.index_cast %get3A_1016 : i32 to index
      %get3A_1018 = arith.index_cast %add3A_871 : i32 to index
      %get3A_1019 = arith.constant 112 : index
      %get3A_1020 = tpu.vector_load %arg10[%get3A_1017, %get3A_1018, %get3A_1019] {strides = array<i32>} : memref<3x128x128xf32, #tpu.memory_space<vmem>>, vector<1x1x16xf32>,
      %get3A_1021 = vector.shape_cast %get3A_1020 : vector<1x1x16xf32> to vector<16xf32>
      %add3A_1022 = arith.addf %get3A_1015, %get3A_1021 : vector<16xf32>
      %swap3A_1023 = arith.constant 1 : i32
      %swap3A_1024 = arith.index_cast %swap3A_1023 : i32 to index
      %swap3A_1025 = arith.index_cast %add3A_871 : i32 to index
      %swap3A_1026 = arith.constant 112 : index
      %swap3A_1027 = tpu.vector_load %arg9[%swap3A_1024, %swap3A_1025, %swap3A_1026] {strides = array<i32>} : memref<3x128x128xf32, #tpu.memory_space<vmem>>, vector<1x1x16xf32>,
      %swap3A_1028 = vector.shape_cast %swap3A_1027 : vector<1x1x16xf32> to vector<16xf32>
      %swap3A_1029 = vector.shape_cast %add3A_1022 : vector<16xf32> to vector<1x1x16xf32>
      tpu.vector_store %arg9[%swap3A_1024, %swap3A_1025, %swap3A_1026], %swap3A_1029 {strides = array<i32>} : memref<3x128x128xf32, #tpu.memory_space<vmem>>, vector<1x1x16xf32>,
    }
    %scan3A_206 = arith.constant 128 : i32
    %dma_start3A_207 = arith.constant 1 : i32
    %dma_start3A_208 = arith.constant 2 : i32
    %dma_start3A_209 = arith.constant 1 : i32
    %dma_start3A_210 = arith.constant 0 : i32
    %dma_start3A_211 = arith.constant 0 : i32
    %dma_start3A_212 = tpu.memref_slice %arg9[%dma_start3A_207, %dma_start3A_210, %dma_start3A_211] : memref<3x128x128xf32, #tpu.memory_space<vmem>> -> memref<1x128x128xf32, #tpu.memory_space<vmem>>
    %dma_start3A_213 = tpu.memref_squeeze %dma_start3A_212 : memref<1x128x128xf32, #tpu.memory_space<vmem>> -> memref<128x128xf32, #tpu.memory_space<vmem>>
    %dma_start3A_214 = arith.constant 0 : i32
    %dma_start3A_215 = arith.constant 0 : i32
    %dma_start3A_216 = tpu.memref_slice %arg8[%dma_start3A_208, %dma_start3A_214, %dma_start3A_215] : memref<3x8x128xi32, #tpu.memory_space<vmem>> -> memref<1x8x128xi32, #tpu.memory_space<vmem>>
    %dma_start3A_217 = tpu.memref_squeeze %dma_start3A_216 : memref<1x8x128xi32, #tpu.memory_space<vmem>> -> memref<8x128xi32, #tpu.memory_space<vmem>>
    %dma_start3A_218 = arith.constant 0 : i32
    %dma_start3A_219 = tpu.memref_slice %dma_start3A_217[%dma_start3A_209, %dma_start3A_218] : memref<8x128xi32, #tpu.memory_space<vmem>> -> memref<1x128xi32, #tpu.memory_space<vmem>>
    %dma_start3A_220 = tpu.memref_squeeze %dma_start3A_219 : memref<1x128xi32, #tpu.memory_space<vmem>> -> memref<128xi32, #tpu.memory_space<vmem>>
    %dma_start3A_221 = arith.constant 0 : i32
    %dma_start3A_222 = arith.constant 0 : i32
    %dma_start3A_223 = tpu.memref_slice %arg12[%dma_start3A_221, %dma_start3A_222] : memref<512x128xf32, #tpu.memory_space<vmem_shared>> -> memref<512x128xf32, #tpu.memory_space<vmem_shared>>
    tpu.enqueue_indirect_dma source(%dma_start3A_213 : memref<128x128xf32, #tpu.memory_space<vmem>>) target(%dma_start3A_223 : memref<512x128xf32, #tpu.memory_space<vmem_shared>>) offsets(%dma_start3A_220 : memref<128xi32, #tpu.memory_space<vmem>>) semaphore(%arg17 : memref<!tpu.dma_semaphore, #tpu.memory_space<semaphore_mem>>) {add = true}
    %dma_wait3A_224 = arith.constant 0 : i32
    %dma_wait3A_225 = arith.constant 2 : i32
    %dma_wait3A_226 = arith.constant 0 : i32
    %dma_wait3A_227 = arith.constant 0 : i32
    %dma_wait3A_228 = arith.constant 0 : i32
    %dma_wait3A_229 = tpu.memref_slice %arg9[%dma_wait3A_224, %dma_wait3A_227, %dma_wait3A_228] : memref<3x128x128xf32, #tpu.memory_space<vmem>> -> memref<1x128x128xf32, #tpu.memory_space<vmem>>
    %dma_wait3A_230 = tpu.memref_squeeze %dma_wait3A_229 : memref<1x128x128xf32, #tpu.memory_space<vmem>> -> memref<128x128xf32, #tpu.memory_space<vmem>>
    %dma_wait3A_231 = arith.constant 0 : i32
    %dma_wait3A_232 = arith.constant 0 : i32
    %dma_wait3A_233 = tpu.memref_slice %arg8[%dma_wait3A_225, %dma_wait3A_231, %dma_wait3A_232] : memref<3x8x128xi32, #tpu.memory_space<vmem>> -> memref<1x8x128xi32, #tpu.memory_space<vmem>>
    %dma_wait3A_234 = tpu.memref_squeeze %dma_wait3A_233 : memref<1x8x128xi32, #tpu.memory_space<vmem>> -> memref<8x128xi32, #tpu.memory_space<vmem>>
    %dma_wait3A_235 = arith.constant 0 : i32
    %dma_wait3A_236 = tpu.memref_slice %dma_wait3A_234[%dma_wait3A_226, %dma_wait3A_235] : memref<8x128xi32, #tpu.memory_space<vmem>> -> memref<1x128xi32, #tpu.memory_space<vmem>>
    %dma_wait3A_237 = tpu.memref_squeeze %dma_wait3A_236 : memref<1x128xi32, #tpu.memory_space<vmem>> -> memref<128xi32, #tpu.memory_space<vmem>>
    %dma_wait3A_238 = arith.constant 0 : i32
    %dma_wait3A_239 = arith.constant 0 : i32
    %dma_wait3A_240 = tpu.memref_slice %arg12[%dma_wait3A_238, %dma_wait3A_239] : memref<512x128xf32, #tpu.memory_space<vmem_shared>> -> memref<512x128xf32, #tpu.memory_space<vmem_shared>>
    tpu.wait_indirect_dma semaphore(%arg16 : memref<!tpu.dma_semaphore, #tpu.memory_space<semaphore_mem>>) src(%dma_wait3A_230 : memref<128x128xf32, #tpu.memory_space<vmem>>) dst(%dma_wait3A_240 : memref<512x128xf32, #tpu.memory_space<vmem_shared>>)
    %dma_start3A_241 = arith.constant 0 : i32
    %dma_start3A_242 = arith.constant 3 : i32
    %dma_start3A_243 = arith.constant 0 : i32
    %dma_start3A_244 = arith.constant 0 : i32
    %dma_start3A_245 = arith.constant 0 : i32
    %dma_start3A_246 = tpu.memref_slice %arg9[%dma_start3A_243, %dma_start3A_244, %dma_start3A_245] : memref<3x128x128xf32, #tpu.memory_space<vmem>> -> memref<1x128x128xf32, #tpu.memory_space<vmem>>
    %dma_start3A_247 = tpu.memref_squeeze %dma_start3A_246 : memref<1x128x128xf32, #tpu.memory_space<vmem>> -> memref<128x128xf32, #tpu.memory_space<vmem>>
    %dma_start3A_248 = arith.constant 0 : i32
    %dma_start3A_249 = arith.constant 0 : i32
    %dma_start3A_250 = tpu.memref_slice %arg8[%dma_start3A_241, %dma_start3A_248, %dma_start3A_249] : memref<3x8x128xi32, #tpu.memory_space<vmem>> -> memref<1x8x128xi32, #tpu.memory_space<vmem>>
    %dma_start3A_251 = tpu.memref_squeeze %dma_start3A_250 : memref<1x8x128xi32, #tpu.memory_space<vmem>> -> memref<8x128xi32, #tpu.memory_space<vmem>>
    %dma_start3A_252 = arith.constant 0 : i32
    %dma_start3A_253 = tpu.memref_slice %dma_start3A_251[%dma_start3A_242, %dma_start3A_252] : memref<8x128xi32, #tpu.memory_space<vmem>> -> memref<1x128xi32, #tpu.memory_space<vmem>>
    %dma_start3A_254 = tpu.memref_squeeze %dma_start3A_253 : memref<1x128xi32, #tpu.memory_space<vmem>> -> memref<128xi32, #tpu.memory_space<vmem>>
    %dma_start3A_255 = arith.constant 0 : i32
    %dma_start3A_256 = arith.constant 0 : i32
    %dma_start3A_257 = tpu.memref_slice %arg5[%dma_start3A_255, %dma_start3A_256] : memref<100000x128xf32, #tpu.memory_space<hbm>> -> memref<100000x128xf32, #tpu.memory_space<hbm>>
    tpu.enqueue_indirect_dma source(%dma_start3A_257 : memref<100000x128xf32, #tpu.memory_space<hbm>>) target(%dma_start3A_247 : memref<128x128xf32, #tpu.memory_space<vmem>>) offsets(%dma_start3A_254 : memref<128xi32, #tpu.memory_space<vmem>>) semaphore(%arg13 : memref<!tpu.dma_semaphore, #tpu.memory_space<semaphore_mem>>)
    %dma_start3A_258 = arith.constant 1 : i32
    %dma_start3A_259 = arith.constant 3 : i32
    %dma_start3A_260 = arith.constant 0 : i32
    %dma_start3A_261 = arith.constant 0 : i32
    %dma_start3A_262 = arith.constant 0 : i32
    %dma_start3A_263 = tpu.memref_slice %arg10[%dma_start3A_260, %dma_start3A_261, %dma_start3A_262] : memref<3x128x128xf32, #tpu.memory_space<vmem>> -> memref<1x128x128xf32, #tpu.memory_space<vmem>>
    %dma_start3A_264 = tpu.memref_squeeze %dma_start3A_263 : memref<1x128x128xf32, #tpu.memory_space<vmem>> -> memref<128x128xf32, #tpu.memory_space<vmem>>
    %dma_start3A_265 = arith.constant 0 : i32
    %dma_start3A_266 = arith.constant 0 : i32
    %dma_start3A_267 = tpu.memref_slice %arg8[%dma_start3A_258, %dma_start3A_265, %dma_start3A_266] : memref<3x8x128xi32, #tpu.memory_space<vmem>> -> memref<1x8x128xi32, #tpu.memory_space<vmem>>
    %dma_start3A_268 = tpu.memref_squeeze %dma_start3A_267 : memref<1x8x128xi32, #tpu.memory_space<vmem>> -> memref<8x128xi32, #tpu.memory_space<vmem>>
    %dma_start3A_269 = arith.constant 0 : i32
    %dma_start3A_270 = tpu.memref_slice %dma_start3A_268[%dma_start3A_259, %dma_start3A_269] : memref<8x128xi32, #tpu.memory_space<vmem>> -> memref<1x128xi32, #tpu.memory_space<vmem>>
    %dma_start3A_271 = tpu.memref_squeeze %dma_start3A_270 : memref<1x128xi32, #tpu.memory_space<vmem>> -> memref<128xi32, #tpu.memory_space<vmem>>
    %dma_start3A_272 = arith.constant 0 : i32
    %dma_start3A_273 = arith.constant 0 : i32
    %dma_start3A_274 = tpu.memref_slice %arg6[%dma_start3A_272, %dma_start3A_273] : memref<1000x128xf32, #tpu.memory_space<hbm>> -> memref<1000x128xf32, #tpu.memory_space<hbm>>
    tpu.enqueue_indirect_dma source(%dma_start3A_274 : memref<1000x128xf32, #tpu.memory_space<hbm>>) target(%dma_start3A_264 : memref<128x128xf32, #tpu.memory_space<vmem>>) offsets(%dma_start3A_271 : memref<128xi32, #tpu.memory_space<vmem>>) semaphore(%arg13 : memref<!tpu.dma_semaphore, #tpu.memory_space<semaphore_mem>>)
    %dma_wait3A_275 = arith.constant 0 : i32
    %dma_wait3A_276 = arith.constant 2 : i32
    %dma_wait3A_277 = arith.constant 2 : i32
    %dma_wait3A_278 = arith.constant 0 : i32
    %dma_wait3A_279 = arith.constant 0 : i32
    %dma_wait3A_280 = tpu.memref_slice %arg9[%dma_wait3A_277, %dma_wait3A_278, %dma_wait3A_279] : memref<3x128x128xf32, #tpu.memory_space<vmem>> -> memref<1x128x128xf32, #tpu.memory_space<vmem>>
    %dma_wait3A_281 = tpu.memref_squeeze %dma_wait3A_280 : memref<1x128x128xf32, #tpu.memory_space<vmem>> -> memref<128x128xf32, #tpu.memory_space<vmem>>
    %dma_wait3A_282 = arith.constant 0 : i32
    %dma_wait3A_283 = arith.constant 0 : i32
    %dma_wait3A_284 = tpu.memref_slice %arg8[%dma_wait3A_275, %dma_wait3A_282, %dma_wait3A_283] : memref<3x8x128xi32, #tpu.memory_space<vmem>> -> memref<1x8x128xi32, #tpu.memory_space<vmem>>
    %dma_wait3A_285 = tpu.memref_squeeze %dma_wait3A_284 : memref<1x8x128xi32, #tpu.memory_space<vmem>> -> memref<8x128xi32, #tpu.memory_space<vmem>>
    %dma_wait3A_286 = arith.constant 0 : i32
    %dma_wait3A_287 = tpu.memref_slice %dma_wait3A_285[%dma_wait3A_276, %dma_wait3A_286] : memref<8x128xi32, #tpu.memory_space<vmem>> -> memref<1x128xi32, #tpu.memory_space<vmem>>
    %dma_wait3A_288 = tpu.memref_squeeze %dma_wait3A_287 : memref<1x128xi32, #tpu.memory_space<vmem>> -> memref<128xi32, #tpu.memory_space<vmem>>
    %dma_wait3A_289 = arith.constant 0 : i32
    %dma_wait3A_290 = arith.constant 0 : i32
    %dma_wait3A_291 = tpu.memref_slice %arg5[%dma_wait3A_289, %dma_wait3A_290] : memref<100000x128xf32, #tpu.memory_space<hbm>> -> memref<100000x128xf32, #tpu.memory_space<hbm>>
    tpu.wait_indirect_dma semaphore(%arg15 : memref<!tpu.dma_semaphore, #tpu.memory_space<semaphore_mem>>) src(%dma_wait3A_291 : memref<100000x128xf32, #tpu.memory_space<hbm>>) dst(%dma_wait3A_281 : memref<128x128xf32, #tpu.memory_space<vmem>>)
    %dma_wait3A_292 = arith.constant 1 : i32
    %dma_wait3A_293 = arith.constant 2 : i32
    %dma_wait3A_294 = arith.constant 2 : i32
    %dma_wait3A_295 = arith.constant 0 : i32
    %dma_wait3A_296 = arith.constant 0 : i32
    %dma_wait3A_297 = tpu.memref_slice %arg10[%dma_wait3A_294, %dma_wait3A_295, %dma_wait3A_296] : memref<3x128x128xf32, #tpu.memory_space<vmem>> -> memref<1x128x128xf32, #tpu.memory_space<vmem>>
    %dma_wait3A_298 = tpu.memref_squeeze %dma_wait3A_297 : memref<1x128x128xf32, #tpu.memory_space<vmem>> -> memref<128x128xf32, #tpu.memory_space<vmem>>
    %dma_wait3A_299 = arith.constant 0 : i32
    %dma_wait3A_300 = arith.constant 0 : i32
    %dma_wait3A_301 = tpu.memref_slice %arg8[%dma_wait3A_292, %dma_wait3A_299, %dma_wait3A_300] : memref<3x8x128xi32, #tpu.memory_space<vmem>> -> memref<1x8x128xi32, #tpu.memory_space<vmem>>
    %dma_wait3A_302 = tpu.memref_squeeze %dma_wait3A_301 : memref<1x8x128xi32, #tpu.memory_space<vmem>> -> memref<8x128xi32, #tpu.memory_space<vmem>>
    %dma_wait3A_303 = arith.constant 0 : i32
    %dma_wait3A_304 = tpu.memref_slice %dma_wait3A_302[%dma_wait3A_293, %dma_wait3A_303] : memref<8x128xi32, #tpu.memory_space<vmem>> -> memref<1x128xi32, #tpu.memory_space<vmem>>
    %dma_wait3A_305 = tpu.memref_squeeze %dma_wait3A_304 : memref<1x128xi32, #tpu.memory_space<vmem>> -> memref<128xi32, #tpu.memory_space<vmem>>
    %dma_wait3A_306 = arith.constant 0 : i32
    %dma_wait3A_307 = arith.constant 0 : i32
    %dma_wait3A_308 = tpu.memref_slice %arg6[%dma_wait3A_306, %dma_wait3A_307] : memref<1000x128xf32, #tpu.memory_space<hbm>> -> memref<1000x128xf32, #tpu.memory_space<hbm>>
    tpu.wait_indirect_dma semaphore(%arg15 : memref<!tpu.dma_semaphore, #tpu.memory_space<semaphore_mem>>) src(%dma_wait3A_308 : memref<1000x128xf32, #tpu.memory_space<hbm>>) dst(%dma_wait3A_298 : memref<128x128xf32, #tpu.memory_space<vmem>>)
    %scan3A_309 = arith.constant 0 : i32
    %scan3A_310 = arith.constant 128 : i32
    %scan3A_311 = arith.addi %scan3A_309, %scan3A_310 : i32
    %scan3A_312 = arith.constant 1 : i32
    scf.for %scan3A_867 = %scan3A_309 to %scan3A_311 step %scan3A_312  : i32 {
      %mul3A_868 = arith.constant 1 : i32
      %mul3A_869 = arith.muli %scan3A_867, %mul3A_868 : i32
      %add3A_870 = arith.constant 0 : i32
      %add3A_871 = arith.addi %add3A_870, %mul3A_869 : i32
      %get3A = arith.constant 2 : i32
      %get3A_872 = arith.index_cast %get3A : i32 to index
      %get3A_873 = arith.index_cast %add3A_871 : i32 to index
      %get3A_874 = arith.constant 0 : index
      %get3A_875 = tpu.vector_load %arg9[%get3A_872, %get3A_873, %get3A_874] {strides = array<i32>} : memref<3x128x128xf32, #tpu.memory_space<vmem>>, vector<1x1x16xf32>,
      %get3A_876 = vector.shape_cast %get3A_875 : vector<1x1x16xf32> to vector<16xf32>
      %get3A_877 = arith.constant 2 : i32
      %get3A_878 = arith.index_cast %get3A_877 : i32 to index
      %get3A_879 = arith.index_cast %add3A_871 : i32 to index
      %get3A_880 = arith.constant 0 : index
      %get3A_881 = tpu.vector_load %arg10[%get3A_878, %get3A_879, %get3A_880] {strides = array<i32>} : memref<3x128x128xf32, #tpu.memory_space<vmem>>, vector<1x1x16xf32>,
      %get3A_882 = vector.shape_cast %get3A_881 : vector<1x1x16xf32> to vector<16xf32>
      %add3A_883 = arith.addf %get3A_876, %get3A_882 : vector<16xf32>
      %swap3A = arith.constant 2 : i32
      %swap3A_884 = arith.index_cast %swap3A : i32 to index
      %swap3A_885 = arith.index_cast %add3A_871 : i32 to index
      %swap3A_886 = arith.constant 0 : index
      %swap3A_887 = tpu.vector_load %arg9[%swap3A_884, %swap3A_885, %swap3A_886] {strides = array<i32>} : memref<3x128x128xf32, #tpu.memory_space<vmem>>, vector<1x1x16xf32>,
      %swap3A_888 = vector.shape_cast %swap3A_887 : vector<1x1x16xf32> to vector<16xf32>
      %swap3A_889 = vector.shape_cast %add3A_883 : vector<16xf32> to vector<1x1x16xf32>
      tpu.vector_store %arg9[%swap3A_884, %swap3A_885, %swap3A_886], %swap3A_889 {strides = array<i32>} : memref<3x128x128xf32, #tpu.memory_space<vmem>>, vector<1x1x16xf32>,
      %get3A_890 = arith.constant 2 : i32
      %get3A_891 = arith.index_cast %get3A_890 : i32 to index
      %get3A_892 = arith.index_cast %add3A_871 : i32 to index
      %get3A_893 = arith.constant 16 : index
      %get3A_894 = tpu.vector_load %arg9[%get3A_891, %get3A_892, %get3A_893] {strides = array<i32>} : memref<3x128x128xf32, #tpu.memory_space<vmem>>, vector<1x1x16xf32>,
      %get3A_895 = vector.shape_cast %get3A_894 : vector<1x1x16xf32> to vector<16xf32>
      %get3A_896 = arith.constant 2 : i32
      %get3A_897 = arith.index_cast %get3A_896 : i32 to index
      %get3A_898 = arith.index_cast %add3A_871 : i32 to index
      %get3A_899 = arith.constant 16 : index
      %get3A_900 = tpu.vector_load %arg10[%get3A_897, %get3A_898, %get3A_899] {strides = array<i32>} : memref<3x128x128xf32, #tpu.memory_space<vmem>>, vector<1x1x16xf32>,
      %get3A_901 = vector.shape_cast %get3A_900 : vector<1x1x16xf32> to vector<16xf32>
      %add3A_902 = arith.addf %get3A_895, %get3A_901 : vector<16xf32>
      %swap3A_903 = arith.constant 2 : i32
      %swap3A_904 = arith.index_cast %swap3A_903 : i32 to index
      %swap3A_905 = arith.index_cast %add3A_871 : i32 to index
      %swap3A_906 = arith.constant 16 : index
      %swap3A_907 = tpu.vector_load %arg9[%swap3A_904, %swap3A_905, %swap3A_906] {strides = array<i32>} : memref<3x128x128xf32, #tpu.memory_space<vmem>>, vector<1x1x16xf32>,
      %swap3A_908 = vector.shape_cast %swap3A_907 : vector<1x1x16xf32> to vector<16xf32>
      %swap3A_909 = vector.shape_cast %add3A_902 : vector<16xf32> to vector<1x1x16xf32>
      tpu.vector_store %arg9[%swap3A_904, %swap3A_905, %swap3A_906], %swap3A_909 {strides = array<i32>} : memref<3x128x128xf32, #tpu.memory_space<vmem>>, vector<1x1x16xf32>,
      %get3A_910 = arith.constant 2 : i32
      %get3A_911 = arith.index_cast %get3A_910 : i32 to index
      %get3A_912 = arith.index_cast %add3A_871 : i32 to index
      %get3A_913 = arith.constant 32 : index
      %get3A_914 = tpu.vector_load %arg9[%get3A_911, %get3A_912, %get3A_913] {strides = array<i32>} : memref<3x128x128xf32, #tpu.memory_space<vmem>>, vector<1x1x16xf32>,
      %get3A_915 = vector.shape_cast %get3A_914 : vector<1x1x16xf32> to vector<16xf32>
      %get3A_916 = arith.constant 2 : i32
      %get3A_917 = arith.index_cast %get3A_916 : i32 to index
      %get3A_918 = arith.index_cast %add3A_871 : i32 to index
      %get3A_919 = arith.constant 32 : index
      %get3A_920 = tpu.vector_load %arg10[%get3A_917, %get3A_918, %get3A_919] {strides = array<i32>} : memref<3x128x128xf32, #tpu.memory_space<vmem>>, vector<1x1x16xf32>,
      %get3A_921 = vector.shape_cast %get3A_920 : vector<1x1x16xf32> to vector<16xf32>
      %add3A_922 = arith.addf %get3A_915, %get3A_921 : vector<16xf32>
      %swap3A_923 = arith.constant 2 : i32
      %swap3A_924 = arith.index_cast %swap3A_923 : i32 to index
      %swap3A_925 = arith.index_cast %add3A_871 : i32 to index
      %swap3A_926 = arith.constant 32 : index
      %swap3A_927 = tpu.vector_load %arg9[%swap3A_924, %swap3A_925, %swap3A_926] {strides = array<i32>} : memref<3x128x128xf32, #tpu.memory_space<vmem>>, vector<1x1x16xf32>,
      %swap3A_928 = vector.shape_cast %swap3A_927 : vector<1x1x16xf32> to vector<16xf32>
      %swap3A_929 = vector.shape_cast %add3A_922 : vector<16xf32> to vector<1x1x16xf32>
      tpu.vector_store %arg9[%swap3A_924, %swap3A_925, %swap3A_926], %swap3A_929 {strides = array<i32>} : memref<3x128x128xf32, #tpu.memory_space<vmem>>, vector<1x1x16xf32>,
      %get3A_930 = arith.constant 2 : i32
      %get3A_931 = arith.index_cast %get3A_930 : i32 to index
      %get3A_932 = arith.index_cast %add3A_871 : i32 to index
      %get3A_933 = arith.constant 48 : index
      %get3A_934 = tpu.vector_load %arg9[%get3A_931, %get3A_932, %get3A_933] {strides = array<i32>} : memref<3x128x128xf32, #tpu.memory_space<vmem>>, vector<1x1x16xf32>,
      %get3A_935 = vector.shape_cast %get3A_934 : vector<1x1x16xf32> to vector<16xf32>
      %get3A_936 = arith.constant 2 : i32
      %get3A_937 = arith.index_cast %get3A_936 : i32 to index
      %get3A_938 = arith.index_cast %add3A_871 : i32 to index
      %get3A_939 = arith.constant 48 : index
      %get3A_940 = tpu.vector_load %arg10[%get3A_937, %get3A_938, %get3A_939] {strides = array<i32>} : memref<3x128x128xf32, #tpu.memory_space<vmem>>, vector<1x1x16xf32>,
      %get3A_941 = vector.shape_cast %get3A_940 : vector<1x1x16xf32> to vector<16xf32>
      %add3A_942 = arith.addf %get3A_935, %get3A_941 : vector<16xf32>
      %swap3A_943 = arith.constant 2 : i32
      %swap3A_944 = arith.index_cast %swap3A_943 : i32 to index
      %swap3A_945 = arith.index_cast %add3A_871 : i32 to index
      %swap3A_946 = arith.constant 48 : index
      %swap3A_947 = tpu.vector_load %arg9[%swap3A_944, %swap3A_945, %swap3A_946] {strides = array<i32>} : memref<3x128x128xf32, #tpu.memory_space<vmem>>, vector<1x1x16xf32>,
      %swap3A_948 = vector.shape_cast %swap3A_947 : vector<1x1x16xf32> to vector<16xf32>
      %swap3A_949 = vector.shape_cast %add3A_942 : vector<16xf32> to vector<1x1x16xf32>
      tpu.vector_store %arg9[%swap3A_944, %swap3A_945, %swap3A_946], %swap3A_949 {strides = array<i32>} : memref<3x128x128xf32, #tpu.memory_space<vmem>>, vector<1x1x16xf32>,
      %get3A_950 = arith.constant 2 : i32
      %get3A_951 = arith.index_cast %get3A_950 : i32 to index
      %get3A_952 = arith.index_cast %add3A_871 : i32 to index
      %get3A_953 = arith.constant 64 : index
      %get3A_954 = tpu.vector_load %arg9[%get3A_951, %get3A_952, %get3A_953] {strides = array<i32>} : memref<3x128x128xf32, #tpu.memory_space<vmem>>, vector<1x1x16xf32>,
      %get3A_955 = vector.shape_cast %get3A_954 : vector<1x1x16xf32> to vector<16xf32>
      %get3A_956 = arith.constant 2 : i32
      %get3A_957 = arith.index_cast %get3A_956 : i32 to index
      %get3A_958 = arith.index_cast %add3A_871 : i32 to index
      %get3A_959 = arith.constant 64 : index
      %get3A_960 = tpu.vector_load %arg10[%get3A_957, %get3A_958, %get3A_959] {strides = array<i32>} : memref<3x128x128xf32, #tpu.memory_space<vmem>>, vector<1x1x16xf32>,
      %get3A_961 = vector.shape_cast %get3A_960 : vector<1x1x16xf32> to vector<16xf32>
      %add3A_962 = arith.addf %get3A_955, %get3A_961 : vector<16xf32>
      %swap3A_963 = arith.constant 2 : i32
      %swap3A_964 = arith.index_cast %swap3A_963 : i32 to index
      %swap3A_965 = arith.index_cast %add3A_871 : i32 to index
      %swap3A_966 = arith.constant 64 : index
      %swap3A_967 = tpu.vector_load %arg9[%swap3A_964, %swap3A_965, %swap3A_966] {strides = array<i32>} : memref<3x128x128xf32, #tpu.memory_space<vmem>>, vector<1x1x16xf32>,
      %swap3A_968 = vector.shape_cast %swap3A_967 : vector<1x1x16xf32> to vector<16xf32>
      %swap3A_969 = vector.shape_cast %add3A_962 : vector<16xf32> to vector<1x1x16xf32>
      tpu.vector_store %arg9[%swap3A_964, %swap3A_965, %swap3A_966], %swap3A_969 {strides = array<i32>} : memref<3x128x128xf32, #tpu.memory_space<vmem>>, vector<1x1x16xf32>,
      %get3A_970 = arith.constant 2 : i32
      %get3A_971 = arith.index_cast %get3A_970 : i32 to index
      %get3A_972 = arith.index_cast %add3A_871 : i32 to index
      %get3A_973 = arith.constant 80 : index
      %get3A_974 = tpu.vector_load %arg9[%get3A_971, %get3A_972, %get3A_973] {strides = array<i32>} : memref<3x128x128xf32, #tpu.memory_space<vmem>>, vector<1x1x16xf32>,
      %get3A_975 = vector.shape_cast %get3A_974 : vector<1x1x16xf32> to vector<16xf32>
      %get3A_976 = arith.constant 2 : i32
      %get3A_977 = arith.index_cast %get3A_976 : i32 to index
      %get3A_978 = arith.index_cast %add3A_871 : i32 to index
      %get3A_979 = arith.constant 80 : index
      %get3A_980 = tpu.vector_load %arg10[%get3A_977, %get3A_978, %get3A_979] {strides = array<i32>} : memref<3x128x128xf32, #tpu.memory_space<vmem>>, vector<1x1x16xf32>,
      %get3A_981 = vector.shape_cast %get3A_980 : vector<1x1x16xf32> to vector<16xf32>
      %add3A_982 = arith.addf %get3A_975, %get3A_981 : vector<16xf32>
      %swap3A_983 = arith.constant 2 : i32
      %swap3A_984 = arith.index_cast %swap3A_983 : i32 to index
      %swap3A_985 = arith.index_cast %add3A_871 : i32 to index
      %swap3A_986 = arith.constant 80 : index
      %swap3A_987 = tpu.vector_load %arg9[%swap3A_984, %swap3A_985, %swap3A_986] {strides = array<i32>} : memref<3x128x128xf32, #tpu.memory_space<vmem>>, vector<1x1x16xf32>,
      %swap3A_988 = vector.shape_cast %swap3A_987 : vector<1x1x16xf32> to vector<16xf32>
      %swap3A_989 = vector.shape_cast %add3A_982 : vector<16xf32> to vector<1x1x16xf32>
      tpu.vector_store %arg9[%swap3A_984, %swap3A_985, %swap3A_986], %swap3A_989 {strides = array<i32>} : memref<3x128x128xf32, #tpu.memory_space<vmem>>, vector<1x1x16xf32>,
      %get3A_990 = arith.constant 2 : i32
      %get3A_991 = arith.index_cast %get3A_990 : i32 to index
      %get3A_992 = arith.index_cast %add3A_871 : i32 to index
      %get3A_993 = arith.constant 96 : index
      %get3A_994 = tpu.vector_load %arg9[%get3A_991, %get3A_992, %get3A_993] {strides = array<i32>} : memref<3x128x128xf32, #tpu.memory_space<vmem>>, vector<1x1x16xf32>,
      %get3A_995 = vector.shape_cast %get3A_994 : vector<1x1x16xf32> to vector<16xf32>
      %get3A_996 = arith.constant 2 : i32
      %get3A_997 = arith.index_cast %get3A_996 : i32 to index
      %get3A_998 = arith.index_cast %add3A_871 : i32 to index
      %get3A_999 = arith.constant 96 : index
      %get3A_1000 = tpu.vector_load %arg10[%get3A_997, %get3A_998, %get3A_999] {strides = array<i32>} : memref<3x128x128xf32, #tpu.memory_space<vmem>>, vector<1x1x16xf32>,
      %get3A_1001 = vector.shape_cast %get3A_1000 : vector<1x1x16xf32> to vector<16xf32>
      %add3A_1002 = arith.addf %get3A_995, %get3A_1001 : vector<16xf32>
      %swap3A_1003 = arith.constant 2 : i32
      %swap3A_1004 = arith.index_cast %swap3A_1003 : i32 to index
      %swap3A_1005 = arith.index_cast %add3A_871 : i32 to index
      %swap3A_1006 = arith.constant 96 : index
      %swap3A_1007 = tpu.vector_load %arg9[%swap3A_1004, %swap3A_1005, %swap3A_1006] {strides = array<i32>} : memref<3x128x128xf32, #tpu.memory_space<vmem>>, vector<1x1x16xf32>,
      %swap3A_1008 = vector.shape_cast %swap3A_1007 : vector<1x1x16xf32> to vector<16xf32>
      %swap3A_1009 = vector.shape_cast %add3A_1002 : vector<16xf32> to vector<1x1x16xf32>
      tpu.vector_store %arg9[%swap3A_1004, %swap3A_1005, %swap3A_1006], %swap3A_1009 {strides = array<i32>} : memref<3x128x128xf32, #tpu.memory_space<vmem>>, vector<1x1x16xf32>,
      %get3A_1010 = arith.constant 2 : i32
      %get3A_1011 = arith.index_cast %get3A_1010 : i32 to index
      %get3A_1012 = arith.index_cast %add3A_871 : i32 to index
      %get3A_1013 = arith.constant 112 : index
      %get3A_1014 = tpu.vector_load %arg9[%get3A_1011, %get3A_1012, %get3A_1013] {strides = array<i32>} : memref<3x128x128xf32, #tpu.memory_space<vmem>>, vector<1x1x16xf32>,
      %get3A_1015 = vector.shape_cast %get3A_1014 : vector<1x1x16xf32> to vector<16xf32>
      %get3A_1016 = arith.constant 2 : i32
      %get3A_1017 = arith.index_cast %get3A_1016 : i32 to index
      %get3A_1018 = arith.index_cast %add3A_871 : i32 to index
      %get3A_1019 = arith.constant 112 : index
      %get3A_1020 = tpu.vector_load %arg10[%get3A_1017, %get3A_1018, %get3A_1019] {strides = array<i32>} : memref<3x128x128xf32, #tpu.memory_space<vmem>>, vector<1x1x16xf32>,
      %get3A_1021 = vector.shape_cast %get3A_1020 : vector<1x1x16xf32> to vector<16xf32>
      %add3A_1022 = arith.addf %get3A_1015, %get3A_1021 : vector<16xf32>
      %swap3A_1023 = arith.constant 2 : i32
      %swap3A_1024 = arith.index_cast %swap3A_1023 : i32 to index
      %swap3A_1025 = arith.index_cast %add3A_871 : i32 to index
      %swap3A_1026 = arith.constant 112 : index
      %swap3A_1027 = tpu.vector_load %arg9[%swap3A_1024, %swap3A_1025, %swap3A_1026] {strides = array<i32>} : memref<3x128x128xf32, #tpu.memory_space<vmem>>, vector<1x1x16xf32>,
      %swap3A_1028 = vector.shape_cast %swap3A_1027 : vector<1x1x16xf32> to vector<16xf32>
      %swap3A_1029 = vector.shape_cast %add3A_1022 : vector<16xf32> to vector<1x1x16xf32>
      tpu.vector_store %arg9[%swap3A_1024, %swap3A_1025, %swap3A_1026], %swap3A_1029 {strides = array<i32>} : memref<3x128x128xf32, #tpu.memory_space<vmem>>, vector<1x1x16xf32>,
    }
    %scan3A_313 = arith.constant 128 : i32
    %dma_start3A_314 = arith.constant 2 : i32
    %dma_start3A_315 = arith.constant 2 : i32
    %dma_start3A_316 = arith.constant 2 : i32
    %dma_start3A_317 = arith.constant 0 : i32
    %dma_start3A_318 = arith.constant 0 : i32
    %dma_start3A_319 = tpu.memref_slice %arg9[%dma_start3A_314, %dma_start3A_317, %dma_start3A_318] : memref<3x128x128xf32, #tpu.memory_space<vmem>> -> memref<1x128x128xf32, #tpu.memory_space<vmem>>
    %dma_start3A_320 = tpu.memref_squeeze %dma_start3A_319 : memref<1x128x128xf32, #tpu.memory_space<vmem>> -> memref<128x128xf32, #tpu.memory_space<vmem>>
    %dma_start3A_321 = arith.constant 0 : i32
    %dma_start3A_322 = arith.constant 0 : i32
    %dma_start3A_323 = tpu.memref_slice %arg8[%dma_start3A_315, %dma_start3A_321, %dma_start3A_322] : memref<3x8x128xi32, #tpu.memory_space<vmem>> -> memref<1x8x128xi32, #tpu.memory_space<vmem>>
    %dma_start3A_324 = tpu.memref_squeeze %dma_start3A_323 : memref<1x8x128xi32, #tpu.memory_space<vmem>> -> memref<8x128xi32, #tpu.memory_space<vmem>>
    %dma_start3A_325 = arith.constant 0 : i32
    %dma_start3A_326 = tpu.memref_slice %dma_start3A_324[%dma_start3A_316, %dma_start3A_325] : memref<8x128xi32, #tpu.memory_space<vmem>> -> memref<1x128xi32, #tpu.memory_space<vmem>>
    %dma_start3A_327 = tpu.memref_squeeze %dma_start3A_326 : memref<1x128xi32, #tpu.memory_space<vmem>> -> memref<128xi32, #tpu.memory_space<vmem>>
    %dma_start3A_328 = arith.constant 0 : i32
    %dma_start3A_329 = arith.constant 0 : i32
    %dma_start3A_330 = tpu.memref_slice %arg12[%dma_start3A_328, %dma_start3A_329] : memref<512x128xf32, #tpu.memory_space<vmem_shared>> -> memref<512x128xf32, #tpu.memory_space<vmem_shared>>
    tpu.enqueue_indirect_dma source(%dma_start3A_320 : memref<128x128xf32, #tpu.memory_space<vmem>>) target(%dma_start3A_330 : memref<512x128xf32, #tpu.memory_space<vmem_shared>>) offsets(%dma_start3A_327 : memref<128xi32, #tpu.memory_space<vmem>>) semaphore(%arg18 : memref<!tpu.dma_semaphore, #tpu.memory_space<semaphore_mem>>) {add = true}
    %dma_wait3A_331 = arith.constant 1 : i32
    %dma_wait3A_332 = arith.constant 2 : i32
    %dma_wait3A_333 = arith.constant 1 : i32
    %dma_wait3A_334 = arith.constant 0 : i32
    %dma_wait3A_335 = arith.constant 0 : i32
    %dma_wait3A_336 = tpu.memref_slice %arg9[%dma_wait3A_331, %dma_wait3A_334, %dma_wait3A_335] : memref<3x128x128xf32, #tpu.memory_space<vmem>> -> memref<1x128x128xf32, #tpu.memory_space<vmem>>
    %dma_wait3A_337 = tpu.memref_squeeze %dma_wait3A_336 : memref<1x128x128xf32, #tpu.memory_space<vmem>> -> memref<128x128xf32, #tpu.memory_space<vmem>>
    %dma_wait3A_338 = arith.constant 0 : i32
    %dma_wait3A_339 = arith.constant 0 : i32
    %dma_wait3A_340 = tpu.memref_slice %arg8[%dma_wait3A_332, %dma_wait3A_338, %dma_wait3A_339] : memref<3x8x128xi32, #tpu.memory_space<vmem>> -> memref<1x8x128xi32, #tpu.memory_space<vmem>>
    %dma_wait3A_341 = tpu.memref_squeeze %dma_wait3A_340 : memref<1x8x128xi32, #tpu.memory_space<vmem>> -> memref<8x128xi32, #tpu.memory_space<vmem>>
    %dma_wait3A_342 = arith.constant 0 : i32
    %dma_wait3A_343 = tpu.memref_slice %dma_wait3A_341[%dma_wait3A_333, %dma_wait3A_342] : memref<8x128xi32, #tpu.memory_space<vmem>> -> memref<1x128xi32, #tpu.memory_space<vmem>>
    %dma_wait3A_344 = tpu.memref_squeeze %dma_wait3A_343 : memref<1x128xi32, #tpu.memory_space<vmem>> -> memref<128xi32, #tpu.memory_space<vmem>>
    %dma_wait3A_345 = arith.constant 0 : i32
    %dma_wait3A_346 = arith.constant 0 : i32
    %dma_wait3A_347 = tpu.memref_slice %arg12[%dma_wait3A_345, %dma_wait3A_346] : memref<512x128xf32, #tpu.memory_space<vmem_shared>> -> memref<512x128xf32, #tpu.memory_space<vmem_shared>>
    tpu.wait_indirect_dma semaphore(%arg17 : memref<!tpu.dma_semaphore, #tpu.memory_space<semaphore_mem>>) src(%dma_wait3A_337 : memref<128x128xf32, #tpu.memory_space<vmem>>) dst(%dma_wait3A_347 : memref<512x128xf32, #tpu.memory_space<vmem_shared>>)
    %dma_start3A_348 = arith.constant 0 : i32
    %dma_start3A_349 = arith.constant 4 : i32
    %dma_start3A_350 = arith.constant 1 : i32
    %dma_start3A_351 = arith.constant 0 : i32
    %dma_start3A_352 = arith.constant 0 : i32
    %dma_start3A_353 = tpu.memref_slice %arg9[%dma_start3A_350, %dma_start3A_351, %dma_start3A_352] : memref<3x128x128xf32, #tpu.memory_space<vmem>> -> memref<1x128x128xf32, #tpu.memory_space<vmem>>
    %dma_start3A_354 = tpu.memref_squeeze %dma_start3A_353 : memref<1x128x128xf32, #tpu.memory_space<vmem>> -> memref<128x128xf32, #tpu.memory_space<vmem>>
    %dma_start3A_355 = arith.constant 0 : i32
    %dma_start3A_356 = arith.constant 0 : i32
    %dma_start3A_357 = tpu.memref_slice %arg8[%dma_start3A_348, %dma_start3A_355, %dma_start3A_356] : memref<3x8x128xi32, #tpu.memory_space<vmem>> -> memref<1x8x128xi32, #tpu.memory_space<vmem>>
    %dma_start3A_358 = tpu.memref_squeeze %dma_start3A_357 : memref<1x8x128xi32, #tpu.memory_space<vmem>> -> memref<8x128xi32, #tpu.memory_space<vmem>>
    %dma_start3A_359 = arith.constant 0 : i32
    %dma_start3A_360 = tpu.memref_slice %dma_start3A_358[%dma_start3A_349, %dma_start3A_359] : memref<8x128xi32, #tpu.memory_space<vmem>> -> memref<1x128xi32, #tpu.memory_space<vmem>>
    %dma_start3A_361 = tpu.memref_squeeze %dma_start3A_360 : memref<1x128xi32, #tpu.memory_space<vmem>> -> memref<128xi32, #tpu.memory_space<vmem>>
    %dma_start3A_362 = arith.constant 0 : i32
    %dma_start3A_363 = arith.constant 0 : i32
    %dma_start3A_364 = tpu.memref_slice %arg5[%dma_start3A_362, %dma_start3A_363] : memref<100000x128xf32, #tpu.memory_space<hbm>> -> memref<100000x128xf32, #tpu.memory_space<hbm>>
    tpu.enqueue_indirect_dma source(%dma_start3A_364 : memref<100000x128xf32, #tpu.memory_space<hbm>>) target(%dma_start3A_354 : memref<128x128xf32, #tpu.memory_space<vmem>>) offsets(%dma_start3A_361 : memref<128xi32, #tpu.memory_space<vmem>>) semaphore(%arg14 : memref<!tpu.dma_semaphore, #tpu.memory_space<semaphore_mem>>)
    %dma_start3A_365 = arith.constant 1 : i32
    %dma_start3A_366 = arith.constant 4 : i32
    %dma_start3A_367 = arith.constant 1 : i32
    %dma_start3A_368 = arith.constant 0 : i32
    %dma_start3A_369 = arith.constant 0 : i32
    %dma_start3A_370 = tpu.memref_slice %arg10[%dma_start3A_367, %dma_start3A_368, %dma_start3A_369] : memref<3x128x128xf32, #tpu.memory_space<vmem>> -> memref<1x128x128xf32, #tpu.memory_space<vmem>>
    %dma_start3A_371 = tpu.memref_squeeze %dma_start3A_370 : memref<1x128x128xf32, #tpu.memory_space<vmem>> -> memref<128x128xf32, #tpu.memory_space<vmem>>
    %dma_start3A_372 = arith.constant 0 : i32
    %dma_start3A_373 = arith.constant 0 : i32
    %dma_start3A_374 = tpu.memref_slice %arg8[%dma_start3A_365, %dma_start3A_372, %dma_start3A_373] : memref<3x8x128xi32, #tpu.memory_space<vmem>> -> memref<1x8x128xi32, #tpu.memory_space<vmem>>
    %dma_start3A_375 = tpu.memref_squeeze %dma_start3A_374 : memref<1x8x128xi32, #tpu.memory_space<vmem>> -> memref<8x128xi32, #tpu.memory_space<vmem>>
    %dma_start3A_376 = arith.constant 0 : i32
    %dma_start3A_377 = tpu.memref_slice %dma_start3A_375[%dma_start3A_366, %dma_start3A_376] : memref<8x128xi32, #tpu.memory_space<vmem>> -> memref<1x128xi32, #tpu.memory_space<vmem>>
    %dma_start3A_378 = tpu.memref_squeeze %dma_start3A_377 : memref<1x128xi32, #tpu.memory_space<vmem>> -> memref<128xi32, #tpu.memory_space<vmem>>
    %dma_start3A_379 = arith.constant 0 : i32
    %dma_start3A_380 = arith.constant 0 : i32
    %dma_start3A_381 = tpu.memref_slice %arg6[%dma_start3A_379, %dma_start3A_380] : memref<1000x128xf32, #tpu.memory_space<hbm>> -> memref<1000x128xf32, #tpu.memory_space<hbm>>
    tpu.enqueue_indirect_dma source(%dma_start3A_381 : memref<1000x128xf32, #tpu.memory_space<hbm>>) target(%dma_start3A_371 : memref<128x128xf32, #tpu.memory_space<vmem>>) offsets(%dma_start3A_378 : memref<128xi32, #tpu.memory_space<vmem>>) semaphore(%arg14 : memref<!tpu.dma_semaphore, #tpu.memory_space<semaphore_mem>>)
    %dma_wait3A_382 = arith.constant 0 : i32
    %dma_wait3A_383 = arith.constant 3 : i32
    %dma_wait3A_384 = arith.constant 0 : i32
    %dma_wait3A_385 = arith.constant 0 : i32
    %dma_wait3A_386 = arith.constant 0 : i32
    %dma_wait3A_387 = tpu.memref_slice %arg9[%dma_wait3A_384, %dma_wait3A_385, %dma_wait3A_386] : memref<3x128x128xf32, #tpu.memory_space<vmem>> -> memref<1x128x128xf32, #tpu.memory_space<vmem>>
    %dma_wait3A_388 = tpu.memref_squeeze %dma_wait3A_387 : memref<1x128x128xf32, #tpu.memory_space<vmem>> -> memref<128x128xf32, #tpu.memory_space<vmem>>
    %dma_wait3A_389 = arith.constant 0 : i32
    %dma_wait3A_390 = arith.constant 0 : i32
    %dma_wait3A_391 = tpu.memref_slice %arg8[%dma_wait3A_382, %dma_wait3A_389, %dma_wait3A_390] : memref<3x8x128xi32, #tpu.memory_space<vmem>> -> memref<1x8x128xi32, #tpu.memory_space<vmem>>
    %dma_wait3A_392 = tpu.memref_squeeze %dma_wait3A_391 : memref<1x8x128xi32, #tpu.memory_space<vmem>> -> memref<8x128xi32, #tpu.memory_space<vmem>>
    %dma_wait3A_393 = arith.constant 0 : i32
    %dma_wait3A_394 = tpu.memref_slice %dma_wait3A_392[%dma_wait3A_383, %dma_wait3A_393] : memref<8x128xi32, #tpu.memory_space<vmem>> -> memref<1x128xi32, #tpu.memory_space<vmem>>
    %dma_wait3A_395 = tpu.memref_squeeze %dma_wait3A_394 : memref<1x128xi32, #tpu.memory_space<vmem>> -> memref<128xi32, #tpu.memory_space<vmem>>
    %dma_wait3A_396 = arith.constant 0 : i32
    %dma_wait3A_397 = arith.constant 0 : i32
    %dma_wait3A_398 = tpu.memref_slice %arg5[%dma_wait3A_396, %dma_wait3A_397] : memref<100000x128xf32, #tpu.memory_space<hbm>> -> memref<100000x128xf32, #tpu.memory_space<hbm>>
    tpu.wait_indirect_dma semaphore(%arg13 : memref<!tpu.dma_semaphore, #tpu.memory_space<semaphore_mem>>) src(%dma_wait3A_398 : memref<100000x128xf32, #tpu.memory_space<hbm>>) dst(%dma_wait3A_388 : memref<128x128xf32, #tpu.memory_space<vmem>>)
    %dma_wait3A_399 = arith.constant 1 : i32
    %dma_wait3A_400 = arith.constant 3 : i32
    %dma_wait3A_401 = arith.constant 0 : i32
    %dma_wait3A_402 = arith.constant 0 : i32
    %dma_wait3A_403 = arith.constant 0 : i32
    %dma_wait3A_404 = tpu.memref_slice %arg10[%dma_wait3A_401, %dma_wait3A_402, %dma_wait3A_403] : memref<3x128x128xf32, #tpu.memory_space<vmem>> -> memref<1x128x128xf32, #tpu.memory_space<vmem>>
    %dma_wait3A_405 = tpu.memref_squeeze %dma_wait3A_404 : memref<1x128x128xf32, #tpu.memory_space<vmem>> -> memref<128x128xf32, #tpu.memory_space<vmem>>
    %dma_wait3A_406 = arith.constant 0 : i32
    %dma_wait3A_407 = arith.constant 0 : i32
    %dma_wait3A_408 = tpu.memref_slice %arg8[%dma_wait3A_399, %dma_wait3A_406, %dma_wait3A_407] : memref<3x8x128xi32, #tpu.memory_space<vmem>> -> memref<1x8x128xi32, #tpu.memory_space<vmem>>
    %dma_wait3A_409 = tpu.memref_squeeze %dma_wait3A_408 : memref<1x8x128xi32, #tpu.memory_space<vmem>> -> memref<8x128xi32, #tpu.memory_space<vmem>>
    %dma_wait3A_410 = arith.constant 0 : i32
    %dma_wait3A_411 = tpu.memref_slice %dma_wait3A_409[%dma_wait3A_400, %dma_wait3A_410] : memref<8x128xi32, #tpu.memory_space<vmem>> -> memref<1x128xi32, #tpu.memory_space<vmem>>
    %dma_wait3A_412 = tpu.memref_squeeze %dma_wait3A_411 : memref<1x128xi32, #tpu.memory_space<vmem>> -> memref<128xi32, #tpu.memory_space<vmem>>
    %dma_wait3A_413 = arith.constant 0 : i32
    %dma_wait3A_414 = arith.constant 0 : i32
    %dma_wait3A_415 = tpu.memref_slice %arg6[%dma_wait3A_413, %dma_wait3A_414] : memref<1000x128xf32, #tpu.memory_space<hbm>> -> memref<1000x128xf32, #tpu.memory_space<hbm>>
    tpu.wait_indirect_dma semaphore(%arg13 : memref<!tpu.dma_semaphore, #tpu.memory_space<semaphore_mem>>) src(%dma_wait3A_415 : memref<1000x128xf32, #tpu.memory_space<hbm>>) dst(%dma_wait3A_405 : memref<128x128xf32, #tpu.memory_space<vmem>>)
    %scan3A_416 = arith.constant 0 : i32
    %scan3A_417 = arith.constant 128 : i32
    %scan3A_418 = arith.addi %scan3A_416, %scan3A_417 : i32
    %scan3A_419 = arith.constant 1 : i32
    scf.for %scan3A_867 = %scan3A_416 to %scan3A_418 step %scan3A_419  : i32 {
      %mul3A_868 = arith.constant 1 : i32
      %mul3A_869 = arith.muli %scan3A_867, %mul3A_868 : i32
      %add3A_870 = arith.constant 0 : i32
      %add3A_871 = arith.addi %add3A_870, %mul3A_869 : i32
      %get3A = arith.constant 0 : i32
      %get3A_872 = arith.index_cast %get3A : i32 to index
      %get3A_873 = arith.index_cast %add3A_871 : i32 to index
      %get3A_874 = arith.constant 0 : index
      %get3A_875 = tpu.vector_load %arg9[%get3A_872, %get3A_873, %get3A_874] {strides = array<i32>} : memref<3x128x128xf32, #tpu.memory_space<vmem>>, vector<1x1x16xf32>,
      %get3A_876 = vector.shape_cast %get3A_875 : vector<1x1x16xf32> to vector<16xf32>
      %get3A_877 = arith.constant 0 : i32
      %get3A_878 = arith.index_cast %get3A_877 : i32 to index
      %get3A_879 = arith.index_cast %add3A_871 : i32 to index
      %get3A_880 = arith.constant 0 : index
      %get3A_881 = tpu.vector_load %arg10[%get3A_878, %get3A_879, %get3A_880] {strides = array<i32>} : memref<3x128x128xf32, #tpu.memory_space<vmem>>, vector<1x1x16xf32>,
      %get3A_882 = vector.shape_cast %get3A_881 : vector<1x1x16xf32> to vector<16xf32>
      %add3A_883 = arith.addf %get3A_876, %get3A_882 : vector<16xf32>
      %swap3A = arith.constant 0 : i32
      %swap3A_884 = arith.index_cast %swap3A : i32 to index
      %swap3A_885 = arith.index_cast %add3A_871 : i32 to index
      %swap3A_886 = arith.constant 0 : index
      %swap3A_887 = tpu.vector_load %arg9[%swap3A_884, %swap3A_885, %swap3A_886] {strides = array<i32>} : memref<3x128x128xf32, #tpu.memory_space<vmem>>, vector<1x1x16xf32>,
      %swap3A_888 = vector.shape_cast %swap3A_887 : vector<1x1x16xf32> to vector<16xf32>
      %swap3A_889 = vector.shape_cast %add3A_883 : vector<16xf32> to vector<1x1x16xf32>
      tpu.vector_store %arg9[%swap3A_884, %swap3A_885, %swap3A_886], %swap3A_889 {strides = array<i32>} : memref<3x128x128xf32, #tpu.memory_space<vmem>>, vector<1x1x16xf32>,
      %get3A_890 = arith.constant 0 : i32
      %get3A_891 = arith.index_cast %get3A_890 : i32 to index
      %get3A_892 = arith.index_cast %add3A_871 : i32 to index
      %get3A_893 = arith.constant 16 : index
      %get3A_894 = tpu.vector_load %arg9[%get3A_891, %get3A_892, %get3A_893] {strides = array<i32>} : memref<3x128x128xf32, #tpu.memory_space<vmem>>, vector<1x1x16xf32>,
      %get3A_895 = vector.shape_cast %get3A_894 : vector<1x1x16xf32> to vector<16xf32>
      %get3A_896 = arith.constant 0 : i32
      %get3A_897 = arith.index_cast %get3A_896 : i32 to index
      %get3A_898 = arith.index_cast %add3A_871 : i32 to index
      %get3A_899 = arith.constant 16 : index
      %get3A_900 = tpu.vector_load %arg10[%get3A_897, %get3A_898, %get3A_899] {strides = array<i32>} : memref<3x128x128xf32, #tpu.memory_space<vmem>>, vector<1x1x16xf32>,
      %get3A_901 = vector.shape_cast %get3A_900 : vector<1x1x16xf32> to vector<16xf32>
      %add3A_902 = arith.addf %get3A_895, %get3A_901 : vector<16xf32>
      %swap3A_903 = arith.constant 0 : i32
      %swap3A_904 = arith.index_cast %swap3A_903 : i32 to index
      %swap3A_905 = arith.index_cast %add3A_871 : i32 to index
      %swap3A_906 = arith.constant 16 : index
      %swap3A_907 = tpu.vector_load %arg9[%swap3A_904, %swap3A_905, %swap3A_906] {strides = array<i32>} : memref<3x128x128xf32, #tpu.memory_space<vmem>>, vector<1x1x16xf32>,
      %swap3A_908 = vector.shape_cast %swap3A_907 : vector<1x1x16xf32> to vector<16xf32>
      %swap3A_909 = vector.shape_cast %add3A_902 : vector<16xf32> to vector<1x1x16xf32>
      tpu.vector_store %arg9[%swap3A_904, %swap3A_905, %swap3A_906], %swap3A_909 {strides = array<i32>} : memref<3x128x128xf32, #tpu.memory_space<vmem>>, vector<1x1x16xf32>,
      %get3A_910 = arith.constant 0 : i32
      %get3A_911 = arith.index_cast %get3A_910 : i32 to index
      %get3A_912 = arith.index_cast %add3A_871 : i32 to index
      %get3A_913 = arith.constant 32 : index
      %get3A_914 = tpu.vector_load %arg9[%get3A_911, %get3A_912, %get3A_913] {strides = array<i32>} : memref<3x128x128xf32, #tpu.memory_space<vmem>>, vector<1x1x16xf32>,
      %get3A_915 = vector.shape_cast %get3A_914 : vector<1x1x16xf32> to vector<16xf32>
      %get3A_916 = arith.constant 0 : i32
      %get3A_917 = arith.index_cast %get3A_916 : i32 to index
      %get3A_918 = arith.index_cast %add3A_871 : i32 to index
      %get3A_919 = arith.constant 32 : index
      %get3A_920 = tpu.vector_load %arg10[%get3A_917, %get3A_918, %get3A_919] {strides = array<i32>} : memref<3x128x128xf32, #tpu.memory_space<vmem>>, vector<1x1x16xf32>,
      %get3A_921 = vector.shape_cast %get3A_920 : vector<1x1x16xf32> to vector<16xf32>
      %add3A_922 = arith.addf %get3A_915, %get3A_921 : vector<16xf32>
      %swap3A_923 = arith.constant 0 : i32
      %swap3A_924 = arith.index_cast %swap3A_923 : i32 to index
      %swap3A_925 = arith.index_cast %add3A_871 : i32 to index
      %swap3A_926 = arith.constant 32 : index
      %swap3A_927 = tpu.vector_load %arg9[%swap3A_924, %swap3A_925, %swap3A_926] {strides = array<i32>} : memref<3x128x128xf32, #tpu.memory_space<vmem>>, vector<1x1x16xf32>,
      %swap3A_928 = vector.shape_cast %swap3A_927 : vector<1x1x16xf32> to vector<16xf32>
      %swap3A_929 = vector.shape_cast %add3A_922 : vector<16xf32> to vector<1x1x16xf32>
      tpu.vector_store %arg9[%swap3A_924, %swap3A_925, %swap3A_926], %swap3A_929 {strides = array<i32>} : memref<3x128x128xf32, #tpu.memory_space<vmem>>, vector<1x1x16xf32>,
      %get3A_930 = arith.constant 0 : i32
      %get3A_931 = arith.index_cast %get3A_930 : i32 to index
      %get3A_932 = arith.index_cast %add3A_871 : i32 to index
      %get3A_933 = arith.constant 48 : index
      %get3A_934 = tpu.vector_load %arg9[%get3A_931, %get3A_932, %get3A_933] {strides = array<i32>} : memref<3x128x128xf32, #tpu.memory_space<vmem>>, vector<1x1x16xf32>,
      %get3A_935 = vector.shape_cast %get3A_934 : vector<1x1x16xf32> to vector<16xf32>
      %get3A_936 = arith.constant 0 : i32
      %get3A_937 = arith.index_cast %get3A_936 : i32 to index
      %get3A_938 = arith.index_cast %add3A_871 : i32 to index
      %get3A_939 = arith.constant 48 : index
      %get3A_940 = tpu.vector_load %arg10[%get3A_937, %get3A_938, %get3A_939] {strides = array<i32>} : memref<3x128x128xf32, #tpu.memory_space<vmem>>, vector<1x1x16xf32>,
      %get3A_941 = vector.shape_cast %get3A_940 : vector<1x1x16xf32> to vector<16xf32>
      %add3A_942 = arith.addf %get3A_935, %get3A_941 : vector<16xf32>
      %swap3A_943 = arith.constant 0 : i32
      %swap3A_944 = arith.index_cast %swap3A_943 : i32 to index
      %swap3A_945 = arith.index_cast %add3A_871 : i32 to index
      %swap3A_946 = arith.constant 48 : index
      %swap3A_947 = tpu.vector_load %arg9[%swap3A_944, %swap3A_945, %swap3A_946] {strides = array<i32>} : memref<3x128x128xf32, #tpu.memory_space<vmem>>, vector<1x1x16xf32>,
      %swap3A_948 = vector.shape_cast %swap3A_947 : vector<1x1x16xf32> to vector<16xf32>
      %swap3A_949 = vector.shape_cast %add3A_942 : vector<16xf32> to vector<1x1x16xf32>
      tpu.vector_store %arg9[%swap3A_944, %swap3A_945, %swap3A_946], %swap3A_949 {strides = array<i32>} : memref<3x128x128xf32, #tpu.memory_space<vmem>>, vector<1x1x16xf32>,
      %get3A_950 = arith.constant 0 : i32
      %get3A_951 = arith.index_cast %get3A_950 : i32 to index
      %get3A_952 = arith.index_cast %add3A_871 : i32 to index
      %get3A_953 = arith.constant 64 : index
      %get3A_954 = tpu.vector_load %arg9[%get3A_951, %get3A_952, %get3A_953] {strides = array<i32>} : memref<3x128x128xf32, #tpu.memory_space<vmem>>, vector<1x1x16xf32>,
      %get3A_955 = vector.shape_cast %get3A_954 : vector<1x1x16xf32> to vector<16xf32>
      %get3A_956 = arith.constant 0 : i32
      %get3A_957 = arith.index_cast %get3A_956 : i32 to index
      %get3A_958 = arith.index_cast %add3A_871 : i32 to index
      %get3A_959 = arith.constant 64 : index
      %get3A_960 = tpu.vector_load %arg10[%get3A_957, %get3A_958, %get3A_959] {strides = array<i32>} : memref<3x128x128xf32, #tpu.memory_space<vmem>>, vector<1x1x16xf32>,
      %get3A_961 = vector.shape_cast %get3A_960 : vector<1x1x16xf32> to vector<16xf32>
      %add3A_962 = arith.addf %get3A_955, %get3A_961 : vector<16xf32>
      %swap3A_963 = arith.constant 0 : i32
      %swap3A_964 = arith.index_cast %swap3A_963 : i32 to index
      %swap3A_965 = arith.index_cast %add3A_871 : i32 to index
      %swap3A_966 = arith.constant 64 : index
      %swap3A_967 = tpu.vector_load %arg9[%swap3A_964, %swap3A_965, %swap3A_966] {strides = array<i32>} : memref<3x128x128xf32, #tpu.memory_space<vmem>>, vector<1x1x16xf32>,
      %swap3A_968 = vector.shape_cast %swap3A_967 : vector<1x1x16xf32> to vector<16xf32>
      %swap3A_969 = vector.shape_cast %add3A_962 : vector<16xf32> to vector<1x1x16xf32>
      tpu.vector_store %arg9[%swap3A_964, %swap3A_965, %swap3A_966], %swap3A_969 {strides = array<i32>} : memref<3x128x128xf32, #tpu.memory_space<vmem>>, vector<1x1x16xf32>,
      %get3A_970 = arith.constant 0 : i32
      %get3A_971 = arith.index_cast %get3A_970 : i32 to index
      %get3A_972 = arith.index_cast %add3A_871 : i32 to index
      %get3A_973 = arith.constant 80 : index
      %get3A_974 = tpu.vector_load %arg9[%get3A_971, %get3A_972, %get3A_973] {strides = array<i32>} : memref<3x128x128xf32, #tpu.memory_space<vmem>>, vector<1x1x16xf32>,
      %get3A_975 = vector.shape_cast %get3A_974 : vector<1x1x16xf32> to vector<16xf32>
      %get3A_976 = arith.constant 0 : i32
      %get3A_977 = arith.index_cast %get3A_976 : i32 to index
      %get3A_978 = arith.index_cast %add3A_871 : i32 to index
      %get3A_979 = arith.constant 80 : index
      %get3A_980 = tpu.vector_load %arg10[%get3A_977, %get3A_978, %get3A_979] {strides = array<i32>} : memref<3x128x128xf32, #tpu.memory_space<vmem>>, vector<1x1x16xf32>,
      %get3A_981 = vector.shape_cast %get3A_980 : vector<1x1x16xf32> to vector<16xf32>
      %add3A_982 = arith.addf %get3A_975, %get3A_981 : vector<16xf32>
      %swap3A_983 = arith.constant 0 : i32
      %swap3A_984 = arith.index_cast %swap3A_983 : i32 to index
      %swap3A_985 = arith.index_cast %add3A_871 : i32 to index
      %swap3A_986 = arith.constant 80 : index
      %swap3A_987 = tpu.vector_load %arg9[%swap3A_984, %swap3A_985, %swap3A_986] {strides = array<i32>} : memref<3x128x128xf32, #tpu.memory_space<vmem>>, vector<1x1x16xf32>,
      %swap3A_988 = vector.shape_cast %swap3A_987 : vector<1x1x16xf32> to vector<16xf32>
      %swap3A_989 = vector.shape_cast %add3A_982 : vector<16xf32> to vector<1x1x16xf32>
      tpu.vector_store %arg9[%swap3A_984, %swap3A_985, %swap3A_986], %swap3A_989 {strides = array<i32>} : memref<3x128x128xf32, #tpu.memory_space<vmem>>, vector<1x1x16xf32>,
      %get3A_990 = arith.constant 0 : i32
      %get3A_991 = arith.index_cast %get3A_990 : i32 to index
      %get3A_992 = arith.index_cast %add3A_871 : i32 to index
      %get3A_993 = arith.constant 96 : index
      %get3A_994 = tpu.vector_load %arg9[%get3A_991, %get3A_992, %get3A_993] {strides = array<i32>} : memref<3x128x128xf32, #tpu.memory_space<vmem>>, vector<1x1x16xf32>,
      %get3A_995 = vector.shape_cast %get3A_994 : vector<1x1x16xf32> to vector<16xf32>
      %get3A_996 = arith.constant 0 : i32
      %get3A_997 = arith.index_cast %get3A_996 : i32 to index
      %get3A_998 = arith.index_cast %add3A_871 : i32 to index
      %get3A_999 = arith.constant 96 : index
      %get3A_1000 = tpu.vector_load %arg10[%get3A_997, %get3A_998, %get3A_999] {strides = array<i32>} : memref<3x128x128xf32, #tpu.memory_space<vmem>>, vector<1x1x16xf32>,
      %get3A_1001 = vector.shape_cast %get3A_1000 : vector<1x1x16xf32> to vector<16xf32>
      %add3A_1002 = arith.addf %get3A_995, %get3A_1001 : vector<16xf32>
      %swap3A_1003 = arith.constant 0 : i32
      %swap3A_1004 = arith.index_cast %swap3A_1003 : i32 to index
      %swap3A_1005 = arith.index_cast %add3A_871 : i32 to index
      %swap3A_1006 = arith.constant 96 : index
      %swap3A_1007 = tpu.vector_load %arg9[%swap3A_1004, %swap3A_1005, %swap3A_1006] {strides = array<i32>} : memref<3x128x128xf32, #tpu.memory_space<vmem>>, vector<1x1x16xf32>,
      %swap3A_1008 = vector.shape_cast %swap3A_1007 : vector<1x1x16xf32> to vector<16xf32>
      %swap3A_1009 = vector.shape_cast %add3A_1002 : vector<16xf32> to vector<1x1x16xf32>
      tpu.vector_store %arg9[%swap3A_1004, %swap3A_1005, %swap3A_1006], %swap3A_1009 {strides = array<i32>} : memref<3x128x128xf32, #tpu.memory_space<vmem>>, vector<1x1x16xf32>,
      %get3A_1010 = arith.constant 0 : i32
      %get3A_1011 = arith.index_cast %get3A_1010 : i32 to index
      %get3A_1012 = arith.index_cast %add3A_871 : i32 to index
      %get3A_1013 = arith.constant 112 : index
      %get3A_1014 = tpu.vector_load %arg9[%get3A_1011, %get3A_1012, %get3A_1013] {strides = array<i32>} : memref<3x128x128xf32, #tpu.memory_space<vmem>>, vector<1x1x16xf32>,
      %get3A_1015 = vector.shape_cast %get3A_1014 : vector<1x1x16xf32> to vector<16xf32>
      %get3A_1016 = arith.constant 0 : i32
      %get3A_1017 = arith.index_cast %get3A_1016 : i32 to index
      %get3A_1018 = arith.index_cast %add3A_871 : i32 to index
      %get3A_1019 = arith.constant 112 : index
      %get3A_1020 = tpu.vector_load %arg10[%get3A_1017, %get3A_1018, %get3A_1019] {strides = array<i32>} : memref<3x128x128xf32, #tpu.memory_space<vmem>>, vector<1x1x16xf32>,
      %get3A_1021 = vector.shape_cast %get3A_1020 : vector<1x1x16xf32> to vector<16xf32>
      %add3A_1022 = arith.addf %get3A_1015, %get3A_1021 : vector<16xf32>
      %swap3A_1023 = arith.constant 0 : i32
      %swap3A_1024 = arith.index_cast %swap3A_1023 : i32 to index
      %swap3A_1025 = arith.index_cast %add3A_871 : i32 to index
      %swap3A_1026 = arith.constant 112 : index
      %swap3A_1027 = tpu.vector_load %arg9[%swap3A_1024, %swap3A_1025, %swap3A_1026] {strides = array<i32>} : memref<3x128x128xf32, #tpu.memory_space<vmem>>, vector<1x1x16xf32>,
      %swap3A_1028 = vector.shape_cast %swap3A_1027 : vector<1x1x16xf32> to vector<16xf32>
      %swap3A_1029 = vector.shape_cast %add3A_1022 : vector<16xf32> to vector<1x1x16xf32>
      tpu.vector_store %arg9[%swap3A_1024, %swap3A_1025, %swap3A_1026], %swap3A_1029 {strides = array<i32>} : memref<3x128x128xf32, #tpu.memory_space<vmem>>, vector<1x1x16xf32>,
    }
    %scan3A_420 = arith.constant 128 : i32
    %dma_start3A_421 = arith.constant 0 : i32
    %dma_start3A_422 = arith.constant 2 : i32
    %dma_start3A_423 = arith.constant 3 : i32
    %dma_start3A_424 = arith.constant 0 : i32
    %dma_start3A_425 = arith.constant 0 : i32
    %dma_start3A_426 = tpu.memref_slice %arg9[%dma_start3A_421, %dma_start3A_424, %dma_start3A_425] : memref<3x128x128xf32, #tpu.memory_space<vmem>> -> memref<1x128x128xf32, #tpu.memory_space<vmem>>
    %dma_start3A_427 = tpu.memref_squeeze %dma_start3A_426 : memref<1x128x128xf32, #tpu.memory_space<vmem>> -> memref<128x128xf32, #tpu.memory_space<vmem>>
    %dma_start3A_428 = arith.constant 0 : i32
    %dma_start3A_429 = arith.constant 0 : i32
    %dma_start3A_430 = tpu.memref_slice %arg8[%dma_start3A_422, %dma_start3A_428, %dma_start3A_429] : memref<3x8x128xi32, #tpu.memory_space<vmem>> -> memref<1x8x128xi32, #tpu.memory_space<vmem>>
    %dma_start3A_431 = tpu.memref_squeeze %dma_start3A_430 : memref<1x8x128xi32, #tpu.memory_space<vmem>> -> memref<8x128xi32, #tpu.memory_space<vmem>>
    %dma_start3A_432 = arith.constant 0 : i32
    %dma_start3A_433 = tpu.memref_slice %dma_start3A_431[%dma_start3A_423, %dma_start3A_432] : memref<8x128xi32, #tpu.memory_space<vmem>> -> memref<1x128xi32, #tpu.memory_space<vmem>>
    %dma_start3A_434 = tpu.memref_squeeze %dma_start3A_433 : memref<1x128xi32, #tpu.memory_space<vmem>> -> memref<128xi32, #tpu.memory_space<vmem>>
    %dma_start3A_435 = arith.constant 0 : i32
    %dma_start3A_436 = arith.constant 0 : i32
    %dma_start3A_437 = tpu.memref_slice %arg12[%dma_start3A_435, %dma_start3A_436] : memref<512x128xf32, #tpu.memory_space<vmem_shared>> -> memref<512x128xf32, #tpu.memory_space<vmem_shared>>
    tpu.enqueue_indirect_dma source(%dma_start3A_427 : memref<128x128xf32, #tpu.memory_space<vmem>>) target(%dma_start3A_437 : memref<512x128xf32, #tpu.memory_space<vmem_shared>>) offsets(%dma_start3A_434 : memref<128xi32, #tpu.memory_space<vmem>>) semaphore(%arg16 : memref<!tpu.dma_semaphore, #tpu.memory_space<semaphore_mem>>) {add = true}
    %dma_wait3A_438 = arith.constant 2 : i32
    %dma_wait3A_439 = arith.constant 2 : i32
    %dma_wait3A_440 = arith.constant 2 : i32
    %dma_wait3A_441 = arith.constant 0 : i32
    %dma_wait3A_442 = arith.constant 0 : i32
    %dma_wait3A_443 = tpu.memref_slice %arg9[%dma_wait3A_438, %dma_wait3A_441, %dma_wait3A_442] : memref<3x128x128xf32, #tpu.memory_space<vmem>> -> memref<1x128x128xf32, #tpu.memory_space<vmem>>
    %dma_wait3A_444 = tpu.memref_squeeze %dma_wait3A_443 : memref<1x128x128xf32, #tpu.memory_space<vmem>> -> memref<128x128xf32, #tpu.memory_space<vmem>>
    %dma_wait3A_445 = arith.constant 0 : i32
    %dma_wait3A_446 = arith.constant 0 : i32
    %dma_wait3A_447 = tpu.memref_slice %arg8[%dma_wait3A_439, %dma_wait3A_445, %dma_wait3A_446] : memref<3x8x128xi32, #tpu.memory_space<vmem>> -> memref<1x8x128xi32, #tpu.memory_space<vmem>>
    %dma_wait3A_448 = tpu.memref_squeeze %dma_wait3A_447 : memref<1x8x128xi32, #tpu.memory_space<vmem>> -> memref<8x128xi32, #tpu.memory_space<vmem>>
    %dma_wait3A_449 = arith.constant 0 : i32
    %dma_wait3A_450 = tpu.memref_slice %dma_wait3A_448[%dma_wait3A_440, %dma_wait3A_449] : memref<8x128xi32, #tpu.memory_space<vmem>> -> memref<1x128xi32, #tpu.memory_space<vmem>>
    %dma_wait3A_451 = tpu.memref_squeeze %dma_wait3A_450 : memref<1x128xi32, #tpu.memory_space<vmem>> -> memref<128xi32, #tpu.memory_space<vmem>>
    %dma_wait3A_452 = arith.constant 0 : i32
    %dma_wait3A_453 = arith.constant 0 : i32
    %dma_wait3A_454 = tpu.memref_slice %arg12[%dma_wait3A_452, %dma_wait3A_453] : memref<512x128xf32, #tpu.memory_space<vmem_shared>> -> memref<512x128xf32, #tpu.memory_space<vmem_shared>>
    tpu.wait_indirect_dma semaphore(%arg18 : memref<!tpu.dma_semaphore, #tpu.memory_space<semaphore_mem>>) src(%dma_wait3A_444 : memref<128x128xf32, #tpu.memory_space<vmem>>) dst(%dma_wait3A_454 : memref<512x128xf32, #tpu.memory_space<vmem_shared>>)
    %dma_start3A_455 = arith.constant 0 : i32
    %dma_start3A_456 = arith.constant 5 : i32
    %dma_start3A_457 = arith.constant 2 : i32
    %dma_start3A_458 = arith.constant 0 : i32
    %dma_start3A_459 = arith.constant 0 : i32
    %dma_start3A_460 = tpu.memref_slice %arg9[%dma_start3A_457, %dma_start3A_458, %dma_start3A_459] : memref<3x128x128xf32, #tpu.memory_space<vmem>> -> memref<1x128x128xf32, #tpu.memory_space<vmem>>
    %dma_start3A_461 = tpu.memref_squeeze %dma_start3A_460 : memref<1x128x128xf32, #tpu.memory_space<vmem>> -> memref<128x128xf32, #tpu.memory_space<vmem>>
    %dma_start3A_462 = arith.constant 0 : i32
    %dma_start3A_463 = arith.constant 0 : i32
    %dma_start3A_464 = tpu.memref_slice %arg8[%dma_start3A_455, %dma_start3A_462, %dma_start3A_463] : memref<3x8x128xi32, #tpu.memory_space<vmem>> -> memref<1x8x128xi32, #tpu.memory_space<vmem>>
    %dma_start3A_465 = tpu.memref_squeeze %dma_start3A_464 : memref<1x8x128xi32, #tpu.memory_space<vmem>> -> memref<8x128xi32, #tpu.memory_space<vmem>>
    %dma_start3A_466 = arith.constant 0 : i32
    %dma_start3A_467 = tpu.memref_slice %dma_start3A_465[%dma_start3A_456, %dma_start3A_466] : memref<8x128xi32, #tpu.memory_space<vmem>> -> memref<1x128xi32, #tpu.memory_space<vmem>>
    %dma_start3A_468 = tpu.memref_squeeze %dma_start3A_467 : memref<1x128xi32, #tpu.memory_space<vmem>> -> memref<128xi32, #tpu.memory_space<vmem>>
    %dma_start3A_469 = arith.constant 0 : i32
    %dma_start3A_470 = arith.constant 0 : i32
    %dma_start3A_471 = tpu.memref_slice %arg5[%dma_start3A_469, %dma_start3A_470] : memref<100000x128xf32, #tpu.memory_space<hbm>> -> memref<100000x128xf32, #tpu.memory_space<hbm>>
    tpu.enqueue_indirect_dma source(%dma_start3A_471 : memref<100000x128xf32, #tpu.memory_space<hbm>>) target(%dma_start3A_461 : memref<128x128xf32, #tpu.memory_space<vmem>>) offsets(%dma_start3A_468 : memref<128xi32, #tpu.memory_space<vmem>>) semaphore(%arg15 : memref<!tpu.dma_semaphore, #tpu.memory_space<semaphore_mem>>)
    %dma_start3A_472 = arith.constant 1 : i32
    %dma_start3A_473 = arith.constant 5 : i32
    %dma_start3A_474 = arith.constant 2 : i32
    %dma_start3A_475 = arith.constant 0 : i32
    %dma_start3A_476 = arith.constant 0 : i32
    %dma_start3A_477 = tpu.memref_slice %arg10[%dma_start3A_474, %dma_start3A_475, %dma_start3A_476] : memref<3x128x128xf32, #tpu.memory_space<vmem>> -> memref<1x128x128xf32, #tpu.memory_space<vmem>>
    %dma_start3A_478 = tpu.memref_squeeze %dma_start3A_477 : memref<1x128x128xf32, #tpu.memory_space<vmem>> -> memref<128x128xf32, #tpu.memory_space<vmem>>
    %dma_start3A_479 = arith.constant 0 : i32
    %dma_start3A_480 = arith.constant 0 : i32
    %dma_start3A_481 = tpu.memref_slice %arg8[%dma_start3A_472, %dma_start3A_479, %dma_start3A_480] : memref<3x8x128xi32, #tpu.memory_space<vmem>> -> memref<1x8x128xi32, #tpu.memory_space<vmem>>
    %dma_start3A_482 = tpu.memref_squeeze %dma_start3A_481 : memref<1x8x128xi32, #tpu.memory_space<vmem>> -> memref<8x128xi32, #tpu.memory_space<vmem>>
    %dma_start3A_483 = arith.constant 0 : i32
    %dma_start3A_484 = tpu.memref_slice %dma_start3A_482[%dma_start3A_473, %dma_start3A_483] : memref<8x128xi32, #tpu.memory_space<vmem>> -> memref<1x128xi32, #tpu.memory_space<vmem>>
    %dma_start3A_485 = tpu.memref_squeeze %dma_start3A_484 : memref<1x128xi32, #tpu.memory_space<vmem>> -> memref<128xi32, #tpu.memory_space<vmem>>
    %dma_start3A_486 = arith.constant 0 : i32
    %dma_start3A_487 = arith.constant 0 : i32
    %dma_start3A_488 = tpu.memref_slice %arg6[%dma_start3A_486, %dma_start3A_487] : memref<1000x128xf32, #tpu.memory_space<hbm>> -> memref<1000x128xf32, #tpu.memory_space<hbm>>
    tpu.enqueue_indirect_dma source(%dma_start3A_488 : memref<1000x128xf32, #tpu.memory_space<hbm>>) target(%dma_start3A_478 : memref<128x128xf32, #tpu.memory_space<vmem>>) offsets(%dma_start3A_485 : memref<128xi32, #tpu.memory_space<vmem>>) semaphore(%arg15 : memref<!tpu.dma_semaphore, #tpu.memory_space<semaphore_mem>>)
    %dma_wait3A_489 = arith.constant 0 : i32
    %dma_wait3A_490 = arith.constant 4 : i32
    %dma_wait3A_491 = arith.constant 1 : i32
    %dma_wait3A_492 = arith.constant 0 : i32
    %dma_wait3A_493 = arith.constant 0 : i32
    %dma_wait3A_494 = tpu.memref_slice %arg9[%dma_wait3A_491, %dma_wait3A_492, %dma_wait3A_493] : memref<3x128x128xf32, #tpu.memory_space<vmem>> -> memref<1x128x128xf32, #tpu.memory_space<vmem>>
    %dma_wait3A_495 = tpu.memref_squeeze %dma_wait3A_494 : memref<1x128x128xf32, #tpu.memory_space<vmem>> -> memref<128x128xf32, #tpu.memory_space<vmem>>
    %dma_wait3A_496 = arith.constant 0 : i32
    %dma_wait3A_497 = arith.constant 0 : i32
    %dma_wait3A_498 = tpu.memref_slice %arg8[%dma_wait3A_489, %dma_wait3A_496, %dma_wait3A_497] : memref<3x8x128xi32, #tpu.memory_space<vmem>> -> memref<1x8x128xi32, #tpu.memory_space<vmem>>
    %dma_wait3A_499 = tpu.memref_squeeze %dma_wait3A_498 : memref<1x8x128xi32, #tpu.memory_space<vmem>> -> memref<8x128xi32, #tpu.memory_space<vmem>>
    %dma_wait3A_500 = arith.constant 0 : i32
    %dma_wait3A_501 = tpu.memref_slice %dma_wait3A_499[%dma_wait3A_490, %dma_wait3A_500] : memref<8x128xi32, #tpu.memory_space<vmem>> -> memref<1x128xi32, #tpu.memory_space<vmem>>
    %dma_wait3A_502 = tpu.memref_squeeze %dma_wait3A_501 : memref<1x128xi32, #tpu.memory_space<vmem>> -> memref<128xi32, #tpu.memory_space<vmem>>
    %dma_wait3A_503 = arith.constant 0 : i32
    %dma_wait3A_504 = arith.constant 0 : i32
    %dma_wait3A_505 = tpu.memref_slice %arg5[%dma_wait3A_503, %dma_wait3A_504] : memref<100000x128xf32, #tpu.memory_space<hbm>> -> memref<100000x128xf32, #tpu.memory_space<hbm>>
    tpu.wait_indirect_dma semaphore(%arg14 : memref<!tpu.dma_semaphore, #tpu.memory_space<semaphore_mem>>) src(%dma_wait3A_505 : memref<100000x128xf32, #tpu.memory_space<hbm>>) dst(%dma_wait3A_495 : memref<128x128xf32, #tpu.memory_space<vmem>>)
    %dma_wait3A_506 = arith.constant 1 : i32
    %dma_wait3A_507 = arith.constant 4 : i32
    %dma_wait3A_508 = arith.constant 1 : i32
    %dma_wait3A_509 = arith.constant 0 : i32
    %dma_wait3A_510 = arith.constant 0 : i32
    %dma_wait3A_511 = tpu.memref_slice %arg10[%dma_wait3A_508, %dma_wait3A_509, %dma_wait3A_510] : memref<3x128x128xf32, #tpu.memory_space<vmem>> -> memref<1x128x128xf32, #tpu.memory_space<vmem>>
    %dma_wait3A_512 = tpu.memref_squeeze %dma_wait3A_511 : memref<1x128x128xf32, #tpu.memory_space<vmem>> -> memref<128x128xf32, #tpu.memory_space<vmem>>
    %dma_wait3A_513 = arith.constant 0 : i32
    %dma_wait3A_514 = arith.constant 0 : i32
    %dma_wait3A_515 = tpu.memref_slice %arg8[%dma_wait3A_506, %dma_wait3A_513, %dma_wait3A_514] : memref<3x8x128xi32, #tpu.memory_space<vmem>> -> memref<1x8x128xi32, #tpu.memory_space<vmem>>
    %dma_wait3A_516 = tpu.memref_squeeze %dma_wait3A_515 : memref<1x8x128xi32, #tpu.memory_space<vmem>> -> memref<8x128xi32, #tpu.memory_space<vmem>>
    %dma_wait3A_517 = arith.constant 0 : i32
    %dma_wait3A_518 = tpu.memref_slice %dma_wait3A_516[%dma_wait3A_507, %dma_wait3A_517] : memref<8x128xi32, #tpu.memory_space<vmem>> -> memref<1x128xi32, #tpu.memory_space<vmem>>
    %dma_wait3A_519 = tpu.memref_squeeze %dma_wait3A_518 : memref<1x128xi32, #tpu.memory_space<vmem>> -> memref<128xi32, #tpu.memory_space<vmem>>
    %dma_wait3A_520 = arith.constant 0 : i32
    %dma_wait3A_521 = arith.constant 0 : i32
    %dma_wait3A_522 = tpu.memref_slice %arg6[%dma_wait3A_520, %dma_wait3A_521] : memref<1000x128xf32, #tpu.memory_space<hbm>> -> memref<1000x128xf32, #tpu.memory_space<hbm>>
    tpu.wait_indirect_dma semaphore(%arg14 : memref<!tpu.dma_semaphore, #tpu.memory_space<semaphore_mem>>) src(%dma_wait3A_522 : memref<1000x128xf32, #tpu.memory_space<hbm>>) dst(%dma_wait3A_512 : memref<128x128xf32, #tpu.memory_space<vmem>>)
    %scan3A_523 = arith.constant 0 : i32
    %scan3A_524 = arith.constant 128 : i32
    %scan3A_525 = arith.addi %scan3A_523, %scan3A_524 : i32
    %scan3A_526 = arith.constant 1 : i32
    scf.for %scan3A_867 = %scan3A_523 to %scan3A_525 step %scan3A_526  : i32 {
      %mul3A_868 = arith.constant 1 : i32
      %mul3A_869 = arith.muli %scan3A_867, %mul3A_868 : i32
      %add3A_870 = arith.constant 0 : i32
      %add3A_871 = arith.addi %add3A_870, %mul3A_869 : i32
      %get3A = arith.constant 1 : i32
      %get3A_872 = arith.index_cast %get3A : i32 to index
      %get3A_873 = arith.index_cast %add3A_871 : i32 to index
      %get3A_874 = arith.constant 0 : index
      %get3A_875 = tpu.vector_load %arg9[%get3A_872, %get3A_873, %get3A_874] {strides = array<i32>} : memref<3x128x128xf32, #tpu.memory_space<vmem>>, vector<1x1x16xf32>,
      %get3A_876 = vector.shape_cast %get3A_875 : vector<1x1x16xf32> to vector<16xf32>
      %get3A_877 = arith.constant 1 : i32
      %get3A_878 = arith.index_cast %get3A_877 : i32 to index
      %get3A_879 = arith.index_cast %add3A_871 : i32 to index
      %get3A_880 = arith.constant 0 : index
      %get3A_881 = tpu.vector_load %arg10[%get3A_878, %get3A_879, %get3A_880] {strides = array<i32>} : memref<3x128x128xf32, #tpu.memory_space<vmem>>, vector<1x1x16xf32>,
      %get3A_882 = vector.shape_cast %get3A_881 : vector<1x1x16xf32> to vector<16xf32>
      %add3A_883 = arith.addf %get3A_876, %get3A_882 : vector<16xf32>
      %swap3A = arith.constant 1 : i32
      %swap3A_884 = arith.index_cast %swap3A : i32 to index
      %swap3A_885 = arith.index_cast %add3A_871 : i32 to index
      %swap3A_886 = arith.constant 0 : index
      %swap3A_887 = tpu.vector_load %arg9[%swap3A_884, %swap3A_885, %swap3A_886] {strides = array<i32>} : memref<3x128x128xf32, #tpu.memory_space<vmem>>, vector<1x1x16xf32>,
      %swap3A_888 = vector.shape_cast %swap3A_887 : vector<1x1x16xf32> to vector<16xf32>
      %swap3A_889 = vector.shape_cast %add3A_883 : vector<16xf32> to vector<1x1x16xf32>
      tpu.vector_store %arg9[%swap3A_884, %swap3A_885, %swap3A_886], %swap3A_889 {strides = array<i32>} : memref<3x128x128xf32, #tpu.memory_space<vmem>>, vector<1x1x16xf32>,
      %get3A_890 = arith.constant 1 : i32
      %get3A_891 = arith.index_cast %get3A_890 : i32 to index
      %get3A_892 = arith.index_cast %add3A_871 : i32 to index
      %get3A_893 = arith.constant 16 : index
      %get3A_894 = tpu.vector_load %arg9[%get3A_891, %get3A_892, %get3A_893] {strides = array<i32>} : memref<3x128x128xf32, #tpu.memory_space<vmem>>, vector<1x1x16xf32>,
      %get3A_895 = vector.shape_cast %get3A_894 : vector<1x1x16xf32> to vector<16xf32>
      %get3A_896 = arith.constant 1 : i32
      %get3A_897 = arith.index_cast %get3A_896 : i32 to index
      %get3A_898 = arith.index_cast %add3A_871 : i32 to index
      %get3A_899 = arith.constant 16 : index
      %get3A_900 = tpu.vector_load %arg10[%get3A_897, %get3A_898, %get3A_899] {strides = array<i32>} : memref<3x128x128xf32, #tpu.memory_space<vmem>>, vector<1x1x16xf32>,
      %get3A_901 = vector.shape_cast %get3A_900 : vector<1x1x16xf32> to vector<16xf32>
      %add3A_902 = arith.addf %get3A_895, %get3A_901 : vector<16xf32>
      %swap3A_903 = arith.constant 1 : i32
      %swap3A_904 = arith.index_cast %swap3A_903 : i32 to index
      %swap3A_905 = arith.index_cast %add3A_871 : i32 to index
      %swap3A_906 = arith.constant 16 : index
      %swap3A_907 = tpu.vector_load %arg9[%swap3A_904, %swap3A_905, %swap3A_906] {strides = array<i32>} : memref<3x128x128xf32, #tpu.memory_space<vmem>>, vector<1x1x16xf32>,
      %swap3A_908 = vector.shape_cast %swap3A_907 : vector<1x1x16xf32> to vector<16xf32>
      %swap3A_909 = vector.shape_cast %add3A_902 : vector<16xf32> to vector<1x1x16xf32>
      tpu.vector_store %arg9[%swap3A_904, %swap3A_905, %swap3A_906], %swap3A_909 {strides = array<i32>} : memref<3x128x128xf32, #tpu.memory_space<vmem>>, vector<1x1x16xf32>,
      %get3A_910 = arith.constant 1 : i32
      %get3A_911 = arith.index_cast %get3A_910 : i32 to index
      %get3A_912 = arith.index_cast %add3A_871 : i32 to index
      %get3A_913 = arith.constant 32 : index
      %get3A_914 = tpu.vector_load %arg9[%get3A_911, %get3A_912, %get3A_913] {strides = array<i32>} : memref<3x128x128xf32, #tpu.memory_space<vmem>>, vector<1x1x16xf32>,
      %get3A_915 = vector.shape_cast %get3A_914 : vector<1x1x16xf32> to vector<16xf32>
      %get3A_916 = arith.constant 1 : i32
      %get3A_917 = arith.index_cast %get3A_916 : i32 to index
      %get3A_918 = arith.index_cast %add3A_871 : i32 to index
      %get3A_919 = arith.constant 32 : index
      %get3A_920 = tpu.vector_load %arg10[%get3A_917, %get3A_918, %get3A_919] {strides = array<i32>} : memref<3x128x128xf32, #tpu.memory_space<vmem>>, vector<1x1x16xf32>,
      %get3A_921 = vector.shape_cast %get3A_920 : vector<1x1x16xf32> to vector<16xf32>
      %add3A_922 = arith.addf %get3A_915, %get3A_921 : vector<16xf32>
      %swap3A_923 = arith.constant 1 : i32
      %swap3A_924 = arith.index_cast %swap3A_923 : i32 to index
      %swap3A_925 = arith.index_cast %add3A_871 : i32 to index
      %swap3A_926 = arith.constant 32 : index
      %swap3A_927 = tpu.vector_load %arg9[%swap3A_924, %swap3A_925, %swap3A_926] {strides = array<i32>} : memref<3x128x128xf32, #tpu.memory_space<vmem>>, vector<1x1x16xf32>,
      %swap3A_928 = vector.shape_cast %swap3A_927 : vector<1x1x16xf32> to vector<16xf32>
      %swap3A_929 = vector.shape_cast %add3A_922 : vector<16xf32> to vector<1x1x16xf32>
      tpu.vector_store %arg9[%swap3A_924, %swap3A_925, %swap3A_926], %swap3A_929 {strides = array<i32>} : memref<3x128x128xf32, #tpu.memory_space<vmem>>, vector<1x1x16xf32>,
      %get3A_930 = arith.constant 1 : i32
      %get3A_931 = arith.index_cast %get3A_930 : i32 to index
      %get3A_932 = arith.index_cast %add3A_871 : i32 to index
      %get3A_933 = arith.constant 48 : index
      %get3A_934 = tpu.vector_load %arg9[%get3A_931, %get3A_932, %get3A_933] {strides = array<i32>} : memref<3x128x128xf32, #tpu.memory_space<vmem>>, vector<1x1x16xf32>,
      %get3A_935 = vector.shape_cast %get3A_934 : vector<1x1x16xf32> to vector<16xf32>
      %get3A_936 = arith.constant 1 : i32
      %get3A_937 = arith.index_cast %get3A_936 : i32 to index
      %get3A_938 = arith.index_cast %add3A_871 : i32 to index
      %get3A_939 = arith.constant 48 : index
      %get3A_940 = tpu.vector_load %arg10[%get3A_937, %get3A_938, %get3A_939] {strides = array<i32>} : memref<3x128x128xf32, #tpu.memory_space<vmem>>, vector<1x1x16xf32>,
      %get3A_941 = vector.shape_cast %get3A_940 : vector<1x1x16xf32> to vector<16xf32>
      %add3A_942 = arith.addf %get3A_935, %get3A_941 : vector<16xf32>
      %swap3A_943 = arith.constant 1 : i32
      %swap3A_944 = arith.index_cast %swap3A_943 : i32 to index
      %swap3A_945 = arith.index_cast %add3A_871 : i32 to index
      %swap3A_946 = arith.constant 48 : index
      %swap3A_947 = tpu.vector_load %arg9[%swap3A_944, %swap3A_945, %swap3A_946] {strides = array<i32>} : memref<3x128x128xf32, #tpu.memory_space<vmem>>, vector<1x1x16xf32>,
      %swap3A_948 = vector.shape_cast %swap3A_947 : vector<1x1x16xf32> to vector<16xf32>
      %swap3A_949 = vector.shape_cast %add3A_942 : vector<16xf32> to vector<1x1x16xf32>
      tpu.vector_store %arg9[%swap3A_944, %swap3A_945, %swap3A_946], %swap3A_949 {strides = array<i32>} : memref<3x128x128xf32, #tpu.memory_space<vmem>>, vector<1x1x16xf32>,
      %get3A_950 = arith.constant 1 : i32
      %get3A_951 = arith.index_cast %get3A_950 : i32 to index
      %get3A_952 = arith.index_cast %add3A_871 : i32 to index
      %get3A_953 = arith.constant 64 : index
      %get3A_954 = tpu.vector_load %arg9[%get3A_951, %get3A_952, %get3A_953] {strides = array<i32>} : memref<3x128x128xf32, #tpu.memory_space<vmem>>, vector<1x1x16xf32>,
      %get3A_955 = vector.shape_cast %get3A_954 : vector<1x1x16xf32> to vector<16xf32>
      %get3A_956 = arith.constant 1 : i32
      %get3A_957 = arith.index_cast %get3A_956 : i32 to index
      %get3A_958 = arith.index_cast %add3A_871 : i32 to index
      %get3A_959 = arith.constant 64 : index
      %get3A_960 = tpu.vector_load %arg10[%get3A_957, %get3A_958, %get3A_959] {strides = array<i32>} : memref<3x128x128xf32, #tpu.memory_space<vmem>>, vector<1x1x16xf32>,
      %get3A_961 = vector.shape_cast %get3A_960 : vector<1x1x16xf32> to vector<16xf32>
      %add3A_962 = arith.addf %get3A_955, %get3A_961 : vector<16xf32>
      %swap3A_963 = arith.constant 1 : i32
      %swap3A_964 = arith.index_cast %swap3A_963 : i32 to index
      %swap3A_965 = arith.index_cast %add3A_871 : i32 to index
      %swap3A_966 = arith.constant 64 : index
      %swap3A_967 = tpu.vector_load %arg9[%swap3A_964, %swap3A_965, %swap3A_966] {strides = array<i32>} : memref<3x128x128xf32, #tpu.memory_space<vmem>>, vector<1x1x16xf32>,
      %swap3A_968 = vector.shape_cast %swap3A_967 : vector<1x1x16xf32> to vector<16xf32>
      %swap3A_969 = vector.shape_cast %add3A_962 : vector<16xf32> to vector<1x1x16xf32>
      tpu.vector_store %arg9[%swap3A_964, %swap3A_965, %swap3A_966], %swap3A_969 {strides = array<i32>} : memref<3x128x128xf32, #tpu.memory_space<vmem>>, vector<1x1x16xf32>,
      %get3A_970 = arith.constant 1 : i32
      %get3A_971 = arith.index_cast %get3A_970 : i32 to index
      %get3A_972 = arith.index_cast %add3A_871 : i32 to index
      %get3A_973 = arith.constant 80 : index
      %get3A_974 = tpu.vector_load %arg9[%get3A_971, %get3A_972, %get3A_973] {strides = array<i32>} : memref<3x128x128xf32, #tpu.memory_space<vmem>>, vector<1x1x16xf32>,
      %get3A_975 = vector.shape_cast %get3A_974 : vector<1x1x16xf32> to vector<16xf32>
      %get3A_976 = arith.constant 1 : i32
      %get3A_977 = arith.index_cast %get3A_976 : i32 to index
      %get3A_978 = arith.index_cast %add3A_871 : i32 to index
      %get3A_979 = arith.constant 80 : index
      %get3A_980 = tpu.vector_load %arg10[%get3A_977, %get3A_978, %get3A_979] {strides = array<i32>} : memref<3x128x128xf32, #tpu.memory_space<vmem>>, vector<1x1x16xf32>,
      %get3A_981 = vector.shape_cast %get3A_980 : vector<1x1x16xf32> to vector<16xf32>
      %add3A_982 = arith.addf %get3A_975, %get3A_981 : vector<16xf32>
      %swap3A_983 = arith.constant 1 : i32
      %swap3A_984 = arith.index_cast %swap3A_983 : i32 to index
      %swap3A_985 = arith.index_cast %add3A_871 : i32 to index
      %swap3A_986 = arith.constant 80 : index
      %swap3A_987 = tpu.vector_load %arg9[%swap3A_984, %swap3A_985, %swap3A_986] {strides = array<i32>} : memref<3x128x128xf32, #tpu.memory_space<vmem>>, vector<1x1x16xf32>,
      %swap3A_988 = vector.shape_cast %swap3A_987 : vector<1x1x16xf32> to vector<16xf32>
      %swap3A_989 = vector.shape_cast %add3A_982 : vector<16xf32> to vector<1x1x16xf32>
      tpu.vector_store %arg9[%swap3A_984, %swap3A_985, %swap3A_986], %swap3A_989 {strides = array<i32>} : memref<3x128x128xf32, #tpu.memory_space<vmem>>, vector<1x1x16xf32>,
      %get3A_990 = arith.constant 1 : i32
      %get3A_991 = arith.index_cast %get3A_990 : i32 to index
      %get3A_992 = arith.index_cast %add3A_871 : i32 to index
      %get3A_993 = arith.constant 96 : index
      %get3A_994 = tpu.vector_load %arg9[%get3A_991, %get3A_992, %get3A_993] {strides = array<i32>} : memref<3x128x128xf32, #tpu.memory_space<vmem>>, vector<1x1x16xf32>,
      %get3A_995 = vector.shape_cast %get3A_994 : vector<1x1x16xf32> to vector<16xf32>
      %get3A_996 = arith.constant 1 : i32
      %get3A_997 = arith.index_cast %get3A_996 : i32 to index
      %get3A_998 = arith.index_cast %add3A_871 : i32 to index
      %get3A_999 = arith.constant 96 : index
      %get3A_1000 = tpu.vector_load %arg10[%get3A_997, %get3A_998, %get3A_999] {strides = array<i32>} : memref<3x128x128xf32, #tpu.memory_space<vmem>>, vector<1x1x16xf32>,
      %get3A_1001 = vector.shape_cast %get3A_1000 : vector<1x1x16xf32> to vector<16xf32>
      %add3A_1002 = arith.addf %get3A_995, %get3A_1001 : vector<16xf32>
      %swap3A_1003 = arith.constant 1 : i32
      %swap3A_1004 = arith.index_cast %swap3A_1003 : i32 to index
      %swap3A_1005 = arith.index_cast %add3A_871 : i32 to index
      %swap3A_1006 = arith.constant 96 : index
      %swap3A_1007 = tpu.vector_load %arg9[%swap3A_1004, %swap3A_1005, %swap3A_1006] {strides = array<i32>} : memref<3x128x128xf32, #tpu.memory_space<vmem>>, vector<1x1x16xf32>,
      %swap3A_1008 = vector.shape_cast %swap3A_1007 : vector<1x1x16xf32> to vector<16xf32>
      %swap3A_1009 = vector.shape_cast %add3A_1002 : vector<16xf32> to vector<1x1x16xf32>
      tpu.vector_store %arg9[%swap3A_1004, %swap3A_1005, %swap3A_1006], %swap3A_1009 {strides = array<i32>} : memref<3x128x128xf32, #tpu.memory_space<vmem>>, vector<1x1x16xf32>,
      %get3A_1010 = arith.constant 1 : i32
      %get3A_1011 = arith.index_cast %get3A_1010 : i32 to index
      %get3A_1012 = arith.index_cast %add3A_871 : i32 to index
      %get3A_1013 = arith.constant 112 : index
      %get3A_1014 = tpu.vector_load %arg9[%get3A_1011, %get3A_1012, %get3A_1013] {strides = array<i32>} : memref<3x128x128xf32, #tpu.memory_space<vmem>>, vector<1x1x16xf32>,
      %get3A_1015 = vector.shape_cast %get3A_1014 : vector<1x1x16xf32> to vector<16xf32>
      %get3A_1016 = arith.constant 1 : i32
      %get3A_1017 = arith.index_cast %get3A_1016 : i32 to index
      %get3A_1018 = arith.index_cast %add3A_871 : i32 to index
      %get3A_1019 = arith.constant 112 : index
      %get3A_1020 = tpu.vector_load %arg10[%get3A_1017, %get3A_1018, %get3A_1019] {strides = array<i32>} : memref<3x128x128xf32, #tpu.memory_space<vmem>>, vector<1x1x16xf32>,
      %get3A_1021 = vector.shape_cast %get3A_1020 : vector<1x1x16xf32> to vector<16xf32>
      %add3A_1022 = arith.addf %get3A_1015, %get3A_1021 : vector<16xf32>
      %swap3A_1023 = arith.constant 1 : i32
      %swap3A_1024 = arith.index_cast %swap3A_1023 : i32 to index
      %swap3A_1025 = arith.index_cast %add3A_871 : i32 to index
      %swap3A_1026 = arith.constant 112 : index
      %swap3A_1027 = tpu.vector_load %arg9[%swap3A_1024, %swap3A_1025, %swap3A_1026] {strides = array<i32>} : memref<3x128x128xf32, #tpu.memory_space<vmem>>, vector<1x1x16xf32>,
      %swap3A_1028 = vector.shape_cast %swap3A_1027 : vector<1x1x16xf32> to vector<16xf32>
      %swap3A_1029 = vector.shape_cast %add3A_1022 : vector<16xf32> to vector<1x1x16xf32>
      tpu.vector_store %arg9[%swap3A_1024, %swap3A_1025, %swap3A_1026], %swap3A_1029 {strides = array<i32>} : memref<3x128x128xf32, #tpu.memory_space<vmem>>, vector<1x1x16xf32>,
    }
    %scan3A_527 = arith.constant 128 : i32
    %dma_start3A_528 = arith.constant 1 : i32
    %dma_start3A_529 = arith.constant 2 : i32
    %dma_start3A_530 = arith.constant 4 : i32
    %dma_start3A_531 = arith.constant 0 : i32
    %dma_start3A_532 = arith.constant 0 : i32
    %dma_start3A_533 = tpu.memref_slice %arg9[%dma_start3A_528, %dma_start3A_531, %dma_start3A_532] : memref<3x128x128xf32, #tpu.memory_space<vmem>> -> memref<1x128x128xf32, #tpu.memory_space<vmem>>
    %dma_start3A_534 = tpu.memref_squeeze %dma_start3A_533 : memref<1x128x128xf32, #tpu.memory_space<vmem>> -> memref<128x128xf32, #tpu.memory_space<vmem>>
    %dma_start3A_535 = arith.constant 0 : i32
    %dma_start3A_536 = arith.constant 0 : i32
    %dma_start3A_537 = tpu.memref_slice %arg8[%dma_start3A_529, %dma_start3A_535, %dma_start3A_536] : memref<3x8x128xi32, #tpu.memory_space<vmem>> -> memref<1x8x128xi32, #tpu.memory_space<vmem>>
    %dma_start3A_538 = tpu.memref_squeeze %dma_start3A_537 : memref<1x8x128xi32, #tpu.memory_space<vmem>> -> memref<8x128xi32, #tpu.memory_space<vmem>>
    %dma_start3A_539 = arith.constant 0 : i32
    %dma_start3A_540 = tpu.memref_slice %dma_start3A_538[%dma_start3A_530, %dma_start3A_539] : memref<8x128xi32, #tpu.memory_space<vmem>> -> memref<1x128xi32, #tpu.memory_space<vmem>>
    %dma_start3A_541 = tpu.memref_squeeze %dma_start3A_540 : memref<1x128xi32, #tpu.memory_space<vmem>> -> memref<128xi32, #tpu.memory_space<vmem>>
    %dma_start3A_542 = arith.constant 0 : i32
    %dma_start3A_543 = arith.constant 0 : i32
    %dma_start3A_544 = tpu.memref_slice %arg12[%dma_start3A_542, %dma_start3A_543] : memref<512x128xf32, #tpu.memory_space<vmem_shared>> -> memref<512x128xf32, #tpu.memory_space<vmem_shared>>
    tpu.enqueue_indirect_dma source(%dma_start3A_534 : memref<128x128xf32, #tpu.memory_space<vmem>>) target(%dma_start3A_544 : memref<512x128xf32, #tpu.memory_space<vmem_shared>>) offsets(%dma_start3A_541 : memref<128xi32, #tpu.memory_space<vmem>>) semaphore(%arg17 : memref<!tpu.dma_semaphore, #tpu.memory_space<semaphore_mem>>) {add = true}
    %dma_wait3A_545 = arith.constant 0 : i32
    %dma_wait3A_546 = arith.constant 2 : i32
    %dma_wait3A_547 = arith.constant 3 : i32
    %dma_wait3A_548 = arith.constant 0 : i32
    %dma_wait3A_549 = arith.constant 0 : i32
    %dma_wait3A_550 = tpu.memref_slice %arg9[%dma_wait3A_545, %dma_wait3A_548, %dma_wait3A_549] : memref<3x128x128xf32, #tpu.memory_space<vmem>> -> memref<1x128x128xf32, #tpu.memory_space<vmem>>
    %dma_wait3A_551 = tpu.memref_squeeze %dma_wait3A_550 : memref<1x128x128xf32, #tpu.memory_space<vmem>> -> memref<128x128xf32, #tpu.memory_space<vmem>>
    %dma_wait3A_552 = arith.constant 0 : i32
    %dma_wait3A_553 = arith.constant 0 : i32
    %dma_wait3A_554 = tpu.memref_slice %arg8[%dma_wait3A_546, %dma_wait3A_552, %dma_wait3A_553] : memref<3x8x128xi32, #tpu.memory_space<vmem>> -> memref<1x8x128xi32, #tpu.memory_space<vmem>>
    %dma_wait3A_555 = tpu.memref_squeeze %dma_wait3A_554 : memref<1x8x128xi32, #tpu.memory_space<vmem>> -> memref<8x128xi32, #tpu.memory_space<vmem>>
    %dma_wait3A_556 = arith.constant 0 : i32
    %dma_wait3A_557 = tpu.memref_slice %dma_wait3A_555[%dma_wait3A_547, %dma_wait3A_556] : memref<8x128xi32, #tpu.memory_space<vmem>> -> memref<1x128xi32, #tpu.memory_space<vmem>>
    %dma_wait3A_558 = tpu.memref_squeeze %dma_wait3A_557 : memref<1x128xi32, #tpu.memory_space<vmem>> -> memref<128xi32, #tpu.memory_space<vmem>>
    %dma_wait3A_559 = arith.constant 0 : i32
    %dma_wait3A_560 = arith.constant 0 : i32
    %dma_wait3A_561 = tpu.memref_slice %arg12[%dma_wait3A_559, %dma_wait3A_560] : memref<512x128xf32, #tpu.memory_space<vmem_shared>> -> memref<512x128xf32, #tpu.memory_space<vmem_shared>>
    tpu.wait_indirect_dma semaphore(%arg16 : memref<!tpu.dma_semaphore, #tpu.memory_space<semaphore_mem>>) src(%dma_wait3A_551 : memref<128x128xf32, #tpu.memory_space<vmem>>) dst(%dma_wait3A_561 : memref<512x128xf32, #tpu.memory_space<vmem_shared>>)
    %dma_start3A_562 = arith.constant 0 : i32
    %dma_start3A_563 = arith.constant 6 : i32
    %dma_start3A_564 = arith.constant 0 : i32
    %dma_start3A_565 = arith.constant 0 : i32
    %dma_start3A_566 = arith.constant 0 : i32
    %dma_start3A_567 = tpu.memref_slice %arg9[%dma_start3A_564, %dma_start3A_565, %dma_start3A_566] : memref<3x128x128xf32, #tpu.memory_space<vmem>> -> memref<1x128x128xf32, #tpu.memory_space<vmem>>
    %dma_start3A_568 = tpu.memref_squeeze %dma_start3A_567 : memref<1x128x128xf32, #tpu.memory_space<vmem>> -> memref<128x128xf32, #tpu.memory_space<vmem>>
    %dma_start3A_569 = arith.constant 0 : i32
    %dma_start3A_570 = arith.constant 0 : i32
    %dma_start3A_571 = tpu.memref_slice %arg8[%dma_start3A_562, %dma_start3A_569, %dma_start3A_570] : memref<3x8x128xi32, #tpu.memory_space<vmem>> -> memref<1x8x128xi32, #tpu.memory_space<vmem>>
    %dma_start3A_572 = tpu.memref_squeeze %dma_start3A_571 : memref<1x8x128xi32, #tpu.memory_space<vmem>> -> memref<8x128xi32, #tpu.memory_space<vmem>>
    %dma_start3A_573 = arith.constant 0 : i32
    %dma_start3A_574 = tpu.memref_slice %dma_start3A_572[%dma_start3A_563, %dma_start3A_573] : memref<8x128xi32, #tpu.memory_space<vmem>> -> memref<1x128xi32, #tpu.memory_space<vmem>>
    %dma_start3A_575 = tpu.memref_squeeze %dma_start3A_574 : memref<1x128xi32, #tpu.memory_space<vmem>> -> memref<128xi32, #tpu.memory_space<vmem>>
    %dma_start3A_576 = arith.constant 0 : i32
    %dma_start3A_577 = arith.constant 0 : i32
    %dma_start3A_578 = tpu.memref_slice %arg5[%dma_start3A_576, %dma_start3A_577] : memref<100000x128xf32, #tpu.memory_space<hbm>> -> memref<100000x128xf32, #tpu.memory_space<hbm>>
    tpu.enqueue_indirect_dma source(%dma_start3A_578 : memref<100000x128xf32, #tpu.memory_space<hbm>>) target(%dma_start3A_568 : memref<128x128xf32, #tpu.memory_space<vmem>>) offsets(%dma_start3A_575 : memref<128xi32, #tpu.memory_space<vmem>>) semaphore(%arg13 : memref<!tpu.dma_semaphore, #tpu.memory_space<semaphore_mem>>)
    %dma_start3A_579 = arith.constant 1 : i32
    %dma_start3A_580 = arith.constant 6 : i32
    %dma_start3A_581 = arith.constant 0 : i32
    %dma_start3A_582 = arith.constant 0 : i32
    %dma_start3A_583 = arith.constant 0 : i32
    %dma_start3A_584 = tpu.memref_slice %arg10[%dma_start3A_581, %dma_start3A_582, %dma_start3A_583] : memref<3x128x128xf32, #tpu.memory_space<vmem>> -> memref<1x128x128xf32, #tpu.memory_space<vmem>>
    %dma_start3A_585 = tpu.memref_squeeze %dma_start3A_584 : memref<1x128x128xf32, #tpu.memory_space<vmem>> -> memref<128x128xf32, #tpu.memory_space<vmem>>
    %dma_start3A_586 = arith.constant 0 : i32
    %dma_start3A_587 = arith.constant 0 : i32
    %dma_start3A_588 = tpu.memref_slice %arg8[%dma_start3A_579, %dma_start3A_586, %dma_start3A_587] : memref<3x8x128xi32, #tpu.memory_space<vmem>> -> memref<1x8x128xi32, #tpu.memory_space<vmem>>
    %dma_start3A_589 = tpu.memref_squeeze %dma_start3A_588 : memref<1x8x128xi32, #tpu.memory_space<vmem>> -> memref<8x128xi32, #tpu.memory_space<vmem>>
    %dma_start3A_590 = arith.constant 0 : i32
    %dma_start3A_591 = tpu.memref_slice %dma_start3A_589[%dma_start3A_580, %dma_start3A_590] : memref<8x128xi32, #tpu.memory_space<vmem>> -> memref<1x128xi32, #tpu.memory_space<vmem>>
    %dma_start3A_592 = tpu.memref_squeeze %dma_start3A_591 : memref<1x128xi32, #tpu.memory_space<vmem>> -> memref<128xi32, #tpu.memory_space<vmem>>
    %dma_start3A_593 = arith.constant 0 : i32
    %dma_start3A_594 = arith.constant 0 : i32
    %dma_start3A_595 = tpu.memref_slice %arg6[%dma_start3A_593, %dma_start3A_594] : memref<1000x128xf32, #tpu.memory_space<hbm>> -> memref<1000x128xf32, #tpu.memory_space<hbm>>
    tpu.enqueue_indirect_dma source(%dma_start3A_595 : memref<1000x128xf32, #tpu.memory_space<hbm>>) target(%dma_start3A_585 : memref<128x128xf32, #tpu.memory_space<vmem>>) offsets(%dma_start3A_592 : memref<128xi32, #tpu.memory_space<vmem>>) semaphore(%arg13 : memref<!tpu.dma_semaphore, #tpu.memory_space<semaphore_mem>>)
    %dma_wait3A_596 = arith.constant 0 : i32
    %dma_wait3A_597 = arith.constant 5 : i32
    %dma_wait3A_598 = arith.constant 2 : i32
    %dma_wait3A_599 = arith.constant 0 : i32
    %dma_wait3A_600 = arith.constant 0 : i32
    %dma_wait3A_601 = tpu.memref_slice %arg9[%dma_wait3A_598, %dma_wait3A_599, %dma_wait3A_600] : memref<3x128x128xf32, #tpu.memory_space<vmem>> -> memref<1x128x128xf32, #tpu.memory_space<vmem>>
    %dma_wait3A_602 = tpu.memref_squeeze %dma_wait3A_601 : memref<1x128x128xf32, #tpu.memory_space<vmem>> -> memref<128x128xf32, #tpu.memory_space<vmem>>
    %dma_wait3A_603 = arith.constant 0 : i32
    %dma_wait3A_604 = arith.constant 0 : i32
    %dma_wait3A_605 = tpu.memref_slice %arg8[%dma_wait3A_596, %dma_wait3A_603, %dma_wait3A_604] : memref<3x8x128xi32, #tpu.memory_space<vmem>> -> memref<1x8x128xi32, #tpu.memory_space<vmem>>
    %dma_wait3A_606 = tpu.memref_squeeze %dma_wait3A_605 : memref<1x8x128xi32, #tpu.memory_space<vmem>> -> memref<8x128xi32, #tpu.memory_space<vmem>>
    %dma_wait3A_607 = arith.constant 0 : i32
    %dma_wait3A_608 = tpu.memref_slice %dma_wait3A_606[%dma_wait3A_597, %dma_wait3A_607] : memref<8x128xi32, #tpu.memory_space<vmem>> -> memref<1x128xi32, #tpu.memory_space<vmem>>
    %dma_wait3A_609 = tpu.memref_squeeze %dma_wait3A_608 : memref<1x128xi32, #tpu.memory_space<vmem>> -> memref<128xi32, #tpu.memory_space<vmem>>
    %dma_wait3A_610 = arith.constant 0 : i32
    %dma_wait3A_611 = arith.constant 0 : i32
    %dma_wait3A_612 = tpu.memref_slice %arg5[%dma_wait3A_610, %dma_wait3A_611] : memref<100000x128xf32, #tpu.memory_space<hbm>> -> memref<100000x128xf32, #tpu.memory_space<hbm>>
    tpu.wait_indirect_dma semaphore(%arg15 : memref<!tpu.dma_semaphore, #tpu.memory_space<semaphore_mem>>) src(%dma_wait3A_612 : memref<100000x128xf32, #tpu.memory_space<hbm>>) dst(%dma_wait3A_602 : memref<128x128xf32, #tpu.memory_space<vmem>>)
    %dma_wait3A_613 = arith.constant 1 : i32
    %dma_wait3A_614 = arith.constant 5 : i32
    %dma_wait3A_615 = arith.constant 2 : i32
    %dma_wait3A_616 = arith.constant 0 : i32
    %dma_wait3A_617 = arith.constant 0 : i32
    %dma_wait3A_618 = tpu.memref_slice %arg10[%dma_wait3A_615, %dma_wait3A_616, %dma_wait3A_617] : memref<3x128x128xf32, #tpu.memory_space<vmem>> -> memref<1x128x128xf32, #tpu.memory_space<vmem>>
    %dma_wait3A_619 = tpu.memref_squeeze %dma_wait3A_618 : memref<1x128x128xf32, #tpu.memory_space<vmem>> -> memref<128x128xf32, #tpu.memory_space<vmem>>
    %dma_wait3A_620 = arith.constant 0 : i32
    %dma_wait3A_621 = arith.constant 0 : i32
    %dma_wait3A_622 = tpu.memref_slice %arg8[%dma_wait3A_613, %dma_wait3A_620, %dma_wait3A_621] : memref<3x8x128xi32, #tpu.memory_space<vmem>> -> memref<1x8x128xi32, #tpu.memory_space<vmem>>
    %dma_wait3A_623 = tpu.memref_squeeze %dma_wait3A_622 : memref<1x8x128xi32, #tpu.memory_space<vmem>> -> memref<8x128xi32, #tpu.memory_space<vmem>>
    %dma_wait3A_624 = arith.constant 0 : i32
    %dma_wait3A_625 = tpu.memref_slice %dma_wait3A_623[%dma_wait3A_614, %dma_wait3A_624] : memref<8x128xi32, #tpu.memory_space<vmem>> -> memref<1x128xi32, #tpu.memory_space<vmem>>
    %dma_wait3A_626 = tpu.memref_squeeze %dma_wait3A_625 : memref<1x128xi32, #tpu.memory_space<vmem>> -> memref<128xi32, #tpu.memory_space<vmem>>
    %dma_wait3A_627 = arith.constant 0 : i32
    %dma_wait3A_628 = arith.constant 0 : i32
    %dma_wait3A_629 = tpu.memref_slice %arg6[%dma_wait3A_627, %dma_wait3A_628] : memref<1000x128xf32, #tpu.memory_space<hbm>> -> memref<1000x128xf32, #tpu.memory_space<hbm>>
    tpu.wait_indirect_dma semaphore(%arg15 : memref<!tpu.dma_semaphore, #tpu.memory_space<semaphore_mem>>) src(%dma_wait3A_629 : memref<1000x128xf32, #tpu.memory_space<hbm>>) dst(%dma_wait3A_619 : memref<128x128xf32, #tpu.memory_space<vmem>>)
    %scan3A_630 = arith.constant 0 : i32
    %scan3A_631 = arith.constant 128 : i32
    %scan3A_632 = arith.addi %scan3A_630, %scan3A_631 : i32
    %scan3A_633 = arith.constant 1 : i32
    scf.for %scan3A_867 = %scan3A_630 to %scan3A_632 step %scan3A_633  : i32 {
      %mul3A_868 = arith.constant 1 : i32
      %mul3A_869 = arith.muli %scan3A_867, %mul3A_868 : i32
      %add3A_870 = arith.constant 0 : i32
      %add3A_871 = arith.addi %add3A_870, %mul3A_869 : i32
      %get3A = arith.constant 2 : i32
      %get3A_872 = arith.index_cast %get3A : i32 to index
      %get3A_873 = arith.index_cast %add3A_871 : i32 to index
      %get3A_874 = arith.constant 0 : index
      %get3A_875 = tpu.vector_load %arg9[%get3A_872, %get3A_873, %get3A_874] {strides = array<i32>} : memref<3x128x128xf32, #tpu.memory_space<vmem>>, vector<1x1x16xf32>,
      %get3A_876 = vector.shape_cast %get3A_875 : vector<1x1x16xf32> to vector<16xf32>
      %get3A_877 = arith.constant 2 : i32
      %get3A_878 = arith.index_cast %get3A_877 : i32 to index
      %get3A_879 = arith.index_cast %add3A_871 : i32 to index
      %get3A_880 = arith.constant 0 : index
      %get3A_881 = tpu.vector_load %arg10[%get3A_878, %get3A_879, %get3A_880] {strides = array<i32>} : memref<3x128x128xf32, #tpu.memory_space<vmem>>, vector<1x1x16xf32>,
      %get3A_882 = vector.shape_cast %get3A_881 : vector<1x1x16xf32> to vector<16xf32>
      %add3A_883 = arith.addf %get3A_876, %get3A_882 : vector<16xf32>
      %swap3A = arith.constant 2 : i32
      %swap3A_884 = arith.index_cast %swap3A : i32 to index
      %swap3A_885 = arith.index_cast %add3A_871 : i32 to index
      %swap3A_886 = arith.constant 0 : index
      %swap3A_887 = tpu.vector_load %arg9[%swap3A_884, %swap3A_885, %swap3A_886] {strides = array<i32>} : memref<3x128x128xf32, #tpu.memory_space<vmem>>, vector<1x1x16xf32>,
      %swap3A_888 = vector.shape_cast %swap3A_887 : vector<1x1x16xf32> to vector<16xf32>
      %swap3A_889 = vector.shape_cast %add3A_883 : vector<16xf32> to vector<1x1x16xf32>
      tpu.vector_store %arg9[%swap3A_884, %swap3A_885, %swap3A_886], %swap3A_889 {strides = array<i32>} : memref<3x128x128xf32, #tpu.memory_space<vmem>>, vector<1x1x16xf32>,
      %get3A_890 = arith.constant 2 : i32
      %get3A_891 = arith.index_cast %get3A_890 : i32 to index
      %get3A_892 = arith.index_cast %add3A_871 : i32 to index
      %get3A_893 = arith.constant 16 : index
      %get3A_894 = tpu.vector_load %arg9[%get3A_891, %get3A_892, %get3A_893] {strides = array<i32>} : memref<3x128x128xf32, #tpu.memory_space<vmem>>, vector<1x1x16xf32>,
      %get3A_895 = vector.shape_cast %get3A_894 : vector<1x1x16xf32> to vector<16xf32>
      %get3A_896 = arith.constant 2 : i32
      %get3A_897 = arith.index_cast %get3A_896 : i32 to index
      %get3A_898 = arith.index_cast %add3A_871 : i32 to index
      %get3A_899 = arith.constant 16 : index
      %get3A_900 = tpu.vector_load %arg10[%get3A_897, %get3A_898, %get3A_899] {strides = array<i32>} : memref<3x128x128xf32, #tpu.memory_space<vmem>>, vector<1x1x16xf32>,
      %get3A_901 = vector.shape_cast %get3A_900 : vector<1x1x16xf32> to vector<16xf32>
      %add3A_902 = arith.addf %get3A_895, %get3A_901 : vector<16xf32>
      %swap3A_903 = arith.constant 2 : i32
      %swap3A_904 = arith.index_cast %swap3A_903 : i32 to index
      %swap3A_905 = arith.index_cast %add3A_871 : i32 to index
      %swap3A_906 = arith.constant 16 : index
      %swap3A_907 = tpu.vector_load %arg9[%swap3A_904, %swap3A_905, %swap3A_906] {strides = array<i32>} : memref<3x128x128xf32, #tpu.memory_space<vmem>>, vector<1x1x16xf32>,
      %swap3A_908 = vector.shape_cast %swap3A_907 : vector<1x1x16xf32> to vector<16xf32>
      %swap3A_909 = vector.shape_cast %add3A_902 : vector<16xf32> to vector<1x1x16xf32>
      tpu.vector_store %arg9[%swap3A_904, %swap3A_905, %swap3A_906], %swap3A_909 {strides = array<i32>} : memref<3x128x128xf32, #tpu.memory_space<vmem>>, vector<1x1x16xf32>,
      %get3A_910 = arith.constant 2 : i32
      %get3A_911 = arith.index_cast %get3A_910 : i32 to index
      %get3A_912 = arith.index_cast %add3A_871 : i32 to index
      %get3A_913 = arith.constant 32 : index
      %get3A_914 = tpu.vector_load %arg9[%get3A_911, %get3A_912, %get3A_913] {strides = array<i32>} : memref<3x128x128xf32, #tpu.memory_space<vmem>>, vector<1x1x16xf32>,
      %get3A_915 = vector.shape_cast %get3A_914 : vector<1x1x16xf32> to vector<16xf32>
      %get3A_916 = arith.constant 2 : i32
      %get3A_917 = arith.index_cast %get3A_916 : i32 to index
      %get3A_918 = arith.index_cast %add3A_871 : i32 to index
      %get3A_919 = arith.constant 32 : index
      %get3A_920 = tpu.vector_load %arg10[%get3A_917, %get3A_918, %get3A_919] {strides = array<i32>} : memref<3x128x128xf32, #tpu.memory_space<vmem>>, vector<1x1x16xf32>,
      %get3A_921 = vector.shape_cast %get3A_920 : vector<1x1x16xf32> to vector<16xf32>
      %add3A_922 = arith.addf %get3A_915, %get3A_921 : vector<16xf32>
      %swap3A_923 = arith.constant 2 : i32
      %swap3A_924 = arith.index_cast %swap3A_923 : i32 to index
      %swap3A_925 = arith.index_cast %add3A_871 : i32 to index
      %swap3A_926 = arith.constant 32 : index
      %swap3A_927 = tpu.vector_load %arg9[%swap3A_924, %swap3A_925, %swap3A_926] {strides = array<i32>} : memref<3x128x128xf32, #tpu.memory_space<vmem>>, vector<1x1x16xf32>,
      %swap3A_928 = vector.shape_cast %swap3A_927 : vector<1x1x16xf32> to vector<16xf32>
      %swap3A_929 = vector.shape_cast %add3A_922 : vector<16xf32> to vector<1x1x16xf32>
      tpu.vector_store %arg9[%swap3A_924, %swap3A_925, %swap3A_926], %swap3A_929 {strides = array<i32>} : memref<3x128x128xf32, #tpu.memory_space<vmem>>, vector<1x1x16xf32>,
      %get3A_930 = arith.constant 2 : i32
      %get3A_931 = arith.index_cast %get3A_930 : i32 to index
      %get3A_932 = arith.index_cast %add3A_871 : i32 to index
      %get3A_933 = arith.constant 48 : index
      %get3A_934 = tpu.vector_load %arg9[%get3A_931, %get3A_932, %get3A_933] {strides = array<i32>} : memref<3x128x128xf32, #tpu.memory_space<vmem>>, vector<1x1x16xf32>,
      %get3A_935 = vector.shape_cast %get3A_934 : vector<1x1x16xf32> to vector<16xf32>
      %get3A_936 = arith.constant 2 : i32
      %get3A_937 = arith.index_cast %get3A_936 : i32 to index
      %get3A_938 = arith.index_cast %add3A_871 : i32 to index
      %get3A_939 = arith.constant 48 : index
      %get3A_940 = tpu.vector_load %arg10[%get3A_937, %get3A_938, %get3A_939] {strides = array<i32>} : memref<3x128x128xf32, #tpu.memory_space<vmem>>, vector<1x1x16xf32>,
      %get3A_941 = vector.shape_cast %get3A_940 : vector<1x1x16xf32> to vector<16xf32>
      %add3A_942 = arith.addf %get3A_935, %get3A_941 : vector<16xf32>
      %swap3A_943 = arith.constant 2 : i32
      %swap3A_944 = arith.index_cast %swap3A_943 : i32 to index
      %swap3A_945 = arith.index_cast %add3A_871 : i32 to index
      %swap3A_946 = arith.constant 48 : index
      %swap3A_947 = tpu.vector_load %arg9[%swap3A_944, %swap3A_945, %swap3A_946] {strides = array<i32>} : memref<3x128x128xf32, #tpu.memory_space<vmem>>, vector<1x1x16xf32>,
      %swap3A_948 = vector.shape_cast %swap3A_947 : vector<1x1x16xf32> to vector<16xf32>
      %swap3A_949 = vector.shape_cast %add3A_942 : vector<16xf32> to vector<1x1x16xf32>
      tpu.vector_store %arg9[%swap3A_944, %swap3A_945, %swap3A_946], %swap3A_949 {strides = array<i32>} : memref<3x128x128xf32, #tpu.memory_space<vmem>>, vector<1x1x16xf32>,
      %get3A_950 = arith.constant 2 : i32
      %get3A_951 = arith.index_cast %get3A_950 : i32 to index
      %get3A_952 = arith.index_cast %add3A_871 : i32 to index
      %get3A_953 = arith.constant 64 : index
      %get3A_954 = tpu.vector_load %arg9[%get3A_951, %get3A_952, %get3A_953] {strides = array<i32>} : memref<3x128x128xf32, #tpu.memory_space<vmem>>, vector<1x1x16xf32>,
      %get3A_955 = vector.shape_cast %get3A_954 : vector<1x1x16xf32> to vector<16xf32>
      %get3A_956 = arith.constant 2 : i32
      %get3A_957 = arith.index_cast %get3A_956 : i32 to index
      %get3A_958 = arith.index_cast %add3A_871 : i32 to index
      %get3A_959 = arith.constant 64 : index
      %get3A_960 = tpu.vector_load %arg10[%get3A_957, %get3A_958, %get3A_959] {strides = array<i32>} : memref<3x128x128xf32, #tpu.memory_space<vmem>>, vector<1x1x16xf32>,
      %get3A_961 = vector.shape_cast %get3A_960 : vector<1x1x16xf32> to vector<16xf32>
      %add3A_962 = arith.addf %get3A_955, %get3A_961 : vector<16xf32>
      %swap3A_963 = arith.constant 2 : i32
      %swap3A_964 = arith.index_cast %swap3A_963 : i32 to index
      %swap3A_965 = arith.index_cast %add3A_871 : i32 to index
      %swap3A_966 = arith.constant 64 : index
      %swap3A_967 = tpu.vector_load %arg9[%swap3A_964, %swap3A_965, %swap3A_966] {strides = array<i32>} : memref<3x128x128xf32, #tpu.memory_space<vmem>>, vector<1x1x16xf32>,
      %swap3A_968 = vector.shape_cast %swap3A_967 : vector<1x1x16xf32> to vector<16xf32>
      %swap3A_969 = vector.shape_cast %add3A_962 : vector<16xf32> to vector<1x1x16xf32>
      tpu.vector_store %arg9[%swap3A_964, %swap3A_965, %swap3A_966], %swap3A_969 {strides = array<i32>} : memref<3x128x128xf32, #tpu.memory_space<vmem>>, vector<1x1x16xf32>,
      %get3A_970 = arith.constant 2 : i32
      %get3A_971 = arith.index_cast %get3A_970 : i32 to index
      %get3A_972 = arith.index_cast %add3A_871 : i32 to index
      %get3A_973 = arith.constant 80 : index
      %get3A_974 = tpu.vector_load %arg9[%get3A_971, %get3A_972, %get3A_973] {strides = array<i32>} : memref<3x128x128xf32, #tpu.memory_space<vmem>>, vector<1x1x16xf32>,
      %get3A_975 = vector.shape_cast %get3A_974 : vector<1x1x16xf32> to vector<16xf32>
      %get3A_976 = arith.constant 2 : i32
      %get3A_977 = arith.index_cast %get3A_976 : i32 to index
      %get3A_978 = arith.index_cast %add3A_871 : i32 to index
      %get3A_979 = arith.constant 80 : index
      %get3A_980 = tpu.vector_load %arg10[%get3A_977, %get3A_978, %get3A_979] {strides = array<i32>} : memref<3x128x128xf32, #tpu.memory_space<vmem>>, vector<1x1x16xf32>,
      %get3A_981 = vector.shape_cast %get3A_980 : vector<1x1x16xf32> to vector<16xf32>
      %add3A_982 = arith.addf %get3A_975, %get3A_981 : vector<16xf32>
      %swap3A_983 = arith.constant 2 : i32
      %swap3A_984 = arith.index_cast %swap3A_983 : i32 to index
      %swap3A_985 = arith.index_cast %add3A_871 : i32 to index
      %swap3A_986 = arith.constant 80 : index
      %swap3A_987 = tpu.vector_load %arg9[%swap3A_984, %swap3A_985, %swap3A_986] {strides = array<i32>} : memref<3x128x128xf32, #tpu.memory_space<vmem>>, vector<1x1x16xf32>,
      %swap3A_988 = vector.shape_cast %swap3A_987 : vector<1x1x16xf32> to vector<16xf32>
      %swap3A_989 = vector.shape_cast %add3A_982 : vector<16xf32> to vector<1x1x16xf32>
      tpu.vector_store %arg9[%swap3A_984, %swap3A_985, %swap3A_986], %swap3A_989 {strides = array<i32>} : memref<3x128x128xf32, #tpu.memory_space<vmem>>, vector<1x1x16xf32>,
      %get3A_990 = arith.constant 2 : i32
      %get3A_991 = arith.index_cast %get3A_990 : i32 to index
      %get3A_992 = arith.index_cast %add3A_871 : i32 to index
      %get3A_993 = arith.constant 96 : index
      %get3A_994 = tpu.vector_load %arg9[%get3A_991, %get3A_992, %get3A_993] {strides = array<i32>} : memref<3x128x128xf32, #tpu.memory_space<vmem>>, vector<1x1x16xf32>,
      %get3A_995 = vector.shape_cast %get3A_994 : vector<1x1x16xf32> to vector<16xf32>
      %get3A_996 = arith.constant 2 : i32
      %get3A_997 = arith.index_cast %get3A_996 : i32 to index
      %get3A_998 = arith.index_cast %add3A_871 : i32 to index
      %get3A_999 = arith.constant 96 : index
      %get3A_1000 = tpu.vector_load %arg10[%get3A_997, %get3A_998, %get3A_999] {strides = array<i32>} : memref<3x128x128xf32, #tpu.memory_space<vmem>>, vector<1x1x16xf32>,
      %get3A_1001 = vector.shape_cast %get3A_1000 : vector<1x1x16xf32> to vector<16xf32>
      %add3A_1002 = arith.addf %get3A_995, %get3A_1001 : vector<16xf32>
      %swap3A_1003 = arith.constant 2 : i32
      %swap3A_1004 = arith.index_cast %swap3A_1003 : i32 to index
      %swap3A_1005 = arith.index_cast %add3A_871 : i32 to index
      %swap3A_1006 = arith.constant 96 : index
      %swap3A_1007 = tpu.vector_load %arg9[%swap3A_1004, %swap3A_1005, %swap3A_1006] {strides = array<i32>} : memref<3x128x128xf32, #tpu.memory_space<vmem>>, vector<1x1x16xf32>,
      %swap3A_1008 = vector.shape_cast %swap3A_1007 : vector<1x1x16xf32> to vector<16xf32>
      %swap3A_1009 = vector.shape_cast %add3A_1002 : vector<16xf32> to vector<1x1x16xf32>
      tpu.vector_store %arg9[%swap3A_1004, %swap3A_1005, %swap3A_1006], %swap3A_1009 {strides = array<i32>} : memref<3x128x128xf32, #tpu.memory_space<vmem>>, vector<1x1x16xf32>,
      %get3A_1010 = arith.constant 2 : i32
      %get3A_1011 = arith.index_cast %get3A_1010 : i32 to index
      %get3A_1012 = arith.index_cast %add3A_871 : i32 to index
      %get3A_1013 = arith.constant 112 : index
      %get3A_1014 = tpu.vector_load %arg9[%get3A_1011, %get3A_1012, %get3A_1013] {strides = array<i32>} : memref<3x128x128xf32, #tpu.memory_space<vmem>>, vector<1x1x16xf32>,
      %get3A_1015 = vector.shape_cast %get3A_1014 : vector<1x1x16xf32> to vector<16xf32>
      %get3A_1016 = arith.constant 2 : i32
      %get3A_1017 = arith.index_cast %get3A_1016 : i32 to index
      %get3A_1018 = arith.index_cast %add3A_871 : i32 to index
      %get3A_1019 = arith.constant 112 : index
      %get3A_1020 = tpu.vector_load %arg10[%get3A_1017, %get3A_1018, %get3A_1019] {strides = array<i32>} : memref<3x128x128xf32, #tpu.memory_space<vmem>>, vector<1x1x16xf32>,
      %get3A_1021 = vector.shape_cast %get3A_1020 : vector<1x1x16xf32> to vector<16xf32>
      %add3A_1022 = arith.addf %get3A_1015, %get3A_1021 : vector<16xf32>
      %swap3A_1023 = arith.constant 2 : i32
      %swap3A_1024 = arith.index_cast %swap3A_1023 : i32 to index
      %swap3A_1025 = arith.index_cast %add3A_871 : i32 to index
      %swap3A_1026 = arith.constant 112 : index
      %swap3A_1027 = tpu.vector_load %arg9[%swap3A_1024, %swap3A_1025, %swap3A_1026] {strides = array<i32>} : memref<3x128x128xf32, #tpu.memory_space<vmem>>, vector<1x1x16xf32>,
      %swap3A_1028 = vector.shape_cast %swap3A_1027 : vector<1x1x16xf32> to vector<16xf32>
      %swap3A_1029 = vector.shape_cast %add3A_1022 : vector<16xf32> to vector<1x1x16xf32>
      tpu.vector_store %arg9[%swap3A_1024, %swap3A_1025, %swap3A_1026], %swap3A_1029 {strides = array<i32>} : memref<3x128x128xf32, #tpu.memory_space<vmem>>, vector<1x1x16xf32>,
    }
    %scan3A_634 = arith.constant 128 : i32
    %dma_start3A_635 = arith.constant 2 : i32
    %dma_start3A_636 = arith.constant 2 : i32
    %dma_start3A_637 = arith.constant 5 : i32
    %dma_start3A_638 = arith.constant 0 : i32
    %dma_start3A_639 = arith.constant 0 : i32
    %dma_start3A_640 = tpu.memref_slice %arg9[%dma_start3A_635, %dma_start3A_638, %dma_start3A_639] : memref<3x128x128xf32, #tpu.memory_space<vmem>> -> memref<1x128x128xf32, #tpu.memory_space<vmem>>
    %dma_start3A_641 = tpu.memref_squeeze %dma_start3A_640 : memref<1x128x128xf32, #tpu.memory_space<vmem>> -> memref<128x128xf32, #tpu.memory_space<vmem>>
    %dma_start3A_642 = arith.constant 0 : i32
    %dma_start3A_643 = arith.constant 0 : i32
    %dma_start3A_644 = tpu.memref_slice %arg8[%dma_start3A_636, %dma_start3A_642, %dma_start3A_643] : memref<3x8x128xi32, #tpu.memory_space<vmem>> -> memref<1x8x128xi32, #tpu.memory_space<vmem>>
    %dma_start3A_645 = tpu.memref_squeeze %dma_start3A_644 : memref<1x8x128xi32, #tpu.memory_space<vmem>> -> memref<8x128xi32, #tpu.memory_space<vmem>>
    %dma_start3A_646 = arith.constant 0 : i32
    %dma_start3A_647 = tpu.memref_slice %dma_start3A_645[%dma_start3A_637, %dma_start3A_646] : memref<8x128xi32, #tpu.memory_space<vmem>> -> memref<1x128xi32, #tpu.memory_space<vmem>>
    %dma_start3A_648 = tpu.memref_squeeze %dma_start3A_647 : memref<1x128xi32, #tpu.memory_space<vmem>> -> memref<128xi32, #tpu.memory_space<vmem>>
    %dma_start3A_649 = arith.constant 0 : i32
    %dma_start3A_650 = arith.constant 0 : i32
    %dma_start3A_651 = tpu.memref_slice %arg12[%dma_start3A_649, %dma_start3A_650] : memref<512x128xf32, #tpu.memory_space<vmem_shared>> -> memref<512x128xf32, #tpu.memory_space<vmem_shared>>
    tpu.enqueue_indirect_dma source(%dma_start3A_641 : memref<128x128xf32, #tpu.memory_space<vmem>>) target(%dma_start3A_651 : memref<512x128xf32, #tpu.memory_space<vmem_shared>>) offsets(%dma_start3A_648 : memref<128xi32, #tpu.memory_space<vmem>>) semaphore(%arg18 : memref<!tpu.dma_semaphore, #tpu.memory_space<semaphore_mem>>) {add = true}
    %dma_wait3A_652 = arith.constant 1 : i32
    %dma_wait3A_653 = arith.constant 2 : i32
    %dma_wait3A_654 = arith.constant 4 : i32
    %dma_wait3A_655 = arith.constant 0 : i32
    %dma_wait3A_656 = arith.constant 0 : i32
    %dma_wait3A_657 = tpu.memref_slice %arg9[%dma_wait3A_652, %dma_wait3A_655, %dma_wait3A_656] : memref<3x128x128xf32, #tpu.memory_space<vmem>> -> memref<1x128x128xf32, #tpu.memory_space<vmem>>
    %dma_wait3A_658 = tpu.memref_squeeze %dma_wait3A_657 : memref<1x128x128xf32, #tpu.memory_space<vmem>> -> memref<128x128xf32, #tpu.memory_space<vmem>>
    %dma_wait3A_659 = arith.constant 0 : i32
    %dma_wait3A_660 = arith.constant 0 : i32
    %dma_wait3A_661 = tpu.memref_slice %arg8[%dma_wait3A_653, %dma_wait3A_659, %dma_wait3A_660] : memref<3x8x128xi32, #tpu.memory_space<vmem>> -> memref<1x8x128xi32, #tpu.memory_space<vmem>>
    %dma_wait3A_662 = tpu.memref_squeeze %dma_wait3A_661 : memref<1x8x128xi32, #tpu.memory_space<vmem>> -> memref<8x128xi32, #tpu.memory_space<vmem>>
    %dma_wait3A_663 = arith.constant 0 : i32
    %dma_wait3A_664 = tpu.memref_slice %dma_wait3A_662[%dma_wait3A_654, %dma_wait3A_663] : memref<8x128xi32, #tpu.memory_space<vmem>> -> memref<1x128xi32, #tpu.memory_space<vmem>>
    %dma_wait3A_665 = tpu.memref_squeeze %dma_wait3A_664 : memref<1x128xi32, #tpu.memory_space<vmem>> -> memref<128xi32, #tpu.memory_space<vmem>>
    %dma_wait3A_666 = arith.constant 0 : i32
    %dma_wait3A_667 = arith.constant 0 : i32
    %dma_wait3A_668 = tpu.memref_slice %arg12[%dma_wait3A_666, %dma_wait3A_667] : memref<512x128xf32, #tpu.memory_space<vmem_shared>> -> memref<512x128xf32, #tpu.memory_space<vmem_shared>>
    tpu.wait_indirect_dma semaphore(%arg17 : memref<!tpu.dma_semaphore, #tpu.memory_space<semaphore_mem>>) src(%dma_wait3A_658 : memref<128x128xf32, #tpu.memory_space<vmem>>) dst(%dma_wait3A_668 : memref<512x128xf32, #tpu.memory_space<vmem_shared>>)
    %dma_start3A_669 = arith.constant 0 : i32
    %dma_start3A_670 = arith.constant 7 : i32
    %dma_start3A_671 = arith.constant 1 : i32
    %dma_start3A_672 = arith.constant 0 : i32
    %dma_start3A_673 = arith.constant 0 : i32
    %dma_start3A_674 = tpu.memref_slice %arg9[%dma_start3A_671, %dma_start3A_672, %dma_start3A_673] : memref<3x128x128xf32, #tpu.memory_space<vmem>> -> memref<1x128x128xf32, #tpu.memory_space<vmem>>
    %dma_start3A_675 = tpu.memref_squeeze %dma_start3A_674 : memref<1x128x128xf32, #tpu.memory_space<vmem>> -> memref<128x128xf32, #tpu.memory_space<vmem>>
    %dma_start3A_676 = arith.constant 0 : i32
    %dma_start3A_677 = arith.constant 0 : i32
    %dma_start3A_678 = tpu.memref_slice %arg8[%dma_start3A_669, %dma_start3A_676, %dma_start3A_677] : memref<3x8x128xi32, #tpu.memory_space<vmem>> -> memref<1x8x128xi32, #tpu.memory_space<vmem>>
    %dma_start3A_679 = tpu.memref_squeeze %dma_start3A_678 : memref<1x8x128xi32, #tpu.memory_space<vmem>> -> memref<8x128xi32, #tpu.memory_space<vmem>>
    %dma_start3A_680 = arith.constant 0 : i32
    %dma_start3A_681 = tpu.memref_slice %dma_start3A_679[%dma_start3A_670, %dma_start3A_680] : memref<8x128xi32, #tpu.memory_space<vmem>> -> memref<1x128xi32, #tpu.memory_space<vmem>>
    %dma_start3A_682 = tpu.memref_squeeze %dma_start3A_681 : memref<1x128xi32, #tpu.memory_space<vmem>> -> memref<128xi32, #tpu.memory_space<vmem>>
    %dma_start3A_683 = arith.constant 0 : i32
    %dma_start3A_684 = arith.constant 0 : i32
    %dma_start3A_685 = tpu.memref_slice %arg5[%dma_start3A_683, %dma_start3A_684] : memref<100000x128xf32, #tpu.memory_space<hbm>> -> memref<100000x128xf32, #tpu.memory_space<hbm>>
    tpu.enqueue_indirect_dma source(%dma_start3A_685 : memref<100000x128xf32, #tpu.memory_space<hbm>>) target(%dma_start3A_675 : memref<128x128xf32, #tpu.memory_space<vmem>>) offsets(%dma_start3A_682 : memref<128xi32, #tpu.memory_space<vmem>>) semaphore(%arg14 : memref<!tpu.dma_semaphore, #tpu.memory_space<semaphore_mem>>)
    %dma_start3A_686 = arith.constant 1 : i32
    %dma_start3A_687 = arith.constant 7 : i32
    %dma_start3A_688 = arith.constant 1 : i32
    %dma_start3A_689 = arith.constant 0 : i32
    %dma_start3A_690 = arith.constant 0 : i32
    %dma_start3A_691 = tpu.memref_slice %arg10[%dma_start3A_688, %dma_start3A_689, %dma_start3A_690] : memref<3x128x128xf32, #tpu.memory_space<vmem>> -> memref<1x128x128xf32, #tpu.memory_space<vmem>>
    %dma_start3A_692 = tpu.memref_squeeze %dma_start3A_691 : memref<1x128x128xf32, #tpu.memory_space<vmem>> -> memref<128x128xf32, #tpu.memory_space<vmem>>
    %dma_start3A_693 = arith.constant 0 : i32
    %dma_start3A_694 = arith.constant 0 : i32
    %dma_start3A_695 = tpu.memref_slice %arg8[%dma_start3A_686, %dma_start3A_693, %dma_start3A_694] : memref<3x8x128xi32, #tpu.memory_space<vmem>> -> memref<1x8x128xi32, #tpu.memory_space<vmem>>
    %dma_start3A_696 = tpu.memref_squeeze %dma_start3A_695 : memref<1x8x128xi32, #tpu.memory_space<vmem>> -> memref<8x128xi32, #tpu.memory_space<vmem>>
    %dma_start3A_697 = arith.constant 0 : i32
    %dma_start3A_698 = tpu.memref_slice %dma_start3A_696[%dma_start3A_687, %dma_start3A_697] : memref<8x128xi32, #tpu.memory_space<vmem>> -> memref<1x128xi32, #tpu.memory_space<vmem>>
    %dma_start3A_699 = tpu.memref_squeeze %dma_start3A_698 : memref<1x128xi32, #tpu.memory_space<vmem>> -> memref<128xi32, #tpu.memory_space<vmem>>
    %dma_start3A_700 = arith.constant 0 : i32
    %dma_start3A_701 = arith.constant 0 : i32
    %dma_start3A_702 = tpu.memref_slice %arg6[%dma_start3A_700, %dma_start3A_701] : memref<1000x128xf32, #tpu.memory_space<hbm>> -> memref<1000x128xf32, #tpu.memory_space<hbm>>
    tpu.enqueue_indirect_dma source(%dma_start3A_702 : memref<1000x128xf32, #tpu.memory_space<hbm>>) target(%dma_start3A_692 : memref<128x128xf32, #tpu.memory_space<vmem>>) offsets(%dma_start3A_699 : memref<128xi32, #tpu.memory_space<vmem>>) semaphore(%arg14 : memref<!tpu.dma_semaphore, #tpu.memory_space<semaphore_mem>>)
    %dma_wait3A_703 = arith.constant 0 : i32
    %dma_wait3A_704 = arith.constant 6 : i32
    %dma_wait3A_705 = arith.constant 0 : i32
    %dma_wait3A_706 = arith.constant 0 : i32
    %dma_wait3A_707 = arith.constant 0 : i32
    %dma_wait3A_708 = tpu.memref_slice %arg9[%dma_wait3A_705, %dma_wait3A_706, %dma_wait3A_707] : memref<3x128x128xf32, #tpu.memory_space<vmem>> -> memref<1x128x128xf32, #tpu.memory_space<vmem>>
    %dma_wait3A_709 = tpu.memref_squeeze %dma_wait3A_708 : memref<1x128x128xf32, #tpu.memory_space<vmem>> -> memref<128x128xf32, #tpu.memory_space<vmem>>
    %dma_wait3A_710 = arith.constant 0 : i32
    %dma_wait3A_711 = arith.constant 0 : i32
    %dma_wait3A_712 = tpu.memref_slice %arg8[%dma_wait3A_703, %dma_wait3A_710, %dma_wait3A_711] : memref<3x8x128xi32, #tpu.memory_space<vmem>> -> memref<1x8x128xi32, #tpu.memory_space<vmem>>
    %dma_wait3A_713 = tpu.memref_squeeze %dma_wait3A_712 : memref<1x8x128xi32, #tpu.memory_space<vmem>> -> memref<8x128xi32, #tpu.memory_space<vmem>>
    %dma_wait3A_714 = arith.constant 0 : i32
    %dma_wait3A_715 = tpu.memref_slice %dma_wait3A_713[%dma_wait3A_704, %dma_wait3A_714] : memref<8x128xi32, #tpu.memory_space<vmem>> -> memref<1x128xi32, #tpu.memory_space<vmem>>
    %dma_wait3A_716 = tpu.memref_squeeze %dma_wait3A_715 : memref<1x128xi32, #tpu.memory_space<vmem>> -> memref<128xi32, #tpu.memory_space<vmem>>
    %dma_wait3A_717 = arith.constant 0 : i32
    %dma_wait3A_718 = arith.constant 0 : i32
    %dma_wait3A_719 = tpu.memref_slice %arg5[%dma_wait3A_717, %dma_wait3A_718] : memref<100000x128xf32, #tpu.memory_space<hbm>> -> memref<100000x128xf32, #tpu.memory_space<hbm>>
    tpu.wait_indirect_dma semaphore(%arg13 : memref<!tpu.dma_semaphore, #tpu.memory_space<semaphore_mem>>) src(%dma_wait3A_719 : memref<100000x128xf32, #tpu.memory_space<hbm>>) dst(%dma_wait3A_709 : memref<128x128xf32, #tpu.memory_space<vmem>>)
    %dma_wait3A_720 = arith.constant 1 : i32
    %dma_wait3A_721 = arith.constant 6 : i32
    %dma_wait3A_722 = arith.constant 0 : i32
    %dma_wait3A_723 = arith.constant 0 : i32
    %dma_wait3A_724 = arith.constant 0 : i32
    %dma_wait3A_725 = tpu.memref_slice %arg10[%dma_wait3A_722, %dma_wait3A_723, %dma_wait3A_724] : memref<3x128x128xf32, #tpu.memory_space<vmem>> -> memref<1x128x128xf32, #tpu.memory_space<vmem>>
    %dma_wait3A_726 = tpu.memref_squeeze %dma_wait3A_725 : memref<1x128x128xf32, #tpu.memory_space<vmem>> -> memref<128x128xf32, #tpu.memory_space<vmem>>
    %dma_wait3A_727 = arith.constant 0 : i32
    %dma_wait3A_728 = arith.constant 0 : i32
    %dma_wait3A_729 = tpu.memref_slice %arg8[%dma_wait3A_720, %dma_wait3A_727, %dma_wait3A_728] : memref<3x8x128xi32, #tpu.memory_space<vmem>> -> memref<1x8x128xi32, #tpu.memory_space<vmem>>
    %dma_wait3A_730 = tpu.memref_squeeze %dma_wait3A_729 : memref<1x8x128xi32, #tpu.memory_space<vmem>> -> memref<8x128xi32, #tpu.memory_space<vmem>>
    %dma_wait3A_731 = arith.constant 0 : i32
    %dma_wait3A_732 = tpu.memref_slice %dma_wait3A_730[%dma_wait3A_721, %dma_wait3A_731] : memref<8x128xi32, #tpu.memory_space<vmem>> -> memref<1x128xi32, #tpu.memory_space<vmem>>
    %dma_wait3A_733 = tpu.memref_squeeze %dma_wait3A_732 : memref<1x128xi32, #tpu.memory_space<vmem>> -> memref<128xi32, #tpu.memory_space<vmem>>
    %dma_wait3A_734 = arith.constant 0 : i32
    %dma_wait3A_735 = arith.constant 0 : i32
    %dma_wait3A_736 = tpu.memref_slice %arg6[%dma_wait3A_734, %dma_wait3A_735] : memref<1000x128xf32, #tpu.memory_space<hbm>> -> memref<1000x128xf32, #tpu.memory_space<hbm>>
    tpu.wait_indirect_dma semaphore(%arg13 : memref<!tpu.dma_semaphore, #tpu.memory_space<semaphore_mem>>) src(%dma_wait3A_736 : memref<1000x128xf32, #tpu.memory_space<hbm>>) dst(%dma_wait3A_726 : memref<128x128xf32, #tpu.memory_space<vmem>>)
    %scan3A_737 = arith.constant 0 : i32
    %scan3A_738 = arith.constant 128 : i32
    %scan3A_739 = arith.addi %scan3A_737, %scan3A_738 : i32
    %scan3A_740 = arith.constant 1 : i32
    scf.for %scan3A_867 = %scan3A_737 to %scan3A_739 step %scan3A_740  : i32 {
      %mul3A_868 = arith.constant 1 : i32
      %mul3A_869 = arith.muli %scan3A_867, %mul3A_868 : i32
      %add3A_870 = arith.constant 0 : i32
      %add3A_871 = arith.addi %add3A_870, %mul3A_869 : i32
      %get3A = arith.constant 0 : i32
      %get3A_872 = arith.index_cast %get3A : i32 to index
      %get3A_873 = arith.index_cast %add3A_871 : i32 to index
      %get3A_874 = arith.constant 0 : index
      %get3A_875 = tpu.vector_load %arg9[%get3A_872, %get3A_873, %get3A_874] {strides = array<i32>} : memref<3x128x128xf32, #tpu.memory_space<vmem>>, vector<1x1x16xf32>,
      %get3A_876 = vector.shape_cast %get3A_875 : vector<1x1x16xf32> to vector<16xf32>
      %get3A_877 = arith.constant 0 : i32
      %get3A_878 = arith.index_cast %get3A_877 : i32 to index
      %get3A_879 = arith.index_cast %add3A_871 : i32 to index
      %get3A_880 = arith.constant 0 : index
      %get3A_881 = tpu.vector_load %arg10[%get3A_878, %get3A_879, %get3A_880] {strides = array<i32>} : memref<3x128x128xf32, #tpu.memory_space<vmem>>, vector<1x1x16xf32>,
      %get3A_882 = vector.shape_cast %get3A_881 : vector<1x1x16xf32> to vector<16xf32>
      %add3A_883 = arith.addf %get3A_876, %get3A_882 : vector<16xf32>
      %swap3A = arith.constant 0 : i32
      %swap3A_884 = arith.index_cast %swap3A : i32 to index
      %swap3A_885 = arith.index_cast %add3A_871 : i32 to index
      %swap3A_886 = arith.constant 0 : index
      %swap3A_887 = tpu.vector_load %arg9[%swap3A_884, %swap3A_885, %swap3A_886] {strides = array<i32>} : memref<3x128x128xf32, #tpu.memory_space<vmem>>, vector<1x1x16xf32>,
      %swap3A_888 = vector.shape_cast %swap3A_887 : vector<1x1x16xf32> to vector<16xf32>
      %swap3A_889 = vector.shape_cast %add3A_883 : vector<16xf32> to vector<1x1x16xf32>
      tpu.vector_store %arg9[%swap3A_884, %swap3A_885, %swap3A_886], %swap3A_889 {strides = array<i32>} : memref<3x128x128xf32, #tpu.memory_space<vmem>>, vector<1x1x16xf32>,
      %get3A_890 = arith.constant 0 : i32
      %get3A_891 = arith.index_cast %get3A_890 : i32 to index
      %get3A_892 = arith.index_cast %add3A_871 : i32 to index
      %get3A_893 = arith.constant 16 : index
      %get3A_894 = tpu.vector_load %arg9[%get3A_891, %get3A_892, %get3A_893] {strides = array<i32>} : memref<3x128x128xf32, #tpu.memory_space<vmem>>, vector<1x1x16xf32>,
      %get3A_895 = vector.shape_cast %get3A_894 : vector<1x1x16xf32> to vector<16xf32>
      %get3A_896 = arith.constant 0 : i32
      %get3A_897 = arith.index_cast %get3A_896 : i32 to index
      %get3A_898 = arith.index_cast %add3A_871 : i32 to index
      %get3A_899 = arith.constant 16 : index
      %get3A_900 = tpu.vector_load %arg10[%get3A_897, %get3A_898, %get3A_899] {strides = array<i32>} : memref<3x128x128xf32, #tpu.memory_space<vmem>>, vector<1x1x16xf32>,
      %get3A_901 = vector.shape_cast %get3A_900 : vector<1x1x16xf32> to vector<16xf32>
      %add3A_902 = arith.addf %get3A_895, %get3A_901 : vector<16xf32>
      %swap3A_903 = arith.constant 0 : i32
      %swap3A_904 = arith.index_cast %swap3A_903 : i32 to index
      %swap3A_905 = arith.index_cast %add3A_871 : i32 to index
      %swap3A_906 = arith.constant 16 : index
      %swap3A_907 = tpu.vector_load %arg9[%swap3A_904, %swap3A_905, %swap3A_906] {strides = array<i32>} : memref<3x128x128xf32, #tpu.memory_space<vmem>>, vector<1x1x16xf32>,
      %swap3A_908 = vector.shape_cast %swap3A_907 : vector<1x1x16xf32> to vector<16xf32>
      %swap3A_909 = vector.shape_cast %add3A_902 : vector<16xf32> to vector<1x1x16xf32>
      tpu.vector_store %arg9[%swap3A_904, %swap3A_905, %swap3A_906], %swap3A_909 {strides = array<i32>} : memref<3x128x128xf32, #tpu.memory_space<vmem>>, vector<1x1x16xf32>,
      %get3A_910 = arith.constant 0 : i32
      %get3A_911 = arith.index_cast %get3A_910 : i32 to index
      %get3A_912 = arith.index_cast %add3A_871 : i32 to index
      %get3A_913 = arith.constant 32 : index
      %get3A_914 = tpu.vector_load %arg9[%get3A_911, %get3A_912, %get3A_913] {strides = array<i32>} : memref<3x128x128xf32, #tpu.memory_space<vmem>>, vector<1x1x16xf32>,
      %get3A_915 = vector.shape_cast %get3A_914 : vector<1x1x16xf32> to vector<16xf32>
      %get3A_916 = arith.constant 0 : i32
      %get3A_917 = arith.index_cast %get3A_916 : i32 to index
      %get3A_918 = arith.index_cast %add3A_871 : i32 to index
      %get3A_919 = arith.constant 32 : index
      %get3A_920 = tpu.vector_load %arg10[%get3A_917, %get3A_918, %get3A_919] {strides = array<i32>} : memref<3x128x128xf32, #tpu.memory_space<vmem>>, vector<1x1x16xf32>,
      %get3A_921 = vector.shape_cast %get3A_920 : vector<1x1x16xf32> to vector<16xf32>
      %add3A_922 = arith.addf %get3A_915, %get3A_921 : vector<16xf32>
      %swap3A_923 = arith.constant 0 : i32
      %swap3A_924 = arith.index_cast %swap3A_923 : i32 to index
      %swap3A_925 = arith.index_cast %add3A_871 : i32 to index
      %swap3A_926 = arith.constant 32 : index
      %swap3A_927 = tpu.vector_load %arg9[%swap3A_924, %swap3A_925, %swap3A_926] {strides = array<i32>} : memref<3x128x128xf32, #tpu.memory_space<vmem>>, vector<1x1x16xf32>,
      %swap3A_928 = vector.shape_cast %swap3A_927 : vector<1x1x16xf32> to vector<16xf32>
      %swap3A_929 = vector.shape_cast %add3A_922 : vector<16xf32> to vector<1x1x16xf32>
      tpu.vector_store %arg9[%swap3A_924, %swap3A_925, %swap3A_926], %swap3A_929 {strides = array<i32>} : memref<3x128x128xf32, #tpu.memory_space<vmem>>, vector<1x1x16xf32>,
      %get3A_930 = arith.constant 0 : i32
      %get3A_931 = arith.index_cast %get3A_930 : i32 to index
      %get3A_932 = arith.index_cast %add3A_871 : i32 to index
      %get3A_933 = arith.constant 48 : index
      %get3A_934 = tpu.vector_load %arg9[%get3A_931, %get3A_932, %get3A_933] {strides = array<i32>} : memref<3x128x128xf32, #tpu.memory_space<vmem>>, vector<1x1x16xf32>,
      %get3A_935 = vector.shape_cast %get3A_934 : vector<1x1x16xf32> to vector<16xf32>
      %get3A_936 = arith.constant 0 : i32
      %get3A_937 = arith.index_cast %get3A_936 : i32 to index
      %get3A_938 = arith.index_cast %add3A_871 : i32 to index
      %get3A_939 = arith.constant 48 : index
      %get3A_940 = tpu.vector_load %arg10[%get3A_937, %get3A_938, %get3A_939] {strides = array<i32>} : memref<3x128x128xf32, #tpu.memory_space<vmem>>, vector<1x1x16xf32>,
      %get3A_941 = vector.shape_cast %get3A_940 : vector<1x1x16xf32> to vector<16xf32>
      %add3A_942 = arith.addf %get3A_935, %get3A_941 : vector<16xf32>
      %swap3A_943 = arith.constant 0 : i32
      %swap3A_944 = arith.index_cast %swap3A_943 : i32 to index
      %swap3A_945 = arith.index_cast %add3A_871 : i32 to index
      %swap3A_946 = arith.constant 48 : index
      %swap3A_947 = tpu.vector_load %arg9[%swap3A_944, %swap3A_945, %swap3A_946] {strides = array<i32>} : memref<3x128x128xf32, #tpu.memory_space<vmem>>, vector<1x1x16xf32>,
      %swap3A_948 = vector.shape_cast %swap3A_947 : vector<1x1x16xf32> to vector<16xf32>
      %swap3A_949 = vector.shape_cast %add3A_942 : vector<16xf32> to vector<1x1x16xf32>
      tpu.vector_store %arg9[%swap3A_944, %swap3A_945, %swap3A_946], %swap3A_949 {strides = array<i32>} : memref<3x128x128xf32, #tpu.memory_space<vmem>>, vector<1x1x16xf32>,
      %get3A_950 = arith.constant 0 : i32
      %get3A_951 = arith.index_cast %get3A_950 : i32 to index
      %get3A_952 = arith.index_cast %add3A_871 : i32 to index
      %get3A_953 = arith.constant 64 : index
      %get3A_954 = tpu.vector_load %arg9[%get3A_951, %get3A_952, %get3A_953] {strides = array<i32>} : memref<3x128x128xf32, #tpu.memory_space<vmem>>, vector<1x1x16xf32>,
      %get3A_955 = vector.shape_cast %get3A_954 : vector<1x1x16xf32> to vector<16xf32>
      %get3A_956 = arith.constant 0 : i32
      %get3A_957 = arith.index_cast %get3A_956 : i32 to index
      %get3A_958 = arith.index_cast %add3A_871 : i32 to index
      %get3A_959 = arith.constant 64 : index
      %get3A_960 = tpu.vector_load %arg10[%get3A_957, %get3A_958, %get3A_959] {strides = array<i32>} : memref<3x128x128xf32, #tpu.memory_space<vmem>>, vector<1x1x16xf32>,
      %get3A_961 = vector.shape_cast %get3A_960 : vector<1x1x16xf32> to vector<16xf32>
      %add3A_962 = arith.addf %get3A_955, %get3A_961 : vector<16xf32>
      %swap3A_963 = arith.constant 0 : i32
      %swap3A_964 = arith.index_cast %swap3A_963 : i32 to index
      %swap3A_965 = arith.index_cast %add3A_871 : i32 to index
      %swap3A_966 = arith.constant 64 : index
      %swap3A_967 = tpu.vector_load %arg9[%swap3A_964, %swap3A_965, %swap3A_966] {strides = array<i32>} : memref<3x128x128xf32, #tpu.memory_space<vmem>>, vector<1x1x16xf32>,
      %swap3A_968 = vector.shape_cast %swap3A_967 : vector<1x1x16xf32> to vector<16xf32>
      %swap3A_969 = vector.shape_cast %add3A_962 : vector<16xf32> to vector<1x1x16xf32>
      tpu.vector_store %arg9[%swap3A_964, %swap3A_965, %swap3A_966], %swap3A_969 {strides = array<i32>} : memref<3x128x128xf32, #tpu.memory_space<vmem>>, vector<1x1x16xf32>,
      %get3A_970 = arith.constant 0 : i32
      %get3A_971 = arith.index_cast %get3A_970 : i32 to index
      %get3A_972 = arith.index_cast %add3A_871 : i32 to index
      %get3A_973 = arith.constant 80 : index
      %get3A_974 = tpu.vector_load %arg9[%get3A_971, %get3A_972, %get3A_973] {strides = array<i32>} : memref<3x128x128xf32, #tpu.memory_space<vmem>>, vector<1x1x16xf32>,
      %get3A_975 = vector.shape_cast %get3A_974 : vector<1x1x16xf32> to vector<16xf32>
      %get3A_976 = arith.constant 0 : i32
      %get3A_977 = arith.index_cast %get3A_976 : i32 to index
      %get3A_978 = arith.index_cast %add3A_871 : i32 to index
      %get3A_979 = arith.constant 80 : index
      %get3A_980 = tpu.vector_load %arg10[%get3A_977, %get3A_978, %get3A_979] {strides = array<i32>} : memref<3x128x128xf32, #tpu.memory_space<vmem>>, vector<1x1x16xf32>,
      %get3A_981 = vector.shape_cast %get3A_980 : vector<1x1x16xf32> to vector<16xf32>
      %add3A_982 = arith.addf %get3A_975, %get3A_981 : vector<16xf32>
      %swap3A_983 = arith.constant 0 : i32
      %swap3A_984 = arith.index_cast %swap3A_983 : i32 to index
      %swap3A_985 = arith.index_cast %add3A_871 : i32 to index
      %swap3A_986 = arith.constant 80 : index
      %swap3A_987 = tpu.vector_load %arg9[%swap3A_984, %swap3A_985, %swap3A_986] {strides = array<i32>} : memref<3x128x128xf32, #tpu.memory_space<vmem>>, vector<1x1x16xf32>,
      %swap3A_988 = vector.shape_cast %swap3A_987 : vector<1x1x16xf32> to vector<16xf32>
      %swap3A_989 = vector.shape_cast %add3A_982 : vector<16xf32> to vector<1x1x16xf32>
      tpu.vector_store %arg9[%swap3A_984, %swap3A_985, %swap3A_986], %swap3A_989 {strides = array<i32>} : memref<3x128x128xf32, #tpu.memory_space<vmem>>, vector<1x1x16xf32>,
      %get3A_990 = arith.constant 0 : i32
      %get3A_991 = arith.index_cast %get3A_990 : i32 to index
      %get3A_992 = arith.index_cast %add3A_871 : i32 to index
      %get3A_993 = arith.constant 96 : index
      %get3A_994 = tpu.vector_load %arg9[%get3A_991, %get3A_992, %get3A_993] {strides = array<i32>} : memref<3x128x128xf32, #tpu.memory_space<vmem>>, vector<1x1x16xf32>,
      %get3A_995 = vector.shape_cast %get3A_994 : vector<1x1x16xf32> to vector<16xf32>
      %get3A_996 = arith.constant 0 : i32
      %get3A_997 = arith.index_cast %get3A_996 : i32 to index
      %get3A_998 = arith.index_cast %add3A_871 : i32 to index
      %get3A_999 = arith.constant 96 : index
      %get3A_1000 = tpu.vector_load %arg10[%get3A_997, %get3A_998, %get3A_999] {strides = array<i32>} : memref<3x128x128xf32, #tpu.memory_space<vmem>>, vector<1x1x16xf32>,
      %get3A_1001 = vector.shape_cast %get3A_1000 : vector<1x1x16xf32> to vector<16xf32>
      %add3A_1002 = arith.addf %get3A_995, %get3A_1001 : vector<16xf32>
      %swap3A_1003 = arith.constant 0 : i32
      %swap3A_1004 = arith.index_cast %swap3A_1003 : i32 to index
      %swap3A_1005 = arith.index_cast %add3A_871 : i32 to index
      %swap3A_1006 = arith.constant 96 : index
      %swap3A_1007 = tpu.vector_load %arg9[%swap3A_1004, %swap3A_1005, %swap3A_1006] {strides = array<i32>} : memref<3x128x128xf32, #tpu.memory_space<vmem>>, vector<1x1x16xf32>,
      %swap3A_1008 = vector.shape_cast %swap3A_1007 : vector<1x1x16xf32> to vector<16xf32>
      %swap3A_1009 = vector.shape_cast %add3A_1002 : vector<16xf32> to vector<1x1x16xf32>
      tpu.vector_store %arg9[%swap3A_1004, %swap3A_1005, %swap3A_1006], %swap3A_1009 {strides = array<i32>} : memref<3x128x128xf32, #tpu.memory_space<vmem>>, vector<1x1x16xf32>,
      %get3A_1010 = arith.constant 0 : i32
      %get3A_1011 = arith.index_cast %get3A_1010 : i32 to index
      %get3A_1012 = arith.index_cast %add3A_871 : i32 to index
      %get3A_1013 = arith.constant 112 : index
      %get3A_1014 = tpu.vector_load %arg9[%get3A_1011, %get3A_1012, %get3A_1013] {strides = array<i32>} : memref<3x128x128xf32, #tpu.memory_space<vmem>>, vector<1x1x16xf32>,
      %get3A_1015 = vector.shape_cast %get3A_1014 : vector<1x1x16xf32> to vector<16xf32>
      %get3A_1016 = arith.constant 0 : i32
      %get3A_1017 = arith.index_cast %get3A_1016 : i32 to index
      %get3A_1018 = arith.index_cast %add3A_871 : i32 to index
      %get3A_1019 = arith.constant 112 : index
      %get3A_1020 = tpu.vector_load %arg10[%get3A_1017, %get3A_1018, %get3A_1019] {strides = array<i32>} : memref<3x128x128xf32, #tpu.memory_space<vmem>>, vector<1x1x16xf32>,
      %get3A_1021 = vector.shape_cast %get3A_1020 : vector<1x1x16xf32> to vector<16xf32>
      %add3A_1022 = arith.addf %get3A_1015, %get3A_1021 : vector<16xf32>
      %swap3A_1023 = arith.constant 0 : i32
      %swap3A_1024 = arith.index_cast %swap3A_1023 : i32 to index
      %swap3A_1025 = arith.index_cast %add3A_871 : i32 to index
      %swap3A_1026 = arith.constant 112 : index
      %swap3A_1027 = tpu.vector_load %arg9[%swap3A_1024, %swap3A_1025, %swap3A_1026] {strides = array<i32>} : memref<3x128x128xf32, #tpu.memory_space<vmem>>, vector<1x1x16xf32>,
      %swap3A_1028 = vector.shape_cast %swap3A_1027 : vector<1x1x16xf32> to vector<16xf32>
      %swap3A_1029 = vector.shape_cast %add3A_1022 : vector<16xf32> to vector<1x1x16xf32>
      tpu.vector_store %arg9[%swap3A_1024, %swap3A_1025, %swap3A_1026], %swap3A_1029 {strides = array<i32>} : memref<3x128x128xf32, #tpu.memory_space<vmem>>, vector<1x1x16xf32>,
    }
    %scan3A_741 = arith.constant 128 : i32
    %dma_start3A_742 = arith.constant 0 : i32
    %dma_start3A_743 = arith.constant 2 : i32
    %dma_start3A_744 = arith.constant 6 : i32
    %dma_start3A_745 = arith.constant 0 : i32
    %dma_start3A_746 = arith.constant 0 : i32
    %dma_start3A_747 = tpu.memref_slice %arg9[%dma_start3A_742, %dma_start3A_745, %dma_start3A_746] : memref<3x128x128xf32, #tpu.memory_space<vmem>> -> memref<1x128x128xf32, #tpu.memory_space<vmem>>
    %dma_start3A_748 = tpu.memref_squeeze %dma_start3A_747 : memref<1x128x128xf32, #tpu.memory_space<vmem>> -> memref<128x128xf32, #tpu.memory_space<vmem>>
    %dma_start3A_749 = arith.constant 0 : i32
    %dma_start3A_750 = arith.constant 0 : i32
    %dma_start3A_751 = tpu.memref_slice %arg8[%dma_start3A_743, %dma_start3A_749, %dma_start3A_750] : memref<3x8x128xi32, #tpu.memory_space<vmem>> -> memref<1x8x128xi32, #tpu.memory_space<vmem>>
    %dma_start3A_752 = tpu.memref_squeeze %dma_start3A_751 : memref<1x8x128xi32, #tpu.memory_space<vmem>> -> memref<8x128xi32, #tpu.memory_space<vmem>>
    %dma_start3A_753 = arith.constant 0 : i32
    %dma_start3A_754 = tpu.memref_slice %dma_start3A_752[%dma_start3A_744, %dma_start3A_753] : memref<8x128xi32, #tpu.memory_space<vmem>> -> memref<1x128xi32, #tpu.memory_space<vmem>>
    %dma_start3A_755 = tpu.memref_squeeze %dma_start3A_754 : memref<1x128xi32, #tpu.memory_space<vmem>> -> memref<128xi32, #tpu.memory_space<vmem>>
    %dma_start3A_756 = arith.constant 0 : i32
    %dma_start3A_757 = arith.constant 0 : i32
    %dma_start3A_758 = tpu.memref_slice %arg12[%dma_start3A_756, %dma_start3A_757] : memref<512x128xf32, #tpu.memory_space<vmem_shared>> -> memref<512x128xf32, #tpu.memory_space<vmem_shared>>
    tpu.enqueue_indirect_dma source(%dma_start3A_748 : memref<128x128xf32, #tpu.memory_space<vmem>>) target(%dma_start3A_758 : memref<512x128xf32, #tpu.memory_space<vmem_shared>>) offsets(%dma_start3A_755 : memref<128xi32, #tpu.memory_space<vmem>>) semaphore(%arg16 : memref<!tpu.dma_semaphore, #tpu.memory_space<semaphore_mem>>) {add = true}
    %dma_wait3A_759 = arith.constant 0 : i32
    %dma_wait3A_760 = arith.constant 7 : i32
    %dma_wait3A_761 = arith.constant 1 : i32
    %dma_wait3A_762 = arith.constant 0 : i32
    %dma_wait3A_763 = arith.constant 0 : i32
    %dma_wait3A_764 = tpu.memref_slice %arg9[%dma_wait3A_761, %dma_wait3A_762, %dma_wait3A_763] : memref<3x128x128xf32, #tpu.memory_space<vmem>> -> memref<1x128x128xf32, #tpu.memory_space<vmem>>
    %dma_wait3A_765 = tpu.memref_squeeze %dma_wait3A_764 : memref<1x128x128xf32, #tpu.memory_space<vmem>> -> memref<128x128xf32, #tpu.memory_space<vmem>>
    %dma_wait3A_766 = arith.constant 0 : i32
    %dma_wait3A_767 = arith.constant 0 : i32
    %dma_wait3A_768 = tpu.memref_slice %arg8[%dma_wait3A_759, %dma_wait3A_766, %dma_wait3A_767] : memref<3x8x128xi32, #tpu.memory_space<vmem>> -> memref<1x8x128xi32, #tpu.memory_space<vmem>>
    %dma_wait3A_769 = tpu.memref_squeeze %dma_wait3A_768 : memref<1x8x128xi32, #tpu.memory_space<vmem>> -> memref<8x128xi32, #tpu.memory_space<vmem>>
    %dma_wait3A_770 = arith.constant 0 : i32
    %dma_wait3A_771 = tpu.memref_slice %dma_wait3A_769[%dma_wait3A_760, %dma_wait3A_770] : memref<8x128xi32, #tpu.memory_space<vmem>> -> memref<1x128xi32, #tpu.memory_space<vmem>>
    %dma_wait3A_772 = tpu.memref_squeeze %dma_wait3A_771 : memref<1x128xi32, #tpu.memory_space<vmem>> -> memref<128xi32, #tpu.memory_space<vmem>>
    %dma_wait3A_773 = arith.constant 0 : i32
    %dma_wait3A_774 = arith.constant 0 : i32
    %dma_wait3A_775 = tpu.memref_slice %arg5[%dma_wait3A_773, %dma_wait3A_774] : memref<100000x128xf32, #tpu.memory_space<hbm>> -> memref<100000x128xf32, #tpu.memory_space<hbm>>
    tpu.wait_indirect_dma semaphore(%arg14 : memref<!tpu.dma_semaphore, #tpu.memory_space<semaphore_mem>>) src(%dma_wait3A_775 : memref<100000x128xf32, #tpu.memory_space<hbm>>) dst(%dma_wait3A_765 : memref<128x128xf32, #tpu.memory_space<vmem>>)
    %dma_wait3A_776 = arith.constant 1 : i32
    %dma_wait3A_777 = arith.constant 7 : i32
    %dma_wait3A_778 = arith.constant 1 : i32
    %dma_wait3A_779 = arith.constant 0 : i32
    %dma_wait3A_780 = arith.constant 0 : i32
    %dma_wait3A_781 = tpu.memref_slice %arg10[%dma_wait3A_778, %dma_wait3A_779, %dma_wait3A_780] : memref<3x128x128xf32, #tpu.memory_space<vmem>> -> memref<1x128x128xf32, #tpu.memory_space<vmem>>
    %dma_wait3A_782 = tpu.memref_squeeze %dma_wait3A_781 : memref<1x128x128xf32, #tpu.memory_space<vmem>> -> memref<128x128xf32, #tpu.memory_space<vmem>>
    %dma_wait3A_783 = arith.constant 0 : i32
    %dma_wait3A_784 = arith.constant 0 : i32
    %dma_wait3A_785 = tpu.memref_slice %arg8[%dma_wait3A_776, %dma_wait3A_783, %dma_wait3A_784] : memref<3x8x128xi32, #tpu.memory_space<vmem>> -> memref<1x8x128xi32, #tpu.memory_space<vmem>>
    %dma_wait3A_786 = tpu.memref_squeeze %dma_wait3A_785 : memref<1x8x128xi32, #tpu.memory_space<vmem>> -> memref<8x128xi32, #tpu.memory_space<vmem>>
    %dma_wait3A_787 = arith.constant 0 : i32
    %dma_wait3A_788 = tpu.memref_slice %dma_wait3A_786[%dma_wait3A_777, %dma_wait3A_787] : memref<8x128xi32, #tpu.memory_space<vmem>> -> memref<1x128xi32, #tpu.memory_space<vmem>>
    %dma_wait3A_789 = tpu.memref_squeeze %dma_wait3A_788 : memref<1x128xi32, #tpu.memory_space<vmem>> -> memref<128xi32, #tpu.memory_space<vmem>>
    %dma_wait3A_790 = arith.constant 0 : i32
    %dma_wait3A_791 = arith.constant 0 : i32
    %dma_wait3A_792 = tpu.memref_slice %arg6[%dma_wait3A_790, %dma_wait3A_791] : memref<1000x128xf32, #tpu.memory_space<hbm>> -> memref<1000x128xf32, #tpu.memory_space<hbm>>
    tpu.wait_indirect_dma semaphore(%arg14 : memref<!tpu.dma_semaphore, #tpu.memory_space<semaphore_mem>>) src(%dma_wait3A_792 : memref<1000x128xf32, #tpu.memory_space<hbm>>) dst(%dma_wait3A_782 : memref<128x128xf32, #tpu.memory_space<vmem>>)
    %scan3A_793 = arith.constant 0 : i32
    %scan3A_794 = arith.constant 128 : i32
    %scan3A_795 = arith.addi %scan3A_793, %scan3A_794 : i32
    %scan3A_796 = arith.constant 1 : i32
    scf.for %scan3A_867 = %scan3A_793 to %scan3A_795 step %scan3A_796  : i32 {
      %mul3A_868 = arith.constant 1 : i32
      %mul3A_869 = arith.muli %scan3A_867, %mul3A_868 : i32
      %add3A_870 = arith.constant 0 : i32
      %add3A_871 = arith.addi %add3A_870, %mul3A_869 : i32
      %get3A = arith.constant 1 : i32
      %get3A_872 = arith.index_cast %get3A : i32 to index
      %get3A_873 = arith.index_cast %add3A_871 : i32 to index
      %get3A_874 = arith.constant 0 : index
      %get3A_875 = tpu.vector_load %arg9[%get3A_872, %get3A_873, %get3A_874] {strides = array<i32>} : memref<3x128x128xf32, #tpu.memory_space<vmem>>, vector<1x1x16xf32>,
      %get3A_876 = vector.shape_cast %get3A_875 : vector<1x1x16xf32> to vector<16xf32>
      %get3A_877 = arith.constant 1 : i32
      %get3A_878 = arith.index_cast %get3A_877 : i32 to index
      %get3A_879 = arith.index_cast %add3A_871 : i32 to index
      %get3A_880 = arith.constant 0 : index
      %get3A_881 = tpu.vector_load %arg10[%get3A_878, %get3A_879, %get3A_880] {strides = array<i32>} : memref<3x128x128xf32, #tpu.memory_space<vmem>>, vector<1x1x16xf32>,
      %get3A_882 = vector.shape_cast %get3A_881 : vector<1x1x16xf32> to vector<16xf32>
      %add3A_883 = arith.addf %get3A_876, %get3A_882 : vector<16xf32>
      %swap3A = arith.constant 1 : i32
      %swap3A_884 = arith.index_cast %swap3A : i32 to index
      %swap3A_885 = arith.index_cast %add3A_871 : i32 to index
      %swap3A_886 = arith.constant 0 : index
      %swap3A_887 = tpu.vector_load %arg9[%swap3A_884, %swap3A_885, %swap3A_886] {strides = array<i32>} : memref<3x128x128xf32, #tpu.memory_space<vmem>>, vector<1x1x16xf32>,
      %swap3A_888 = vector.shape_cast %swap3A_887 : vector<1x1x16xf32> to vector<16xf32>
      %swap3A_889 = vector.shape_cast %add3A_883 : vector<16xf32> to vector<1x1x16xf32>
      tpu.vector_store %arg9[%swap3A_884, %swap3A_885, %swap3A_886], %swap3A_889 {strides = array<i32>} : memref<3x128x128xf32, #tpu.memory_space<vmem>>, vector<1x1x16xf32>,
      %get3A_890 = arith.constant 1 : i32
      %get3A_891 = arith.index_cast %get3A_890 : i32 to index
      %get3A_892 = arith.index_cast %add3A_871 : i32 to index
      %get3A_893 = arith.constant 16 : index
      %get3A_894 = tpu.vector_load %arg9[%get3A_891, %get3A_892, %get3A_893] {strides = array<i32>} : memref<3x128x128xf32, #tpu.memory_space<vmem>>, vector<1x1x16xf32>,
      %get3A_895 = vector.shape_cast %get3A_894 : vector<1x1x16xf32> to vector<16xf32>
      %get3A_896 = arith.constant 1 : i32
      %get3A_897 = arith.index_cast %get3A_896 : i32 to index
      %get3A_898 = arith.index_cast %add3A_871 : i32 to index
      %get3A_899 = arith.constant 16 : index
      %get3A_900 = tpu.vector_load %arg10[%get3A_897, %get3A_898, %get3A_899] {strides = array<i32>} : memref<3x128x128xf32, #tpu.memory_space<vmem>>, vector<1x1x16xf32>,
      %get3A_901 = vector.shape_cast %get3A_900 : vector<1x1x16xf32> to vector<16xf32>
      %add3A_902 = arith.addf %get3A_895, %get3A_901 : vector<16xf32>
      %swap3A_903 = arith.constant 1 : i32
      %swap3A_904 = arith.index_cast %swap3A_903 : i32 to index
      %swap3A_905 = arith.index_cast %add3A_871 : i32 to index
      %swap3A_906 = arith.constant 16 : index
      %swap3A_907 = tpu.vector_load %arg9[%swap3A_904, %swap3A_905, %swap3A_906] {strides = array<i32>} : memref<3x128x128xf32, #tpu.memory_space<vmem>>, vector<1x1x16xf32>,
      %swap3A_908 = vector.shape_cast %swap3A_907 : vector<1x1x16xf32> to vector<16xf32>
      %swap3A_909 = vector.shape_cast %add3A_902 : vector<16xf32> to vector<1x1x16xf32>
      tpu.vector_store %arg9[%swap3A_904, %swap3A_905, %swap3A_906], %swap3A_909 {strides = array<i32>} : memref<3x128x128xf32, #tpu.memory_space<vmem>>, vector<1x1x16xf32>,
      %get3A_910 = arith.constant 1 : i32
      %get3A_911 = arith.index_cast %get3A_910 : i32 to index
      %get3A_912 = arith.index_cast %add3A_871 : i32 to index
      %get3A_913 = arith.constant 32 : index
      %get3A_914 = tpu.vector_load %arg9[%get3A_911, %get3A_912, %get3A_913] {strides = array<i32>} : memref<3x128x128xf32, #tpu.memory_space<vmem>>, vector<1x1x16xf32>,
      %get3A_915 = vector.shape_cast %get3A_914 : vector<1x1x16xf32> to vector<16xf32>
      %get3A_916 = arith.constant 1 : i32
      %get3A_917 = arith.index_cast %get3A_916 : i32 to index
      %get3A_918 = arith.index_cast %add3A_871 : i32 to index
      %get3A_919 = arith.constant 32 : index
      %get3A_920 = tpu.vector_load %arg10[%get3A_917, %get3A_918, %get3A_919] {strides = array<i32>} : memref<3x128x128xf32, #tpu.memory_space<vmem>>, vector<1x1x16xf32>,
      %get3A_921 = vector.shape_cast %get3A_920 : vector<1x1x16xf32> to vector<16xf32>
      %add3A_922 = arith.addf %get3A_915, %get3A_921 : vector<16xf32>
      %swap3A_923 = arith.constant 1 : i32
      %swap3A_924 = arith.index_cast %swap3A_923 : i32 to index
      %swap3A_925 = arith.index_cast %add3A_871 : i32 to index
      %swap3A_926 = arith.constant 32 : index
      %swap3A_927 = tpu.vector_load %arg9[%swap3A_924, %swap3A_925, %swap3A_926] {strides = array<i32>} : memref<3x128x128xf32, #tpu.memory_space<vmem>>, vector<1x1x16xf32>,
      %swap3A_928 = vector.shape_cast %swap3A_927 : vector<1x1x16xf32> to vector<16xf32>
      %swap3A_929 = vector.shape_cast %add3A_922 : vector<16xf32> to vector<1x1x16xf32>
      tpu.vector_store %arg9[%swap3A_924, %swap3A_925, %swap3A_926], %swap3A_929 {strides = array<i32>} : memref<3x128x128xf32, #tpu.memory_space<vmem>>, vector<1x1x16xf32>,
      %get3A_930 = arith.constant 1 : i32
      %get3A_931 = arith.index_cast %get3A_930 : i32 to index
      %get3A_932 = arith.index_cast %add3A_871 : i32 to index
      %get3A_933 = arith.constant 48 : index
      %get3A_934 = tpu.vector_load %arg9[%get3A_931, %get3A_932, %get3A_933] {strides = array<i32>} : memref<3x128x128xf32, #tpu.memory_space<vmem>>, vector<1x1x16xf32>,
      %get3A_935 = vector.shape_cast %get3A_934 : vector<1x1x16xf32> to vector<16xf32>
      %get3A_936 = arith.constant 1 : i32
      %get3A_937 = arith.index_cast %get3A_936 : i32 to index
      %get3A_938 = arith.index_cast %add3A_871 : i32 to index
      %get3A_939 = arith.constant 48 : index
      %get3A_940 = tpu.vector_load %arg10[%get3A_937, %get3A_938, %get3A_939] {strides = array<i32>} : memref<3x128x128xf32, #tpu.memory_space<vmem>>, vector<1x1x16xf32>,
      %get3A_941 = vector.shape_cast %get3A_940 : vector<1x1x16xf32> to vector<16xf32>
      %add3A_942 = arith.addf %get3A_935, %get3A_941 : vector<16xf32>
      %swap3A_943 = arith.constant 1 : i32
      %swap3A_944 = arith.index_cast %swap3A_943 : i32 to index
      %swap3A_945 = arith.index_cast %add3A_871 : i32 to index
      %swap3A_946 = arith.constant 48 : index
      %swap3A_947 = tpu.vector_load %arg9[%swap3A_944, %swap3A_945, %swap3A_946] {strides = array<i32>} : memref<3x128x128xf32, #tpu.memory_space<vmem>>, vector<1x1x16xf32>,
      %swap3A_948 = vector.shape_cast %swap3A_947 : vector<1x1x16xf32> to vector<16xf32>
      %swap3A_949 = vector.shape_cast %add3A_942 : vector<16xf32> to vector<1x1x16xf32>
      tpu.vector_store %arg9[%swap3A_944, %swap3A_945, %swap3A_946], %swap3A_949 {strides = array<i32>} : memref<3x128x128xf32, #tpu.memory_space<vmem>>, vector<1x1x16xf32>,
      %get3A_950 = arith.constant 1 : i32
      %get3A_951 = arith.index_cast %get3A_950 : i32 to index
      %get3A_952 = arith.index_cast %add3A_871 : i32 to index
      %get3A_953 = arith.constant 64 : index
      %get3A_954 = tpu.vector_load %arg9[%get3A_951, %get3A_952, %get3A_953] {strides = array<i32>} : memref<3x128x128xf32, #tpu.memory_space<vmem>>, vector<1x1x16xf32>,
      %get3A_955 = vector.shape_cast %get3A_954 : vector<1x1x16xf32> to vector<16xf32>
      %get3A_956 = arith.constant 1 : i32
      %get3A_957 = arith.index_cast %get3A_956 : i32 to index
      %get3A_958 = arith.index_cast %add3A_871 : i32 to index
      %get3A_959 = arith.constant 64 : index
      %get3A_960 = tpu.vector_load %arg10[%get3A_957, %get3A_958, %get3A_959] {strides = array<i32>} : memref<3x128x128xf32, #tpu.memory_space<vmem>>, vector<1x1x16xf32>,
      %get3A_961 = vector.shape_cast %get3A_960 : vector<1x1x16xf32> to vector<16xf32>
      %add3A_962 = arith.addf %get3A_955, %get3A_961 : vector<16xf32>
      %swap3A_963 = arith.constant 1 : i32
      %swap3A_964 = arith.index_cast %swap3A_963 : i32 to index
      %swap3A_965 = arith.index_cast %add3A_871 : i32 to index
      %swap3A_966 = arith.constant 64 : index
      %swap3A_967 = tpu.vector_load %arg9[%swap3A_964, %swap3A_965, %swap3A_966] {strides = array<i32>} : memref<3x128x128xf32, #tpu.memory_space<vmem>>, vector<1x1x16xf32>,
      %swap3A_968 = vector.shape_cast %swap3A_967 : vector<1x1x16xf32> to vector<16xf32>
      %swap3A_969 = vector.shape_cast %add3A_962 : vector<16xf32> to vector<1x1x16xf32>
      tpu.vector_store %arg9[%swap3A_964, %swap3A_965, %swap3A_966], %swap3A_969 {strides = array<i32>} : memref<3x128x128xf32, #tpu.memory_space<vmem>>, vector<1x1x16xf32>,
      %get3A_970 = arith.constant 1 : i32
      %get3A_971 = arith.index_cast %get3A_970 : i32 to index
      %get3A_972 = arith.index_cast %add3A_871 : i32 to index
      %get3A_973 = arith.constant 80 : index
      %get3A_974 = tpu.vector_load %arg9[%get3A_971, %get3A_972, %get3A_973] {strides = array<i32>} : memref<3x128x128xf32, #tpu.memory_space<vmem>>, vector<1x1x16xf32>,
      %get3A_975 = vector.shape_cast %get3A_974 : vector<1x1x16xf32> to vector<16xf32>
      %get3A_976 = arith.constant 1 : i32
      %get3A_977 = arith.index_cast %get3A_976 : i32 to index
      %get3A_978 = arith.index_cast %add3A_871 : i32 to index
      %get3A_979 = arith.constant 80 : index
      %get3A_980 = tpu.vector_load %arg10[%get3A_977, %get3A_978, %get3A_979] {strides = array<i32>} : memref<3x128x128xf32, #tpu.memory_space<vmem>>, vector<1x1x16xf32>,
      %get3A_981 = vector.shape_cast %get3A_980 : vector<1x1x16xf32> to vector<16xf32>
      %add3A_982 = arith.addf %get3A_975, %get3A_981 : vector<16xf32>
      %swap3A_983 = arith.constant 1 : i32
      %swap3A_984 = arith.index_cast %swap3A_983 : i32 to index
      %swap3A_985 = arith.index_cast %add3A_871 : i32 to index
      %swap3A_986 = arith.constant 80 : index
      %swap3A_987 = tpu.vector_load %arg9[%swap3A_984, %swap3A_985, %swap3A_986] {strides = array<i32>} : memref<3x128x128xf32, #tpu.memory_space<vmem>>, vector<1x1x16xf32>,
      %swap3A_988 = vector.shape_cast %swap3A_987 : vector<1x1x16xf32> to vector<16xf32>
      %swap3A_989 = vector.shape_cast %add3A_982 : vector<16xf32> to vector<1x1x16xf32>
      tpu.vector_store %arg9[%swap3A_984, %swap3A_985, %swap3A_986], %swap3A_989 {strides = array<i32>} : memref<3x128x128xf32, #tpu.memory_space<vmem>>, vector<1x1x16xf32>,
      %get3A_990 = arith.constant 1 : i32
      %get3A_991 = arith.index_cast %get3A_990 : i32 to index
      %get3A_992 = arith.index_cast %add3A_871 : i32 to index
      %get3A_993 = arith.constant 96 : index
      %get3A_994 = tpu.vector_load %arg9[%get3A_991, %get3A_992, %get3A_993] {strides = array<i32>} : memref<3x128x128xf32, #tpu.memory_space<vmem>>, vector<1x1x16xf32>,
      %get3A_995 = vector.shape_cast %get3A_994 : vector<1x1x16xf32> to vector<16xf32>
      %get3A_996 = arith.constant 1 : i32
      %get3A_997 = arith.index_cast %get3A_996 : i32 to index
      %get3A_998 = arith.index_cast %add3A_871 : i32 to index
      %get3A_999 = arith.constant 96 : index
      %get3A_1000 = tpu.vector_load %arg10[%get3A_997, %get3A_998, %get3A_999] {strides = array<i32>} : memref<3x128x128xf32, #tpu.memory_space<vmem>>, vector<1x1x16xf32>,
      %get3A_1001 = vector.shape_cast %get3A_1000 : vector<1x1x16xf32> to vector<16xf32>
      %add3A_1002 = arith.addf %get3A_995, %get3A_1001 : vector<16xf32>
      %swap3A_1003 = arith.constant 1 : i32
      %swap3A_1004 = arith.index_cast %swap3A_1003 : i32 to index
      %swap3A_1005 = arith.index_cast %add3A_871 : i32 to index
      %swap3A_1006 = arith.constant 96 : index
      %swap3A_1007 = tpu.vector_load %arg9[%swap3A_1004, %swap3A_1005, %swap3A_1006] {strides = array<i32>} : memref<3x128x128xf32, #tpu.memory_space<vmem>>, vector<1x1x16xf32>,
      %swap3A_1008 = vector.shape_cast %swap3A_1007 : vector<1x1x16xf32> to vector<16xf32>
      %swap3A_1009 = vector.shape_cast %add3A_1002 : vector<16xf32> to vector<1x1x16xf32>
      tpu.vector_store %arg9[%swap3A_1004, %swap3A_1005, %swap3A_1006], %swap3A_1009 {strides = array<i32>} : memref<3x128x128xf32, #tpu.memory_space<vmem>>, vector<1x1x16xf32>,
      %get3A_1010 = arith.constant 1 : i32
      %get3A_1011 = arith.index_cast %get3A_1010 : i32 to index
      %get3A_1012 = arith.index_cast %add3A_871 : i32 to index
      %get3A_1013 = arith.constant 112 : index
      %get3A_1014 = tpu.vector_load %arg9[%get3A_1011, %get3A_1012, %get3A_1013] {strides = array<i32>} : memref<3x128x128xf32, #tpu.memory_space<vmem>>, vector<1x1x16xf32>,
      %get3A_1015 = vector.shape_cast %get3A_1014 : vector<1x1x16xf32> to vector<16xf32>
      %get3A_1016 = arith.constant 1 : i32
      %get3A_1017 = arith.index_cast %get3A_1016 : i32 to index
      %get3A_1018 = arith.index_cast %add3A_871 : i32 to index
      %get3A_1019 = arith.constant 112 : index
      %get3A_1020 = tpu.vector_load %arg10[%get3A_1017, %get3A_1018, %get3A_1019] {strides = array<i32>} : memref<3x128x128xf32, #tpu.memory_space<vmem>>, vector<1x1x16xf32>,
      %get3A_1021 = vector.shape_cast %get3A_1020 : vector<1x1x16xf32> to vector<16xf32>
      %add3A_1022 = arith.addf %get3A_1015, %get3A_1021 : vector<16xf32>
      %swap3A_1023 = arith.constant 1 : i32
      %swap3A_1024 = arith.index_cast %swap3A_1023 : i32 to index
      %swap3A_1025 = arith.index_cast %add3A_871 : i32 to index
      %swap3A_1026 = arith.constant 112 : index
      %swap3A_1027 = tpu.vector_load %arg9[%swap3A_1024, %swap3A_1025, %swap3A_1026] {strides = array<i32>} : memref<3x128x128xf32, #tpu.memory_space<vmem>>, vector<1x1x16xf32>,
      %swap3A_1028 = vector.shape_cast %swap3A_1027 : vector<1x1x16xf32> to vector<16xf32>
      %swap3A_1029 = vector.shape_cast %add3A_1022 : vector<16xf32> to vector<1x1x16xf32>
      tpu.vector_store %arg9[%swap3A_1024, %swap3A_1025, %swap3A_1026], %swap3A_1029 {strides = array<i32>} : memref<3x128x128xf32, #tpu.memory_space<vmem>>, vector<1x1x16xf32>,
    }
    %scan3A_797 = arith.constant 128 : i32
    %dma_start3A_798 = arith.constant 1 : i32
    %dma_start3A_799 = arith.constant 2 : i32
    %dma_start3A_800 = arith.constant 7 : i32
    %dma_start3A_801 = arith.constant 0 : i32
    %dma_start3A_802 = arith.constant 0 : i32
    %dma_start3A_803 = tpu.memref_slice %arg9[%dma_start3A_798, %dma_start3A_801, %dma_start3A_802] : memref<3x128x128xf32, #tpu.memory_space<vmem>> -> memref<1x128x128xf32, #tpu.memory_space<vmem>>
    %dma_start3A_804 = tpu.memref_squeeze %dma_start3A_803 : memref<1x128x128xf32, #tpu.memory_space<vmem>> -> memref<128x128xf32, #tpu.memory_space<vmem>>
    %dma_start3A_805 = arith.constant 0 : i32
    %dma_start3A_806 = arith.constant 0 : i32
    %dma_start3A_807 = tpu.memref_slice %arg8[%dma_start3A_799, %dma_start3A_805, %dma_start3A_806] : memref<3x8x128xi32, #tpu.memory_space<vmem>> -> memref<1x8x128xi32, #tpu.memory_space<vmem>>
    %dma_start3A_808 = tpu.memref_squeeze %dma_start3A_807 : memref<1x8x128xi32, #tpu.memory_space<vmem>> -> memref<8x128xi32, #tpu.memory_space<vmem>>
    %dma_start3A_809 = arith.constant 0 : i32
    %dma_start3A_810 = tpu.memref_slice %dma_start3A_808[%dma_start3A_800, %dma_start3A_809] : memref<8x128xi32, #tpu.memory_space<vmem>> -> memref<1x128xi32, #tpu.memory_space<vmem>>
    %dma_start3A_811 = tpu.memref_squeeze %dma_start3A_810 : memref<1x128xi32, #tpu.memory_space<vmem>> -> memref<128xi32, #tpu.memory_space<vmem>>
    %dma_start3A_812 = arith.constant 0 : i32
    %dma_start3A_813 = arith.constant 0 : i32
    %dma_start3A_814 = tpu.memref_slice %arg12[%dma_start3A_812, %dma_start3A_813] : memref<512x128xf32, #tpu.memory_space<vmem_shared>> -> memref<512x128xf32, #tpu.memory_space<vmem_shared>>
    tpu.enqueue_indirect_dma source(%dma_start3A_804 : memref<128x128xf32, #tpu.memory_space<vmem>>) target(%dma_start3A_814 : memref<512x128xf32, #tpu.memory_space<vmem_shared>>) offsets(%dma_start3A_811 : memref<128xi32, #tpu.memory_space<vmem>>) semaphore(%arg17 : memref<!tpu.dma_semaphore, #tpu.memory_space<semaphore_mem>>) {add = true}
    %dma_wait3A_815 = arith.constant 0 : i32
    %dma_wait3A_816 = arith.constant 2 : i32
    %dma_wait3A_817 = arith.constant 6 : i32
    %dma_wait3A_818 = arith.constant 0 : i32
    %dma_wait3A_819 = arith.constant 0 : i32
    %dma_wait3A_820 = tpu.memref_slice %arg9[%dma_wait3A_815, %dma_wait3A_818, %dma_wait3A_819] : memref<3x128x128xf32, #tpu.memory_space<vmem>> -> memref<1x128x128xf32, #tpu.memory_space<vmem>>
    %dma_wait3A_821 = tpu.memref_squeeze %dma_wait3A_820 : memref<1x128x128xf32, #tpu.memory_space<vmem>> -> memref<128x128xf32, #tpu.memory_space<vmem>>
    %dma_wait3A_822 = arith.constant 0 : i32
    %dma_wait3A_823 = arith.constant 0 : i32
    %dma_wait3A_824 = tpu.memref_slice %arg8[%dma_wait3A_816, %dma_wait3A_822, %dma_wait3A_823] : memref<3x8x128xi32, #tpu.memory_space<vmem>> -> memref<1x8x128xi32, #tpu.memory_space<vmem>>
    %dma_wait3A_825 = tpu.memref_squeeze %dma_wait3A_824 : memref<1x8x128xi32, #tpu.memory_space<vmem>> -> memref<8x128xi32, #tpu.memory_space<vmem>>
    %dma_wait3A_826 = arith.constant 0 : i32
    %dma_wait3A_827 = tpu.memref_slice %dma_wait3A_825[%dma_wait3A_817, %dma_wait3A_826] : memref<8x128xi32, #tpu.memory_space<vmem>> -> memref<1x128xi32, #tpu.memory_space<vmem>>
    %dma_wait3A_828 = tpu.memref_squeeze %dma_wait3A_827 : memref<1x128xi32, #tpu.memory_space<vmem>> -> memref<128xi32, #tpu.memory_space<vmem>>
    %dma_wait3A_829 = arith.constant 0 : i32
    %dma_wait3A_830 = arith.constant 0 : i32
    %dma_wait3A_831 = tpu.memref_slice %arg12[%dma_wait3A_829, %dma_wait3A_830] : memref<512x128xf32, #tpu.memory_space<vmem_shared>> -> memref<512x128xf32, #tpu.memory_space<vmem_shared>>
    tpu.wait_indirect_dma semaphore(%arg16 : memref<!tpu.dma_semaphore, #tpu.memory_space<semaphore_mem>>) src(%dma_wait3A_821 : memref<128x128xf32, #tpu.memory_space<vmem>>) dst(%dma_wait3A_831 : memref<512x128xf32, #tpu.memory_space<vmem_shared>>)
    %dma_wait3A_832 = arith.constant 1 : i32
    %dma_wait3A_833 = arith.constant 2 : i32
    %dma_wait3A_834 = arith.constant 7 : i32
    %dma_wait3A_835 = arith.constant 0 : i32
    %dma_wait3A_836 = arith.constant 0 : i32
    %dma_wait3A_837 = tpu.memref_slice %arg9[%dma_wait3A_832, %dma_wait3A_835, %dma_wait3A_836] : memref<3x128x128xf32, #tpu.memory_space<vmem>> -> memref<1x128x128xf32, #tpu.memory_space<vmem>>
    %dma_wait3A_838 = tpu.memref_squeeze %dma_wait3A_837 : memref<1x128x128xf32, #tpu.memory_space<vmem>> -> memref<128x128xf32, #tpu.memory_space<vmem>>
    %dma_wait3A_839 = arith.constant 0 : i32
    %dma_wait3A_840 = arith.constant 0 : i32
    %dma_wait3A_841 = tpu.memref_slice %arg8[%dma_wait3A_833, %dma_wait3A_839, %dma_wait3A_840] : memref<3x8x128xi32, #tpu.memory_space<vmem>> -> memref<1x8x128xi32, #tpu.memory_space<vmem>>
    %dma_wait3A_842 = tpu.memref_squeeze %dma_wait3A_841 : memref<1x8x128xi32, #tpu.memory_space<vmem>> -> memref<8x128xi32, #tpu.memory_space<vmem>>
    %dma_wait3A_843 = arith.constant 0 : i32
    %dma_wait3A_844 = tpu.memref_slice %dma_wait3A_842[%dma_wait3A_834, %dma_wait3A_843] : memref<8x128xi32, #tpu.memory_space<vmem>> -> memref<1x128xi32, #tpu.memory_space<vmem>>
    %dma_wait3A_845 = tpu.memref_squeeze %dma_wait3A_844 : memref<1x128xi32, #tpu.memory_space<vmem>> -> memref<128xi32, #tpu.memory_space<vmem>>
    %dma_wait3A_846 = arith.constant 0 : i32
    %dma_wait3A_847 = arith.constant 0 : i32
    %dma_wait3A_848 = tpu.memref_slice %arg12[%dma_wait3A_846, %dma_wait3A_847] : memref<512x128xf32, #tpu.memory_space<vmem_shared>> -> memref<512x128xf32, #tpu.memory_space<vmem_shared>>
    tpu.wait_indirect_dma semaphore(%arg17 : memref<!tpu.dma_semaphore, #tpu.memory_space<semaphore_mem>>) src(%dma_wait3A_838 : memref<128x128xf32, #tpu.memory_space<vmem>>) dst(%dma_wait3A_848 : memref<512x128xf32, #tpu.memory_space<vmem_shared>>)
    %dma_wait3A_849 = arith.constant 2 : i32
    %dma_wait3A_850 = arith.constant 2 : i32
    %dma_wait3A_851 = arith.constant 5 : i32
    %dma_wait3A_852 = arith.constant 0 : i32
    %dma_wait3A_853 = arith.constant 0 : i32
    %dma_wait3A_854 = tpu.memref_slice %arg9[%dma_wait3A_849, %dma_wait3A_852, %dma_wait3A_853] : memref<3x128x128xf32, #tpu.memory_space<vmem>> -> memref<1x128x128xf32, #tpu.memory_space<vmem>>
    %dma_wait3A_855 = tpu.memref_squeeze %dma_wait3A_854 : memref<1x128x128xf32, #tpu.memory_space<vmem>> -> memref<128x128xf32, #tpu.memory_space<vmem>>
    %dma_wait3A_856 = arith.constant 0 : i32
    %dma_wait3A_857 = arith.constant 0 : i32
    %dma_wait3A_858 = tpu.memref_slice %arg8[%dma_wait3A_850, %dma_wait3A_856, %dma_wait3A_857] : memref<3x8x128xi32, #tpu.memory_space<vmem>> -> memref<1x8x128xi32, #tpu.memory_space<vmem>>
    %dma_wait3A_859 = tpu.memref_squeeze %dma_wait3A_858 : memref<1x8x128xi32, #tpu.memory_space<vmem>> -> memref<8x128xi32, #tpu.memory_space<vmem>>
    %dma_wait3A_860 = arith.constant 0 : i32
    %dma_wait3A_861 = tpu.memref_slice %dma_wait3A_859[%dma_wait3A_851, %dma_wait3A_860] : memref<8x128xi32, #tpu.memory_space<vmem>> -> memref<1x128xi32, #tpu.memory_space<vmem>>
    %dma_wait3A_862 = tpu.memref_squeeze %dma_wait3A_861 : memref<1x128xi32, #tpu.memory_space<vmem>> -> memref<128xi32, #tpu.memory_space<vmem>>
    %dma_wait3A_863 = arith.constant 0 : i32
    %dma_wait3A_864 = arith.constant 0 : i32
    %dma_wait3A_865 = tpu.memref_slice %arg12[%dma_wait3A_863, %dma_wait3A_864] : memref<512x128xf32, #tpu.memory_space<vmem_shared>> -> memref<512x128xf32, #tpu.memory_space<vmem_shared>>
    tpu.wait_indirect_dma semaphore(%arg18 : memref<!tpu.dma_semaphore, #tpu.memory_space<semaphore_mem>>) src(%dma_wait3A_855 : memref<128x128xf32, #tpu.memory_space<vmem>>) dst(%dma_wait3A_865 : memref<512x128xf32, #tpu.memory_space<vmem_shared>>)
    %barrier3A_866 = arith.constant 0 : index
    tpu.barrier barrier_id(%barrier3A_866)
    "tpu.region"() ({
      %run_scoped3A_867 = tpu.sem_alloc : memref<!tpu.dma_semaphore, #tpu.memory_space<semaphore_mem>>
      %dma_start3A_868 = arith.constant 0 : i32
      %dma_start3A_869 = arith.constant 0 : i32
      %dma_start3A_870 = tpu.memref_slice %arg7[%arg0, %dma_start3A_868, %dma_start3A_869] : memref<2x512x128xf32, #tpu.memory_space<hbm>> -> memref<1x512x128xf32, #tpu.memory_space<hbm>>
      %dma_start3A_871 = tpu.memref_squeeze %dma_start3A_870 : memref<1x512x128xf32, #tpu.memory_space<hbm>> -> memref<512x128xf32, #tpu.memory_space<hbm>>
      %dma_start3A_872 = arith.constant 0 : i32
      %dma_start3A_873 = tpu.memref_slice %dma_start3A_871[%mul3A_2, %dma_start3A_872] : memref<512x128xf32, #tpu.memory_space<hbm>> -> memref<32x128xf32, #tpu.memory_space<hbm>>
      %dma_start3A_874 = arith.constant 0 : i32
      %dma_start3A_875 = tpu.memref_slice %arg12[%mul3A_2, %dma_start3A_874] : memref<512x128xf32, #tpu.memory_space<vmem_shared>> -> memref<32x128xf32, #tpu.memory_space<vmem_shared>>
      tpu.enqueue_dma source(%dma_start3A_875 : memref<32x128xf32, #tpu.memory_space<vmem_shared>>) target(%dma_start3A_873 : memref<32x128xf32, #tpu.memory_space<hbm>>) target_semaphore(%run_scoped3A_867 : memref<!tpu.dma_semaphore, #tpu.memory_space<semaphore_mem>>)
      %dma_wait3A_876 = arith.constant 0 : i32
      %dma_wait3A_877 = arith.constant 0 : i32
      %dma_wait3A_878 = tpu.memref_slice %arg7[%arg0, %dma_wait3A_876, %dma_wait3A_877] : memref<2x512x128xf32, #tpu.memory_space<hbm>> -> memref<1x512x128xf32, #tpu.memory_space<hbm>>
      %dma_wait3A_879 = tpu.memref_squeeze %dma_wait3A_878 : memref<1x512x128xf32, #tpu.memory_space<hbm>> -> memref<512x128xf32, #tpu.memory_space<hbm>>
      %dma_wait3A_880 = arith.constant 0 : i32
      %dma_wait3A_881 = tpu.memref_slice %dma_wait3A_879[%mul3A_2, %dma_wait3A_880] : memref<512x128xf32, #tpu.memory_space<hbm>> -> memref<32x128xf32, #tpu.memory_space<hbm>>
      %dma_wait3A_882 = arith.constant 0 : i32
      %dma_wait3A_883 = tpu.memref_slice %arg12[%mul3A_2, %dma_wait3A_882] : memref<512x128xf32, #tpu.memory_space<vmem_shared>> -> memref<32x128xf32, #tpu.memory_space<vmem_shared>>
      tpu.wait_dma2 semaphore(%run_scoped3A_867 : memref<!tpu.dma_semaphore, #tpu.memory_space<semaphore_mem>>) src(%dma_wait3A_883 : memref<32x128xf32, #tpu.memory_space<vmem_shared>>) dst(%dma_wait3A_881 : memref<32x128xf32, #tpu.memory_space<hbm>>)
      tpu.yield
    }) : () -> ()
    return
  }
}

module attributes {stable_mosaic.version = 14 : i64} {
  func.func @body(%arg0: i32, %arg1: memref<1x1x2048xi32, #tpu.memory_space<vmem>>, %arg2: memref<1x512xf32, #tpu.memory_space<vmem>>) attributes {dimension_semantics = [#tpu.dimension_semantics<arbitrary>], iteration_bounds = array<i64: 16>, scalar_prefetch = 0 : i64, scratch_operands = 0 : i64, tpu.core_type = #tpu.core_type<tc>, window_params = [{transform_indices = @transform_0, window_bounds = array<i64: 1, 1, 2048>}, {pipeline_mode = #tpu.pipeline_mode<synchronous>, transform_indices = @transform_1, window_bounds = array<i64: 1, 512>}]} {
    %eq3A = arith.constant 0 : i32
    %eq3A_0 = arith.cmpi eq, %arg0, %eq3A : i32
    %convert_element_type3A = arith.extui %eq3A_0 : i1 to i32
    %cond3A = arith.constant 0 : i32
    %cond3A_1 = arith.cmpi ne, %convert_element_type3A, %cond3A : i32
    scf.if %cond3A_1 {
      %broadcast_in_dim3A_16 = arith.constant 0.000000e+00 : f32
      %broadcast_in_dim3A_17 = vector.broadcast %broadcast_in_dim3A_16 : f32 to vector<1x512xf32>
      %swap3A_18 = arith.constant 0 : index
      %swap3A_19 = arith.constant 0 : index
      %swap3A_20 = vector.load %arg2[%swap3A_18, %swap3A_19] : memref<1x512xf32, #tpu.memory_space<vmem>>, vector<1x512xf32>
      tpu.vector_store %arg2[%swap3A_18, %swap3A_19], %broadcast_in_dim3A_17 {strides = array<i32>} : memref<1x512xf32, #tpu.memory_space<vmem>>, vector<1x512xf32>,
    } else {
    }
    %get3A = arith.constant 0 : index
    %get3A_2 = arith.constant 0 : index
    %get3A_3 = arith.constant 0 : index
    %get3A_4 = vector.load %arg1[%get3A, %get3A_2, %get3A_3] : memref<1x1x2048xi32, #tpu.memory_space<vmem>>, vector<1x1x2048xi32>
    %reshape3A = vector.shape_cast %get3A_4 : vector<1x1x2048xi32> to vector<2048x1xi32>
    %iota3A = tpu.iota {dimensions = array<i32: 1>} : vector<1x512xi32>
    %eq3A_5 = vector.broadcast %reshape3A : vector<2048x1xi32> to vector<2048x512xi32>
    %eq3A_6 = vector.broadcast %iota3A : vector<1x512xi32> to vector<2048x512xi32>
    %eq3A_7 = arith.cmpi eq, %eq3A_5, %eq3A_6 : vector<2048x512xi32>
    %convert_element_type3A_8 = arith.extui %eq3A_7 : vector<2048x512xi1> to vector<2048x512xi32>
    %convert_element_type3A_9 = arith.sitofp %convert_element_type3A_8 : vector<2048x512xi32> to vector<2048x512xf32>
    %get3A_10 = arith.constant 0 : index
    %get3A_11 = arith.constant 0 : index
    %get3A_12 = vector.load %arg2[%get3A_10, %get3A_11] : memref<1x512xf32, #tpu.memory_space<vmem>>, vector<1x512xf32>
    %reduce_sum3A = arith.constant dense<0.000000e+00> : vector<512xf32>
    %reduce_sum3A_13 = vector.multi_reduction <add>, %convert_element_type3A_9, %reduce_sum3A [0] : vector<2048x512xf32> to vector<512xf32>
    %broadcast_in_dim3A = vector.shape_cast %reduce_sum3A_13 : vector<512xf32> to vector<1x512xf32>
    %add3A = arith.addf %get3A_12, %broadcast_in_dim3A : vector<1x512xf32>
    %swap3A = arith.constant 0 : index
    %swap3A_14 = arith.constant 0 : index
    %swap3A_15 = vector.load %arg2[%swap3A, %swap3A_14] : memref<1x512xf32, #tpu.memory_space<vmem>>, vector<1x512xf32>
    tpu.vector_store %arg2[%swap3A, %swap3A_14], %add3A {strides = array<i32>} : memref<1x512xf32, #tpu.memory_space<vmem>>, vector<1x512xf32>,
    return
  }
  func.func @transform_0(%arg0: i32) -> (i32, i32, i32) {
    %c0_i32 = arith.constant 0 : i32
    %c0_i32_0 = arith.constant 0 : i32
    %c0_i32_1 = arith.constant 0 : i32
    return %arg0, %c0_i32, %c0_i32_0 : i32, i32, i32
  }
  func.func @transform_1(%arg0: i32) -> (i32, i32) {
    %c0_i32 = arith.constant 0 : i32
    %c0_i32_0 = arith.constant 0 : i32
    %c0_i32_1 = arith.constant 0 : i32
    return %c0_i32, %c0_i32_0 : i32, i32
  }
}

module attributes {stable_mosaic.version = 14 : i64} {
  func.func @body(%arg0: memref<2x512x128xf32, #tpu.memory_space<vmem>>, %arg1: memref<1x512xf32, #tpu.memory_space<vmem>>, %arg2: memref<512x128xf32, #tpu.memory_space<vmem>>) attributes {dimension_semantics = [], scalar_prefetch = 0 : i64, scratch_operands = 0 : i64, tpu.core_type = #tpu.core_type<tc>} {
    %get3A = arith.constant 0 : index
    %get3A_0 = arith.constant 0 : index
    %get3A_1 = arith.constant 0 : index
    %get3A_2 = vector.load %arg0[%get3A, %get3A_0, %get3A_1] : memref<2x512x128xf32, #tpu.memory_space<vmem>>, vector<1x512x128xf32>
    %get3A_3 = vector.shape_cast %get3A_2 : vector<1x512x128xf32> to vector<512x128xf32>
    %get3A_4 = arith.constant 1 : index
    %get3A_5 = arith.constant 0 : index
    %get3A_6 = arith.constant 0 : index
    %get3A_7 = vector.load %arg0[%get3A_4, %get3A_5, %get3A_6] : memref<2x512x128xf32, #tpu.memory_space<vmem>>, vector<1x512x128xf32>
    %get3A_8 = vector.shape_cast %get3A_7 : vector<1x512x128xf32> to vector<512x128xf32>
    %add3A = arith.addf %get3A_3, %get3A_8 : vector<512x128xf32>
    %get3A_9 = arith.constant 0 : index
    %get3A_10 = arith.constant 0 : index
    %get3A_11 = vector.load %arg1[%get3A_9, %get3A_10] : memref<1x512xf32, #tpu.memory_space<vmem>>, vector<1x512xf32>
    %reshape3A = vector.shape_cast %get3A_11 : vector<1x512xf32> to vector<512x1xf32>
    %max3A = arith.constant 1.000000e+00 : f32
    %max3A_12 = vector.broadcast %max3A : f32 to vector<512x1xf32>
    %max3A_13 = arith.maximumf %reshape3A, %max3A_12 : vector<512x1xf32>
    %div3A = vector.broadcast %max3A_13 : vector<512x1xf32> to vector<512x128xf32>
    %div3A_14 = arith.divf %add3A, %div3A : vector<512x128xf32>
    %swap3A = arith.constant 0 : index
    %swap3A_15 = arith.constant 0 : index
    %swap3A_16 = vector.load %arg2[%swap3A, %swap3A_15] : memref<512x128xf32, #tpu.memory_space<vmem>>, vector<512x128xf32>
    tpu.vector_store %arg2[%swap3A, %swap3A_15], %div3A_14 {strides = array<i32>} : memref<512x128xf32, #tpu.memory_space<vmem>>, vector<512x128xf32>,
    return
  }
}

</mosaic_0001>

<sc_bundles>
// kernel: kernel.5.cloned.1.call-start
scs
__scs_entry_jumppad:
0x0: {  	(pc) =	sbr.rel $0x88, $3  }
0x1: {  	(tag) =	ssettag $0x0;
	lr =	simm.s32 $0x1  }
0x2: {  	[smem:$0x3F9B] =	sst lr;
	_ =	strace $0xD0000000  }
0x3: {  	_ = 	snop  }
0x4: {  	_ = 	snop  }
0x5: {  	_ = 	snop  }
0x6: {  	_ = 	snop  }
0x7: {  	_ = 	snop  }
__scs_overlays_trampoline_lowered:
0x8: {  	[smem:$0x3FAA] =	sst s0  }
0x9: {  	[smem:$0x3FAB] =	sst s1  }
0xa: {  	[smem:$0x3FAC] =	sst s2  }
0xb: {  	[smem:$0x3FAD] =	sst s3  }
0xc: {  	[smem:$0x3FAE] =	sst s4  }
0xd: {  	[smem:$0x3FAF] =	sst s5  }
0xe: {  	[smem:$0x3FB0] =	sst s6  }
0xf: {  	[smem:$0x3FB1] =	sst s7  }
0x10: {  	[smem:$0x3FB2] =	sst s8  }
0x11: {  	[smem:$0x3FB3] =	sst s9;
	s0 =	simm.s32 @!p0 $0x0  }
0x12: {  	s1 =	sld [smem:$0x3F99];
	s0 =	simm.s32 @p0 $0x1  }
0x13: {  	[smem:$0x3FB4] =	sst s0;
	s0 =	simm.s32 @!p1 $0x0  }
0x14: {  	s2 =	sld [smem:$0x3F98];
	s0 =	simm.s32 @p1 $0x1  }
0x15: {  	[smem:$0x3FB5] =	sst s0;
	s0 =	simm.s32 @!p2 $0x0  }
0x16: {  	s3 =	sld [smem:$0x3FDB];
	s0 =	simm.s32 @p2 $0x1  }
0x17: {  	s4 =	simm.s32 $0x1BF5;
	[smem:$0x3FB7] =	sst s0  }
0x18: {  	s0 =	sld [smem:$0x3F9A];
	_ =	swait.ge [sflag:s4], $0x0  }
0x19: {  	s7 =	sld [smem:$0x3F9B]  }
0x1a: {  	s8 =	sadd.s32 $0xFFFFE003, lr  }
0x1b: {  	s9 =	sadd.s32 $0xFFFFFEF7, lr;
	s5 =	simm.s32 $0xFFFFFFFF;
	p2 =	slt.u32 s8, $0xFFFFF086  }
0x1c: {  	p1 =	slt.u32 s9, $0xF7A;
	s5 =	simm.s32 @!p2 $0x0  }
0x1d: {  	s5 =	simm.s32 @p1 $0x1;
	p0 =	seq.s32 s7, s2  }
0x1e: {  	s7 =	smul.u32 @!p0 $0xF7A, s2;
	p2 =	seq.s32 @!p0 s5, $0x0  }
0x1f: {  	s9 =	smul.u32 $0xF7A, s1;
	s8 =	simm.s32 @!p0 $0x1BF5;
	p2 =	por !p2, p0  }
0x20: {  	[sflag:s8] =	ssyncset.s32 @!p0 $0xFFFFF086;
	s6 =	sadd.s32 @!p0 s3, s7;
	s7 =	simm.s32 @!p0 $0x108  }
0x21: {  	s3 =	sadd.s32 s3, s9;
	s6 =	sadd.s32 @!p0 $0x88, s6;
	s7 =	simm.s32 @p2 $0x1082  }
0x22: {  	[simem:s7], [sflag:s8] =	dma.local @!p0 [hbm:s6], $0xF7A  }
0x23: {  	s9 =	sor.u32 $0xD0000000, s2;
	s6 =	simm.s32 $0x108;
	_ =	swait.ge @!p0 [sflag:s8], $0x0  }
0x24: {  	s3 =	sadd.s32 $0x88, s3;
	s6 =	simm.s32 @!p1 $0x1082;
	[sflag:s4] =	ssyncset.s32 $0xFFFFF086  }
0x25: {  	[simem:s6], [sflag:s4] =	dma.local [hbm:s3], $0xF7A  }
0x26: {  	[smem:$0x3F9B] =	sst s1;
	(tag) =	ssettag s2;
	_ =	strace s9  }
0x27: {  	s1 =	sld [smem:$0x3FAB]  }
0x28: {  	s2 =	sld [smem:$0x3FAC]  }
0x29: {  	s4 =	sld [smem:$0x3FAE]  }
0x2a: {  	p0 =	seq.s32 s5, $0x0;
	s5 =	sld [smem:$0x3FAF]  }
0x2b: {  	s6 =	sld [smem:$0x3FB0]  }
0x2c: {  	s7 =	sld [smem:$0x3FB1]  }
0x2d: {  	s3 =	simm.s32 $0x108;
	s8 =	sld [smem:$0x3FB2]  }
0x2e: {  	s3 =	simm.s32 @!p0 $0x1082;
	s9 =	sld [smem:$0x3FB3]  }
0x2f: {  	lr =	sadd.s32 s0, s3;
	s0 =	sld [smem:$0x3FAA]  }
0x30: {  	s3 =	sld [smem:$0x3FAD]  }
0x31: {  	[smem:$0x3FB6] =	sst s10  }
0x32: {  	s10 =	sld [smem:$0x3FB4];
	_ =	sdelay $0x3  }
0x33: {  	p0 =	seq.s32 s10, $0x1;
	s10 =	sld [smem:$0x3FB6];
	_ =	sdelay $0x3  }
0x34: {  	[smem:$0x3FB6] =	sst s10  }
0x35: {  	s10 =	sld [smem:$0x3FB5];
	_ =	sdelay $0x3  }
0x36: {  	p1 =	seq.s32 s10, $0x1;
	s10 =	sld [smem:$0x3FB6];
	_ =	sdelay $0x3  }
0x37: {  	[smem:$0x3FB6] =	sst s10  }
0x38: {  	s10 =	sld [smem:$0x3FB7]  }
0x39: {  	_ = 	snop;
	(pc) =	sbr.ind lr, $3  }
0x3a: {  	_ = 	snop  }
0x3b: {  	_ = 	snop  }
0x3c: {  	p2 =	seq.s32 s10, $0x1;
	s10 =	sld [smem:$0x3FB6]  }
0x3d: {  	_ =	shalt  }
0x3e: {  	_ =	shalt  }
0x3f: {  	_ =	shalt  }
0x40: {  	_ =	shalt  }
0x41: {  	_ =	shalt  }
0x42: {  	_ =	shalt  }
0x43: {  	_ =	shalt  }
0x44: {  	_ =	shalt  }
0x45: {  	_ =	shalt  }
0x46: {  	_ =	shalt  }
0x47: {  	_ =	shalt  }
0x48: {  	_ =	shalt  }
0x49: {  	_ =	shalt  }
0x4a: {  	_ =	shalt  }
0x4b: {  	_ =	shalt  }
0x4c: {  	_ =	shalt  }
0x4d: {  	_ =	shalt  }
0x4e: {  	_ =	shalt  }
0x4f: {  	_ =	shalt  }
0x50: {  	_ =	shalt  }
0x51: {  	_ =	shalt  }
0x52: {  	_ =	shalt  }
0x53: {  	_ =	shalt  }
0x54: {  	_ =	shalt  }
0x55: {  	_ =	shalt  }
0x56: {  	_ =	shalt  }
0x57: {  	_ =	shalt  }
0x58: {  	_ =	shalt  }
0x59: {  	_ =	shalt  }
0x5a: {  	_ =	shalt  }
0x5b: {  	_ =	shalt  }
0x5c: {  	_ =	shalt  }
0x5d: {  	_ =	shalt  }
0x5e: {  	_ =	shalt  }
0x5f: {  	_ =	shalt  }
0x60: {  	_ =	shalt  }
0x61: {  	_ =	shalt  }
0x62: {  	_ =	shalt  }
0x63: {  	_ =	shalt  }
0x64: {  	_ =	shalt  }
0x65: {  	_ =	shalt  }
0x66: {  	_ =	shalt  }
0x67: {  	_ =	shalt  }
0x68: {  	_ =	shalt  }
0x69: {  	_ =	shalt  }
0x6a: {  	_ =	shalt  }
0x6b: {  	_ =	shalt  }
0x6c: {  	_ =	shalt  }
0x6d: {  	_ =	shalt  }
0x6e: {  	_ =	shalt  }
0x6f: {  	_ =	shalt  }
0x70: {  	_ =	shalt  }
0x71: {  	_ =	shalt  }
0x72: {  	_ =	shalt  }
0x73: {  	_ =	shalt  }
0x74: {  	_ =	shalt  }
0x75: {  	_ =	shalt  }
0x76: {  	_ =	shalt  }
0x77: {  	_ =	shalt  }
0x78: {  	_ =	shalt  }
0x79: {  	_ =	shalt  }
0x7a: {  	_ =	shalt  }
0x7b: {  	_ =	shalt  }
0x7c: {  	_ =	shalt  }
0x7d: {  	_ =	shalt  }
0x7e: {  	_ =	shalt  }
0x7f: {  	_ =	shalt  }
0x80: {  	_ =	shalt  }
0x81: {  	_ =	shalt  }
0x82: {  	_ =	shalt  }
0x83: {  	_ =	shalt  }
0x84: {  	_ =	shalt  }
0x85: {  	_ =	shalt  }
0x86: {  	_ =	shalt  }
0x87: {  	_ =	shalt  }
.Lfunc_end0:
.L_simem_size_0:
called_computation_lowered:
.L_overlay_start_0:
0x88: {  	s2 =	sld [smem:$0x3FD9]  }
0x89: {  	s3 =	sld [smem:$0x3FFE];
	_ =	sdelay $0x1  }
0x8a: {  	s1 =	srdreg.scid  }
0x8b: {  	s0 =	sand.u32 $0x1, s1  }
0x8c: {  	s17 =	sshll.u32 s0, $0xA;
	s2 =	sadd.s32 s3, s2  }
0x8d: {  	s2 =	sadd.s32 s2, s17  }
0x8e: {  	[smem:$0x3FC2] =	sst s2  }
0x8f: {  	_ = 	snop  }
0x90: {  	s2 =	sld [smem:$0x3FC9]  }
0x91: {  	s18 =	sld [smem:$0x3FC8]  }
0x92: {  	s4 =	sld [smem:$0x3FC7]  }
0x93: {  	s5 =	sld [smem:$0x3FC5]  }
0x94: {  	s6 =	sld [smem:$0x3FC4];
	(tm) =	ssettm $0x1  }
0x95: {  	s7 =	sld [smem:$0x3FFB];
	_ =	sdelay $0x3  }
0x96: {  	_ =	strace s7  }
0x97: {  	s7 =	sld [smem:$0x3FFC];
	_ =	sdelay $0x3  }
0x98: {  	_ =	strace s7  }
0x99: {  	s7 =	sld [smem:$0x3FFD];
	_ =	sdelay $0x3  }
0x9a: {  	_ =	strace s7  }
0x9b: {  	_ =	strace $0x8FFFFFFF  }
0x9c: {  	s19 =	sld [smem:$0x3FDB];
	_ =	sdelay $0x1  }
0x9d: {  	s8 =	simm.s32 $_scs_section_size  }
0x9e: {  	s9 =	simm.s32 $_size__tile_overlayer_lowered;
	s10 =	simm.s32 $_tile_overlayer_lowered  }
0x9f: {  	s22 =	simm.s32 $0x1BFF;
	s21 =	sshll.u32 s10, $0x1;
	s7 =	sadd.s32 s8, s19  }
0xa0: {  	s11 =	simm.s32 $0x0;
	s20 =	sshll.u32 s9, $0x1;
	s9 =	sadd.s32 s21, s7  }
0xa1: {  	[timem:s11], [sflag:s22] =	dma.local [hbm:s9], s20  }
0xa2: {  	_ =	swait.ge [sflag:s22], s20  }
0xa3: {  	s8 =	ssub.s32 $0x0, s20;
	[sflag:s22] =	ssyncset.done $0x0  }
0xa4: {  	[sflag:s22] =	ssyncadd.s32 s8;
	_ =	sdelay $0x1  }
0xa5: {  	s23 =	simm.s32 $0x1B8B  }
0xa6: {  	_ =	swait.ge [sflag:s23], $0x1  }
0xa7: {  	[sflag:s23] =	ssyncset.done $0x0  }
0xa8: {  	s25 =	simm.s32 $0x1B8E;
	s24 =	sld [smem:$0x3FFE];
	[sflag:s23] =	ssyncadd.s32 $0xFFFFFFFF  }
0xa9: {  	s26 =	simm.s32 $execute0_lowered;
	[smem:$0x3FD2] =	sst s25  }
0xaa: {  	s9 =	sshll.u32 s26, $0x1;
	_ =	strace $0x80000046;
	[dreg:$0x1] =	wrdreg $0xFFFFFFFF  }
0xab: {  	s28 =	simm.s32 $_size_execute0_lowered;
	s7 =	sadd.s32 s7, s9;
	[dreg:$0x0] =	wrdreg $0x0  }
0xac: {  	s9 =	sshll.u32 s28, $0x1;
	[dreg:$0x2] =	wrdreg s7  }
0xad: {  	[dreg:$0x3] =	wrdreg s9  }
0xae: {  	[dreg:$0x4] =	wrdreg $0xC0  }
0xaf: {  	_ =	task [dreg:s11], $0x5FFFF  }
0xb0: {  	[dreg:$0x1] =	wrdreg $0xFFFFFFFF  }
0xb1: {  	[dreg:$0x0] =	wrdreg $0x60  }
0xb2: {  	[dreg:$0x2] =	wrdreg s2  }
0xb3: {  	[dreg:$0x3] =	wrdreg s18  }
0xb4: {  	[dreg:$0x4] =	wrdreg s4  }
0xb5: {  	[dreg:$0x5] =	wrdreg s5  }
0xb6: {  	[dreg:$0x6] =	wrdreg s6  }
0xb7: {  	[dreg:$0x7] =	wrdreg s24  }
0xb8: {  	[dreg:$0x8] =	wrdreg $0x19C000  }
0xb9: {  	[dreg:$0x9] =	wrdreg $0x9  }
0xba: {  	_ =	task.clear_ibuf [dreg:s11], $0xAFFFF;
	_ =	strace $0x90000046  }
0xbb: {  	s29 =	simm.s32 $0x9;
	_ =	strace $0x80000048  }
0xbc: {  	_ =	swait.ge [sflag:s29], $0x1  }
0xbd: {  	[sflag:s29] =	ssyncadd.s32 $0xFFFFFFFF  }
0xbe: {  	_ =	strace $0x90000048  }
0xbf: {  	_ =	sfence  }
0xc0: {  	s30 =	sld [smem:$0x0];
	_ =	sdelay $0x2  }
0xc1: {  	s31 =	sshll.u32 s1, $0xD;
	s1 =	sshrl.u32 s1, $0x2  }
0xc2: {  	s3 =	sand.u32 $0x4000, s31;
	s1 =	sadd.s32 s1, s30  }
0xc3: {  	s0 =	sor.u32 s3, s0;
	s1 =	sshll.u32 s1, $0x11  }
0xc4: {  	s0 =	sor.u32 s1, s0  }
0xc5: {  	s0 =	sadd.s32 $0x8F2B, s0  }
0xc6: {  	[sflag:s0] =	ssyncadd.remote.s32 $0x1  }
0xc7: {  	_ =	sfence.sel $0xFFFF  }
0xc8: {  	[dreg:$0x0] =	wrdreg $0xFFFFFFFF;
	(pc) =	sbr.abs _section_cstart, $3  }
0xc9: {  	[dreg:$0x1] =	wrdreg $0xFFFFFFFF  }
0xca: {  	_ =	task.clear_ibuf [dreg:s11], $0x2FFFF;
	_ =	strace $0x9FFFFFFF  }
0xcb: {  	(tm) =	ssettm $0x7FFFFFFF  }
tec
execute0_lowered:
.L_overlay_start_1:
0x0: {  	(tag) =	ssettag $0x1  }
0x1: {  	s0 =	rddreg [dreg:$0x0]  }
0x2: {  	s7 =	rddreg [dreg:$0x1]  }
0x3: {  	s8 =	rddreg [dreg:$0x2]  }
0x4: {  	s1 =	rddreg [dreg:$0x3]  }
0x5: {  	s2 =	rddreg [dreg:$0x4]  }
0x6: {  	s6 =	rddreg [dreg:$0x5]  }
0x7: {  	s3 =	rddreg [dreg:$0x6];
	s4 =	simm.s32 $0x0  }
0x8: {  	s5 =	srdreg.scid;
	s13 =	simm.s32 $0x800;
	s14 =	simm.s32 $0x80  }
0x9: {  	s15 =	simm.s32 $0xC00;
	s16 =	simm.s32 $0xCC00;
	s18 =	simm.s32 $0x4C00  }
0xa: {  	s20 =	simm.s32 $0x10C00;
	s21 =	simm.s32 $0x1;
	s23 =	simm.s32 $0x8C00  }
0xb: {  	s28 =	simm.s32 $0x2;
	s30 =	simm.s32 $0x4;
	s22 =	simm.s32 $0x5  }
0xc: {  	s29 =	simm.s32 $0x0;
	[smem:$0x7FF] =	sst s4;
	s9 =	sand.u32 $0x1, s5  }
0xd: {  	s5 =	stileid.u32;
	_ =	strace $0x80000047;
	s10 =	sshll.u32 s9, $0xD  }
0xe: {  	s11 =	ssub.s32 $0x2, s9;
	s12 =	sshll.u32 s5, $0x8;
	s9 =	sshll.u32 s9, $0x7  }
0xf: {  	s26 =	sshll.u32 s5, $0xC;
	s17 =	sshll.u32 s5, $0x9;
	s10 =	sadd.s32 s10, s6  }
0x10: {  	s25 =	sshrl.u32 s11, $0x1;
	s9 =	sor.u32 s9, s12;
	s12 =	simm.s32 $0x400  }
0x11: {  	s11 =	ssub.s32 s11, s25;
	s6 =	sadd.s32 s0, s9;
	s7 =	sadd.s32 s7, s9  }
0x12: {  	s8 =	sadd.s32 s8, s9;
	s9 =	sadd.s32 s26, s3;
	s31 =	sadd.s32 $0xA00, s10  }
0x13: {  	s26 =	simm.s32 $0x14C00;
	s0 =	simm.s32 $0x6;
	s10 =	smax.u32 s11, $0x1  }
0x14: {  	v0 =	vimm.f32 $0.0e+00;
	s11 =	simm.s32 $0x7;
	s24 =	sadd.s32 s17, s31;
	s17 =	simm.s32 $0x3  }
.LBB2_1:
0x15: {  	[tilespmem:s4], [sflag:$0x7] =	stream.linear.gather [hbm4b:s6+s4], $0x400, $0x38;
	[tilespmem:$0x1AC00] =	vst v63  }
0x16: {  	_ =	swait.ge [sflag:s11], $0x400  }
0x17: {  	[sflag:s11] =	ssyncset.done $0x0  }
0x18: {  	[sflag:s11] =	ssyncadd.s32 $0xFFFFFC00  }
0x19: {  	[tilespmem:s12], [sflag:$0x7] =	stream.linear.gather [hbm4b:s7+s4], $0x400, $0x38;
	[tilespmem:$0x1AC00] =	vst v63  }
0x1a: {  	_ =	swait.ge [sflag:s11], $0x400  }
0x1b: {  	[sflag:s11] =	ssyncset.done $0x0  }
0x1c: {  	[sflag:s11] =	ssyncadd.s32 $0xFFFFFC00  }
0x1d: {  	[tilespmem:s13], [sflag:$0x7] =	stream.linear.gather [hbm4b:s8+s4], $0x400, $0x38;
	[tilespmem:$0x1AC00] =	vst v63  }
0x1e: {  	_ =	swait.ge [sflag:s11], $0x400  }
0x1f: {  	[sflag:s11] =	ssyncset.done $0x0  }
0x20: {  	[sflag:s11] =	ssyncadd.s32 $0xFFFFFC00  }
0x21: {  	[tilespmem:s15], [sflag:$0x1] =	stream.indirect.gather [hbm4b:s1+s14], $0x80, s4, s14, $0xb8;
	[tilespmem:$0x1AC00] =	vst v63  }
0x22: {  	s19 =	simm.s32 $0x0;
	s31 =	simm.s32 $0x200  }
0x23: {  	[tilespmem:s16], [sflag:$0x1] =	stream.indirect.gather [hbm4b:s2+s14], $0x80, s12, s14, $0xb8;
	[tilespmem:$0x1AC00] =	vst v63  }
.LBB2_2:
0x24: {  	p0 =	sne.s32 s31, $0x3E00;
	[tilespmem:s19+$0x18C70] =	vst v0  }
0x25: {  	[tilespmem:s19+$0x18C00] =	vst v0  }
0x26: {  	[tilespmem:s19+$0x18C10] =	vst v0  }
.Ltmp0:
0x27: {  	[tilespmem:s19+$0x18C20] =	vst v0;
	(pc) =	sbr.rel @p0 .LBB2_2-.Ltmp0, $4  }
0x28: {  	[tilespmem:s19+$0x18C30] =	vst v0  }
0x29: {  	[tilespmem:s19+$0x18C40] =	vst v0  }
0x2a: {  	[tilespmem:s19+$0x18C50] =	vst v0  }
0x2b: {  	[tilespmem:s19+$0x18C60] =	vst v0;
	s19 =	sshra.s32 s31, $0x2;
	s31 =	sadd.s32 $0x200, s31  }
0x2c: {  	[tilespmem:s19+$0x18C70] =	vst v0  }
0x2d: {  	[tilespmem:s19+$0x18C00] =	vst v0  }
0x2e: {  	[tilespmem:s19+$0x18C10] =	vst v0  }
0x2f: {  	[tilespmem:s19+$0x18C20] =	vst v0  }
0x30: {  	[tilespmem:s19+$0x18C30] =	vst v0  }
0x31: {  	[tilespmem:s19+$0x18C40] =	vst v0  }
0x32: {  	[tilespmem:s19+$0x18C50] =	vst v0  }
0x33: {  	[tilespmem:s19+$0x18C60] =	vst v0;
	s25 =	simm.s32 $0x18C00  }
0x34: {  	[spmem:s9] =	stream.linear.scatter [tilespmem:s25], [sflag:$0x7], $0x1000, $0x38;
	[tilespmem:$0x1AC00] =	vst v63  }
0x35: {  	_ =	swait.ge [sflag:s11], $0x1000  }
0x36: {  	[sflag:s11] =	ssyncset.done $0x0  }
0x37: {  	[sflag:s11] =	ssyncadd.s32 $0xFFFFF000  }
0x38: {  	[bflag:$0x0] =	sbarrier.arrive $0xFFFF  }
0x39: {  	[tilespmem:s18], [sflag:$0x2] =	stream.indirect.gather [hbm4b:s1+s14], $0x80, s14, s14, $0xb8;
	[tilespmem:$0x1AC00] =	vst v63  }
0x3a: {  	s25 =	simm.s32 $0x480  }
0x3b: {  	[tilespmem:s20], [sflag:$0x2] =	stream.indirect.gather [hbm4b:s2+s14], $0x80, s25, s14, $0xb8;
	[tilespmem:$0x1AC00] =	vst v63  }
0x3c: {  	_ =	swait.ge [sflag:s21], $0x4000  }
0x3d: {  	[sflag:s21] =	ssyncset.done $0x0  }
0x3e: {  	[sflag:s21] =	ssyncadd.s32 $0xFFFFC000  }
0x3f: {  	_ =	swait.ge [sflag:s21], $0x4000  }
0x40: {  	[sflag:s21] =	ssyncset.done $0x0  }
0x41: {  	s31 =	simm.s32 $0x0;
	[sflag:s21] =	ssyncadd.s32 $0xFFFFC000  }
0x42: {  	v8 =	vld [tilespmem:s31+$0xCC00]  }
0x43: {  	v12 =	vld [tilespmem:s31+$0xCC10]  }
0x44: {  	v6 =	vld [tilespmem:s31+$0xCC20]  }
0x45: {  	v5 =	vld [tilespmem:s31+$0xCC30]  }
0x46: {  	v4 =	vld [tilespmem:s31+$0xCC40]  }
0x47: {  	v3 =	vld [tilespmem:s31+$0xCC50]  }
0x48: {  	v2 =	vld [tilespmem:s31+$0xCC60]  }
0x49: {  	v1 =	vld [tilespmem:s31+$0xCC70]  }
0x4a: {  	v13 =	vld [tilespmem:s31+$0xC00]  }
0x4b: {  	v14 =	vld [tilespmem:s31+$0xC10]  }
0x4c: {  	v11 =	vld [tilespmem:s31+$0xC20]  }
0x4d: {  	v10 =	vld [tilespmem:s31+$0xC30]  }
0x4e: {  	v9 =	vld [tilespmem:s31+$0xC40]  }
0x4f: {  	v7 =	vld [tilespmem:s31+$0xC50];
	v13 =	vadd.f32 v8, v13  }
0x50: {  	s19 =	simm.s32 $0x200;
	v12 =	vadd.f32 v12, v14;
	v8 =	vld [tilespmem:s31+$0xC60]  }
.LBB2_4:
0x51: {  	s25 =	sshra.s32 s19, $0x2;
	p0 =	sne.s32 s19, $0xFE00;
	[tilespmem:s31+$0xC00] =	vst v13;
	v6 =	vadd.f32 v6, v11;
	v11 =	vld [tilespmem:s31+$0xC70]  }
0x52: {  	v13 =	vld [tilespmem:s25+$0xCC00];
	[tilespmem:s31+$0xC10] =	vst v12;
	v5 =	vadd.f32 v5, v10  }
0x53: {  	v12 =	vld [tilespmem:s25+$0xCC10];
	[tilespmem:s31+$0xC20] =	vst v6;
	v4 =	vadd.f32 v4, v9  }
0x54: {  	v6 =	vld [tilespmem:s25+$0xCC20];
	[tilespmem:s31+$0xC30] =	vst v5;
	v3 =	vadd.f32 v3, v7  }
0x55: {  	v5 =	vld [tilespmem:s25+$0xCC30];
	[tilespmem:s31+$0xC40] =	vst v4;
	v2 =	vadd.f32 v2, v8  }
0x56: {  	v4 =	vld [tilespmem:s25+$0xCC40];
	[tilespmem:s31+$0xC50] =	vst v3;
	v1 =	vadd.f32 v1, v11  }
0x57: {  	v3 =	vld [tilespmem:s25+$0xCC50];
	[tilespmem:s31+$0xC60] =	vst v2  }
0x58: {  	v2 =	vld [tilespmem:s25+$0xCC60];
	[tilespmem:s31+$0xC70] =	vst v1;
	s31 =	smov.u32 s25  }
0x59: {  	v1 =	vld [tilespmem:s31+$0xCC70]  }
0x5a: {  	v7 =	vld [tilespmem:s31+$0xC00]  }
0x5b: {  	v8 =	vld [tilespmem:s31+$0xC10]  }
.Ltmp1:
0x5c: {  	v11 =	vld [tilespmem:s31+$0xC20];
	(pc) =	sbr.rel @p0 .LBB2_4-.Ltmp1, $4  }
0x5d: {  	v10 =	vld [tilespmem:s31+$0xC30]  }
0x5e: {  	v9 =	vld [tilespmem:s31+$0xC40]  }
0x5f: {  	v13 =	vadd.f32 v13, v7;
	v7 =	vld [tilespmem:s31+$0xC50]  }
0x60: {  	s19 =	sadd.s32 $0x200, s19;
	v12 =	vadd.f32 v12, v8;
	v8 =	vld [tilespmem:s31+$0xC60]  }
0x61: {  	[tilespmem:s31+$0xC00] =	vst v13;
	v6 =	vadd.f32 v6, v11;
	v11 =	vld [tilespmem:s31+$0xC70]  }
0x62: {  	[tilespmem:s31+$0xC10] =	vst v12;
	v5 =	vadd.f32 v5, v10  }
0x63: {  	[tilespmem:s31+$0xC20] =	vst v6;
	v4 =	vadd.f32 v4, v9  }
0x64: {  	[tilespmem:s31+$0xC30] =	vst v5;
	v3 =	vadd.f32 v3, v7  }
0x65: {  	[tilespmem:s31+$0xC40] =	vst v4;
	v2 =	vadd.f32 v2, v8  }
0x66: {  	[tilespmem:s31+$0xC50] =	vst v3;
	v1 =	vadd.f32 v1, v11  }
0x67: {  	[tilespmem:s31+$0xC60] =	vst v2  }
0x68: {  	[tilespmem:s31+$0xC70] =	vst v1  }
0x69: {  	[spmem:s3] =	stream.indirect.scatter.add.f32 [tilespmem:s15], [sflag:$0x4], $0x80, s13, s14, $0xb8;
	[tilespmem:$0x1AC00] =	vst v63  }
0x6a: {  	s19 =	simm.s32 $0x100  }
0x6b: {  	[tilespmem:s23], [sflag:$0x3] =	stream.indirect.gather [hbm4b:s1+s14], $0x80, s19, s14, $0xb8;
	[tilespmem:$0x1AC00] =	vst v63  }
0x6c: {  	s25 =	simm.s32 $0x500  }
0x6d: {  	[tilespmem:s26], [sflag:$0x3] =	stream.indirect.gather [hbm4b:s2+s14], $0x80, s25, s14, $0xb8;
	[tilespmem:$0x1AC00] =	vst v63  }
0x6e: {  	_ =	swait.ge [sflag:s28], $0x4000  }
0x6f: {  	[sflag:s28] =	ssyncset.done $0x0  }
0x70: {  	[sflag:s28] =	ssyncadd.s32 $0xFFFFC000  }
0x71: {  	_ =	swait.ge [sflag:s28], $0x4000  }
0x72: {  	[sflag:s28] =	ssyncset.done $0x0  }
0x73: {  	s31 =	simm.s32 $0x0;
	[sflag:s28] =	ssyncadd.s32 $0xFFFFC000  }
0x74: {  	v8 =	vld [tilespmem:s31+$0x10C00]  }
0x75: {  	v12 =	vld [tilespmem:s31+$0x10C10]  }
0x76: {  	v6 =	vld [tilespmem:s31+$0x10C20]  }
0x77: {  	v5 =	vld [tilespmem:s31+$0x10C30]  }
0x78: {  	v4 =	vld [tilespmem:s31+$0x10C40]  }
0x79: {  	v3 =	vld [tilespmem:s31+$0x10C50]  }
0x7a: {  	v2 =	vld [tilespmem:s31+$0x10C60]  }
0x7b: {  	v1 =	vld [tilespmem:s31+$0x10C70]  }
0x7c: {  	v13 =	vld [tilespmem:s31+$0x4C00]  }
0x7d: {  	v14 =	vld [tilespmem:s31+$0x4C10]  }
0x7e: {  	v11 =	vld [tilespmem:s31+$0x4C20]  }
0x7f: {  	v10 =	vld [tilespmem:s31+$0x4C30]  }
0x80: {  	v9 =	vld [tilespmem:s31+$0x4C40]  }
0x81: {  	v7 =	vld [tilespmem:s31+$0x4C50];
	v13 =	vadd.f32 v8, v13  }
0x82: {  	s19 =	simm.s32 $0x200;
	v12 =	vadd.f32 v12, v14;
	v8 =	vld [tilespmem:s31+$0x4C60]  }
.LBB2_6:
0x83: {  	s25 =	sshra.s32 s19, $0x2;
	p0 =	sne.s32 s19, $0xFE00;
	[tilespmem:s31+$0x4C00] =	vst v13;
	v6 =	vadd.f32 v6, v11;
	v11 =	vld [tilespmem:s31+$0x4C70]  }
0x84: {  	v13 =	vld [tilespmem:s25+$0x10C00];
	[tilespmem:s31+$0x4C10] =	vst v12;
	v5 =	vadd.f32 v5, v10  }
0x85: {  	v12 =	vld [tilespmem:s25+$0x10C10];
	[tilespmem:s31+$0x4C20] =	vst v6;
	v4 =	vadd.f32 v4, v9  }
0x86: {  	v6 =	vld [tilespmem:s25+$0x10C20];
	[tilespmem:s31+$0x4C30] =	vst v5;
	v3 =	vadd.f32 v3, v7  }
0x87: {  	v5 =	vld [tilespmem:s25+$0x10C30];
	[tilespmem:s31+$0x4C40] =	vst v4;
	v2 =	vadd.f32 v2, v8  }
0x88: {  	v4 =	vld [tilespmem:s25+$0x10C40];
	[tilespmem:s31+$0x4C50] =	vst v3;
	v1 =	vadd.f32 v1, v11  }
0x89: {  	v3 =	vld [tilespmem:s25+$0x10C50];
	[tilespmem:s31+$0x4C60] =	vst v2  }
0x8a: {  	v2 =	vld [tilespmem:s25+$0x10C60];
	[tilespmem:s31+$0x4C70] =	vst v1;
	s31 =	smov.u32 s25  }
0x8b: {  	v1 =	vld [tilespmem:s31+$0x10C70]  }
0x8c: {  	v7 =	vld [tilespmem:s31+$0x4C00]  }
0x8d: {  	v8 =	vld [tilespmem:s31+$0x4C10]  }
.Ltmp2:
0x8e: {  	v11 =	vld [tilespmem:s31+$0x4C20];
	(pc) =	sbr.rel @p0 .LBB2_6-.Ltmp2, $4  }
0x8f: {  	v10 =	vld [tilespmem:s31+$0x4C30]  }
0x90: {  	v9 =	vld [tilespmem:s31+$0x4C40]  }
0x91: {  	v13 =	vadd.f32 v13, v7;
	v7 =	vld [tilespmem:s31+$0x4C50]  }
0x92: {  	s19 =	sadd.s32 $0x200, s19;
	v12 =	vadd.f32 v12, v8;
	v8 =	vld [tilespmem:s31+$0x4C60]  }
0x93: {  	[tilespmem:s31+$0x4C00] =	vst v13;
	v6 =	vadd.f32 v6, v11;
	v11 =	vld [tilespmem:s31+$0x4C70]  }
0x94: {  	[tilespmem:s31+$0x4C10] =	vst v12;
	v5 =	vadd.f32 v5, v10  }
0x95: {  	[tilespmem:s31+$0x4C20] =	vst v6;
	v4 =	vadd.f32 v4, v9  }
0x96: {  	[tilespmem:s31+$0x4C30] =	vst v5;
	v3 =	vadd.f32 v3, v7  }
0x97: {  	[tilespmem:s31+$0x4C40] =	vst v4;
	v2 =	vadd.f32 v2, v8  }
0x98: {  	[tilespmem:s31+$0x4C50] =	vst v3;
	v1 =	vadd.f32 v1, v11  }
0x99: {  	[tilespmem:s31+$0x4C60] =	vst v2  }
0x9a: {  	s19 =	simm.s32 $0x880;
	[tilespmem:s31+$0x4C70] =	vst v1  }
0x9b: {  	[spmem:s3] =	stream.indirect.scatter.add.f32 [tilespmem:s18], [sflag:$0x5], $0x80, s19, s14, $0xb8;
	[tilespmem:$0x1AC00] =	vst v63  }
0x9c: {  	_ =	swait.ge [sflag:s30], $0x4000  }
0x9d: {  	[sflag:s30] =	ssyncset.done $0x0  }
0x9e: {  	s25 =	simm.s32 $0x180;
	[sflag:s30] =	ssyncadd.s32 $0xFFFFC000  }
0x9f: {  	[tilespmem:s15], [sflag:$0x1] =	stream.indirect.gather [hbm4b:s1+s14], $0x80, s25, s14, $0xb8;
	[tilespmem:$0x1AC00] =	vst v63  }
0xa0: {  	s25 =	simm.s32 $0x580  }
0xa1: {  	[tilespmem:s16], [sflag:$0x1] =	stream.indirect.gather [hbm4b:s2+s14], $0x80, s25, s14, $0xb8;
	[tilespmem:$0x1AC00] =	vst v63  }
0xa2: {  	_ =	swait.ge [sflag:s17], $0x4000  }
0xa3: {  	[sflag:s17] =	ssyncset.done $0x0  }
0xa4: {  	[sflag:s17] =	ssyncadd.s32 $0xFFFFC000  }
0xa5: {  	_ =	swait.ge [sflag:s17], $0x4000  }
0xa6: {  	[sflag:s17] =	ssyncset.done $0x0  }
0xa7: {  	s31 =	simm.s32 $0x0;
	[sflag:s17] =	ssyncadd.s32 $0xFFFFC000  }
0xa8: {  	v8 =	vld [tilespmem:s31+$0x14C00]  }
0xa9: {  	v12 =	vld [tilespmem:s31+$0x14C10]  }
0xaa: {  	v6 =	vld [tilespmem:s31+$0x14C20]  }
0xab: {  	v5 =	vld [tilespmem:s31+$0x14C30]  }
0xac: {  	v4 =	vld [tilespmem:s31+$0x14C40]  }
0xad: {  	v3 =	vld [tilespmem:s31+$0x14C50]  }
0xae: {  	v2 =	vld [tilespmem:s31+$0x14C60]  }
0xaf: {  	v1 =	vld [tilespmem:s31+$0x14C70]  }
0xb0: {  	v13 =	vld [tilespmem:s31+$0x8C00]  }
0xb1: {  	v14 =	vld [tilespmem:s31+$0x8C10]  }
0xb2: {  	v11 =	vld [tilespmem:s31+$0x8C20]  }
0xb3: {  	v10 =	vld [tilespmem:s31+$0x8C30]  }
0xb4: {  	v9 =	vld [tilespmem:s31+$0x8C40]  }
0xb5: {  	v7 =	vld [tilespmem:s31+$0x8C50];
	v13 =	vadd.f32 v8, v13  }
0xb6: {  	s19 =	simm.s32 $0x200;
	v12 =	vadd.f32 v12, v14;
	v8 =	vld [tilespmem:s31+$0x8C60]  }
.LBB2_8:
0xb7: {  	s25 =	sshra.s32 s19, $0x2;
	p0 =	sne.s32 s19, $0xFE00;
	[tilespmem:s31+$0x8C00] =	vst v13;
	v6 =	vadd.f32 v6, v11;
	v11 =	vld [tilespmem:s31+$0x8C70]  }
0xb8: {  	v13 =	vld [tilespmem:s25+$0x14C00];
	[tilespmem:s31+$0x8C10] =	vst v12;
	v5 =	vadd.f32 v5, v10  }
0xb9: {  	v12 =	vld [tilespmem:s25+$0x14C10];
	[tilespmem:s31+$0x8C20] =	vst v6;
	v4 =	vadd.f32 v4, v9  }
0xba: {  	v6 =	vld [tilespmem:s25+$0x14C20];
	[tilespmem:s31+$0x8C30] =	vst v5;
	v3 =	vadd.f32 v3, v7  }
0xbb: {  	v5 =	vld [tilespmem:s25+$0x14C30];
	[tilespmem:s31+$0x8C40] =	vst v4;
	v2 =	vadd.f32 v2, v8  }
0xbc: {  	v4 =	vld [tilespmem:s25+$0x14C40];
	[tilespmem:s31+$0x8C50] =	vst v3;
	v1 =	vadd.f32 v1, v11  }
0xbd: {  	v3 =	vld [tilespmem:s25+$0x14C50];
	[tilespmem:s31+$0x8C60] =	vst v2  }
0xbe: {  	v2 =	vld [tilespmem:s25+$0x14C60];
	[tilespmem:s31+$0x8C70] =	vst v1;
	s31 =	smov.u32 s25  }
0xbf: {  	v1 =	vld [tilespmem:s31+$0x14C70]  }
0xc0: {  	v7 =	vld [tilespmem:s31+$0x8C00]  }
0xc1: {  	v8 =	vld [tilespmem:s31+$0x8C10]  }
.Ltmp3:
0xc2: {  	v11 =	vld [tilespmem:s31+$0x8C20];
	(pc) =	sbr.rel @p0 .LBB2_8-.Ltmp3, $4  }
0xc3: {  	v10 =	vld [tilespmem:s31+$0x8C30]  }
0xc4: {  	v9 =	vld [tilespmem:s31+$0x8C40]  }
0xc5: {  	v13 =	vadd.f32 v13, v7;
	v7 =	vld [tilespmem:s31+$0x8C50]  }
0xc6: {  	s19 =	sadd.s32 $0x200, s19;
	v12 =	vadd.f32 v12, v8;
	v8 =	vld [tilespmem:s31+$0x8C60]  }
0xc7: {  	[tilespmem:s31+$0x8C00] =	vst v13;
	v6 =	vadd.f32 v6, v11;
	v11 =	vld [tilespmem:s31+$0x8C70]  }
0xc8: {  	[tilespmem:s31+$0x8C10] =	vst v12;
	v5 =	vadd.f32 v5, v10  }
0xc9: {  	[tilespmem:s31+$0x8C20] =	vst v6;
	v4 =	vadd.f32 v4, v9  }
0xca: {  	[tilespmem:s31+$0x8C30] =	vst v5;
	v3 =	vadd.f32 v3, v7  }
0xcb: {  	[tilespmem:s31+$0x8C40] =	vst v4;
	v2 =	vadd.f32 v2, v8  }
0xcc: {  	[tilespmem:s31+$0x8C50] =	vst v3;
	v1 =	vadd.f32 v1, v11  }
0xcd: {  	[tilespmem:s31+$0x8C60] =	vst v2  }
0xce: {  	s19 =	simm.s32 $0x900;
	[tilespmem:s31+$0x8C70] =	vst v1  }
0xcf: {  	[spmem:s3] =	stream.indirect.scatter.add.f32 [tilespmem:s23], [sflag:$0x6], $0x80, s19, s14, $0xb8;
	[tilespmem:$0x1AC00] =	vst v63  }
0xd0: {  	_ =	swait.ge [sflag:s22], $0x4000  }
0xd1: {  	[sflag:s22] =	ssyncset.done $0x0  }
0xd2: {  	s25 =	simm.s32 $0x200;
	[sflag:s22] =	ssyncadd.s32 $0xFFFFC000  }
0xd3: {  	[tilespmem:s18], [sflag:$0x2] =	stream.indirect.gather [hbm4b:s1+s14], $0x80, s25, s14, $0xb8;
	[tilespmem:$0x1AC00] =	vst v63  }
0xd4: {  	s25 =	simm.s32 $0x600  }
0xd5: {  	[tilespmem:s20], [sflag:$0x2] =	stream.indirect.gather [hbm4b:s2+s14], $0x80, s25, s14, $0xb8;
	[tilespmem:$0x1AC00] =	vst v63  }
0xd6: {  	_ =	swait.ge [sflag:s21], $0x4000  }
0xd7: {  	[sflag:s21] =	ssyncset.done $0x0  }
0xd8: {  	[sflag:s21] =	ssyncadd.s32 $0xFFFFC000  }
0xd9: {  	_ =	swait.ge [sflag:s21], $0x4000  }
0xda: {  	[sflag:s21] =	ssyncset.done $0x0  }
0xdb: {  	s31 =	simm.s32 $0x0;
	[sflag:s21] =	ssyncadd.s32 $0xFFFFC000  }
0xdc: {  	v8 =	vld [tilespmem:s31+$0xCC00]  }
0xdd: {  	v12 =	vld [tilespmem:s31+$0xCC10]  }
0xde: {  	v6 =	vld [tilespmem:s31+$0xCC20]  }
0xdf: {  	v5 =	vld [tilespmem:s31+$0xCC30]  }
0xe0: {  	v4 =	vld [tilespmem:s31+$0xCC40]  }
0xe1: {  	v3 =	vld [tilespmem:s31+$0xCC50]  }
0xe2: {  	v2 =	vld [tilespmem:s31+$0xCC60]  }
0xe3: {  	v1 =	vld [tilespmem:s31+$0xCC70]  }
0xe4: {  	v13 =	vld [tilespmem:s31+$0xC00]  }
0xe5: {  	v14 =	vld [tilespmem:s31+$0xC10]  }
0xe6: {  	v11 =	vld [tilespmem:s31+$0xC20]  }
0xe7: {  	v10 =	vld [tilespmem:s31+$0xC30]  }
0xe8: {  	v9 =	vld [tilespmem:s31+$0xC40]  }
0xe9: {  	v7 =	vld [tilespmem:s31+$0xC50];
	v13 =	vadd.f32 v8, v13  }
0xea: {  	s19 =	simm.s32 $0x200;
	v12 =	vadd.f32 v12, v14;
	v8 =	vld [tilespmem:s31+$0xC60]  }
.LBB2_10:
0xeb: {  	s25 =	sshra.s32 s19, $0x2;
	p0 =	sne.s32 s19, $0xFE00;
	[tilespmem:s31+$0xC00] =	vst v13;
	v6 =	vadd.f32 v6, v11;
	v11 =	vld [tilespmem:s31+$0xC70]  }
0xec: {  	v13 =	vld [tilespmem:s25+$0xCC00];
	[tilespmem:s31+$0xC10] =	vst v12;
	v5 =	vadd.f32 v5, v10  }
0xed: {  	v12 =	vld [tilespmem:s25+$0xCC10];
	[tilespmem:s31+$0xC20] =	vst v6;
	v4 =	vadd.f32 v4, v9  }
0xee: {  	v6 =	vld [tilespmem:s25+$0xCC20];
	[tilespmem:s31+$0xC30] =	vst v5;
	v3 =	vadd.f32 v3, v7  }
0xef: {  	v5 =	vld [tilespmem:s25+$0xCC30];
	[tilespmem:s31+$0xC40] =	vst v4;
	v2 =	vadd.f32 v2, v8  }
0xf0: {  	v4 =	vld [tilespmem:s25+$0xCC40];
	[tilespmem:s31+$0xC50] =	vst v3;
	v1 =	vadd.f32 v1, v11  }
0xf1: {  	v3 =	vld [tilespmem:s25+$0xCC50];
	[tilespmem:s31+$0xC60] =	vst v2  }
0xf2: {  	v2 =	vld [tilespmem:s25+$0xCC60];
	[tilespmem:s31+$0xC70] =	vst v1;
	s31 =	smov.u32 s25  }
0xf3: {  	v1 =	vld [tilespmem:s31+$0xCC70]  }
0xf4: {  	v7 =	vld [tilespmem:s31+$0xC00]  }
0xf5: {  	v8 =	vld [tilespmem:s31+$0xC10]  }
.Ltmp4:
0xf6: {  	v11 =	vld [tilespmem:s31+$0xC20];
	(pc) =	sbr.rel @p0 .LBB2_10-.Ltmp4, $4  }
0xf7: {  	v10 =	vld [tilespmem:s31+$0xC30]  }
0xf8: {  	v9 =	vld [tilespmem:s31+$0xC40]  }
0xf9: {  	v13 =	vadd.f32 v13, v7;
	v7 =	vld [tilespmem:s31+$0xC50]  }
0xfa: {  	s19 =	sadd.s32 $0x200, s19;
	v12 =	vadd.f32 v12, v8;
	v8 =	vld [tilespmem:s31+$0xC60]  }
0xfb: {  	[tilespmem:s31+$0xC00] =	vst v13;
	v6 =	vadd.f32 v6, v11;
	v11 =	vld [tilespmem:s31+$0xC70]  }
0xfc: {  	[tilespmem:s31+$0xC10] =	vst v12;
	v5 =	vadd.f32 v5, v10  }
0xfd: {  	[tilespmem:s31+$0xC20] =	vst v6;
	v4 =	vadd.f32 v4, v9  }
0xfe: {  	[tilespmem:s31+$0xC30] =	vst v5;
	v3 =	vadd.f32 v3, v7  }
0xff: {  	[tilespmem:s31+$0xC40] =	vst v4;
	v2 =	vadd.f32 v2, v8  }
0x100: {  	[tilespmem:s31+$0xC50] =	vst v3;
	v1 =	vadd.f32 v1, v11  }
0x101: {  	[tilespmem:s31+$0xC60] =	vst v2  }
0x102: {  	s19 =	simm.s32 $0x980;
	[tilespmem:s31+$0xC70] =	vst v1  }
0x103: {  	[spmem:s3] =	stream.indirect.scatter.add.f32 [tilespmem:s15], [sflag:$0x4], $0x80, s19, s14, $0xb8;
	[tilespmem:$0x1AC00] =	vst v63  }
0x104: {  	_ =	swait.ge [sflag:s0], $0x4000  }
0x105: {  	[sflag:s0] =	ssyncset.done $0x0  }
0x106: {  	s25 =	simm.s32 $0x280;
	[sflag:s0] =	ssyncadd.s32 $0xFFFFC000  }
0x107: {  	[tilespmem:s23], [sflag:$0x3] =	stream.indirect.gather [hbm4b:s1+s14], $0x80, s25, s14, $0xb8;
	[tilespmem:$0x1AC00] =	vst v63  }
0x108: {  	s25 =	simm.s32 $0x680  }
0x109: {  	[tilespmem:s26], [sflag:$0x3] =	stream.indirect.gather [hbm4b:s2+s14], $0x80, s25, s14, $0xb8;
	[tilespmem:$0x1AC00] =	vst v63  }
0x10a: {  	_ =	swait.ge [sflag:s28], $0x4000  }
0x10b: {  	[sflag:s28] =	ssyncset.done $0x0  }
0x10c: {  	[sflag:s28] =	ssyncadd.s32 $0xFFFFC000  }
0x10d: {  	_ =	swait.ge [sflag:s28], $0x4000  }
0x10e: {  	[sflag:s28] =	ssyncset.done $0x0  }
0x10f: {  	s31 =	simm.s32 $0x0;
	[sflag:s28] =	ssyncadd.s32 $0xFFFFC000  }
0x110: {  	v8 =	vld [tilespmem:s31+$0x10C00]  }
0x111: {  	v12 =	vld [tilespmem:s31+$0x10C10]  }
0x112: {  	v6 =	vld [tilespmem:s31+$0x10C20]  }
0x113: {  	v5 =	vld [tilespmem:s31+$0x10C30]  }
0x114: {  	v4 =	vld [tilespmem:s31+$0x10C40]  }
0x115: {  	v3 =	vld [tilespmem:s31+$0x10C50]  }
0x116: {  	v2 =	vld [tilespmem:s31+$0x10C60]  }
0x117: {  	v1 =	vld [tilespmem:s31+$0x10C70]  }
0x118: {  	v13 =	vld [tilespmem:s31+$0x4C00]  }
0x119: {  	v14 =	vld [tilespmem:s31+$0x4C10]  }
0x11a: {  	v11 =	vld [tilespmem:s31+$0x4C20]  }
0x11b: {  	v10 =	vld [tilespmem:s31+$0x4C30]  }
0x11c: {  	v9 =	vld [tilespmem:s31+$0x4C40]  }
0x11d: {  	v7 =	vld [tilespmem:s31+$0x4C50];
	v13 =	vadd.f32 v8, v13  }
0x11e: {  	s19 =	simm.s32 $0x200;
	v12 =	vadd.f32 v12, v14;
	v8 =	vld [tilespmem:s31+$0x4C60]  }
.LBB2_12:
0x11f: {  	s25 =	sshra.s32 s19, $0x2;
	p0 =	sne.s32 s19, $0xFE00;
	[tilespmem:s31+$0x4C00] =	vst v13;
	v6 =	vadd.f32 v6, v11;
	v11 =	vld [tilespmem:s31+$0x4C70]  }
0x120: {  	v13 =	vld [tilespmem:s25+$0x10C00];
	[tilespmem:s31+$0x4C10] =	vst v12;
	v5 =	vadd.f32 v5, v10  }
0x121: {  	v12 =	vld [tilespmem:s25+$0x10C10];
	[tilespmem:s31+$0x4C20] =	vst v6;
	v4 =	vadd.f32 v4, v9  }
0x122: {  	v6 =	vld [tilespmem:s25+$0x10C20];
	[tilespmem:s31+$0x4C30] =	vst v5;
	v3 =	vadd.f32 v3, v7  }
0x123: {  	v5 =	vld [tilespmem:s25+$0x10C30];
	[tilespmem:s31+$0x4C40] =	vst v4;
	v2 =	vadd.f32 v2, v8  }
0x124: {  	v4 =	vld [tilespmem:s25+$0x10C40];
	[tilespmem:s31+$0x4C50] =	vst v3;
	v1 =	vadd.f32 v1, v11  }
0x125: {  	v3 =	vld [tilespmem:s25+$0x10C50];
	[tilespmem:s31+$0x4C60] =	vst v2  }
0x126: {  	v2 =	vld [tilespmem:s25+$0x10C60];
	[tilespmem:s31+$0x4C70] =	vst v1;
	s31 =	smov.u32 s25  }
0x127: {  	v1 =	vld [tilespmem:s31+$0x10C70]  }
0x128: {  	v7 =	vld [tilespmem:s31+$0x4C00]  }
0x129: {  	v8 =	vld [tilespmem:s31+$0x4C10]  }
.Ltmp5:
0x12a: {  	v11 =	vld [tilespmem:s31+$0x4C20];
	(pc) =	sbr.rel @p0 .LBB2_12-.Ltmp5, $4  }
0x12b: {  	v10 =	vld [tilespmem:s31+$0x4C30]  }
0x12c: {  	v9 =	vld [tilespmem:s31+$0x4C40]  }
0x12d: {  	v13 =	vadd.f32 v13, v7;
	v7 =	vld [tilespmem:s31+$0x4C50]  }
0x12e: {  	s19 =	sadd.s32 $0x200, s19;
	v12 =	vadd.f32 v12, v8;
	v8 =	vld [tilespmem:s31+$0x4C60]  }
0x12f: {  	[tilespmem:s31+$0x4C00] =	vst v13;
	v6 =	vadd.f32 v6, v11;
	v11 =	vld [tilespmem:s31+$0x4C70]  }
0x130: {  	[tilespmem:s31+$0x4C10] =	vst v12;
	v5 =	vadd.f32 v5, v10  }
0x131: {  	[tilespmem:s31+$0x4C20] =	vst v6;
	v4 =	vadd.f32 v4, v9  }
0x132: {  	[tilespmem:s31+$0x4C30] =	vst v5;
	v3 =	vadd.f32 v3, v7  }
0x133: {  	[tilespmem:s31+$0x4C40] =	vst v4;
	v2 =	vadd.f32 v2, v8  }
0x134: {  	[tilespmem:s31+$0x4C50] =	vst v3;
	v1 =	vadd.f32 v1, v11  }
0x135: {  	[tilespmem:s31+$0x4C60] =	vst v2  }
0x136: {  	s19 =	simm.s32 $0xA00;
	[tilespmem:s31+$0x4C70] =	vst v1  }
0x137: {  	[spmem:s3] =	stream.indirect.scatter.add.f32 [tilespmem:s18], [sflag:$0x5], $0x80, s19, s14, $0xb8;
	[tilespmem:$0x1AC00] =	vst v63  }
0x138: {  	_ =	swait.ge [sflag:s30], $0x4000  }
0x139: {  	[sflag:s30] =	ssyncset.done $0x0  }
0x13a: {  	s25 =	simm.s32 $0x300;
	[sflag:s30] =	ssyncadd.s32 $0xFFFFC000  }
0x13b: {  	[tilespmem:s15], [sflag:$0x1] =	stream.indirect.gather [hbm4b:s1+s14], $0x80, s25, s14, $0xb8;
	[tilespmem:$0x1AC00] =	vst v63  }
0x13c: {  	s25 =	simm.s32 $0x700  }
0x13d: {  	[tilespmem:s16], [sflag:$0x1] =	stream.indirect.gather [hbm4b:s2+s14], $0x80, s25, s14, $0xb8;
	[tilespmem:$0x1AC00] =	vst v63  }
0x13e: {  	_ =	swait.ge [sflag:s17], $0x4000  }
0x13f: {  	[sflag:s17] =	ssyncset.done $0x0  }
0x140: {  	[sflag:s17] =	ssyncadd.s32 $0xFFFFC000  }
0x141: {  	_ =	swait.ge [sflag:s17], $0x4000  }
0x142: {  	[sflag:s17] =	ssyncset.done $0x0  }
0x143: {  	s31 =	simm.s32 $0x0;
	[sflag:s17] =	ssyncadd.s32 $0xFFFFC000  }
0x144: {  	v8 =	vld [tilespmem:s31+$0x14C00]  }
0x145: {  	v12 =	vld [tilespmem:s31+$0x14C10]  }
0x146: {  	v6 =	vld [tilespmem:s31+$0x14C20]  }
0x147: {  	v5 =	vld [tilespmem:s31+$0x14C30]  }
0x148: {  	v4 =	vld [tilespmem:s31+$0x14C40]  }
0x149: {  	v3 =	vld [tilespmem:s31+$0x14C50]  }
0x14a: {  	v2 =	vld [tilespmem:s31+$0x14C60]  }
0x14b: {  	v1 =	vld [tilespmem:s31+$0x14C70]  }
0x14c: {  	v13 =	vld [tilespmem:s31+$0x8C00]  }
0x14d: {  	v14 =	vld [tilespmem:s31+$0x8C10]  }
0x14e: {  	v11 =	vld [tilespmem:s31+$0x8C20]  }
0x14f: {  	v10 =	vld [tilespmem:s31+$0x8C30]  }
0x150: {  	v9 =	vld [tilespmem:s31+$0x8C40]  }
0x151: {  	v7 =	vld [tilespmem:s31+$0x8C50];
	v13 =	vadd.f32 v8, v13  }
0x152: {  	s19 =	simm.s32 $0x200;
	v12 =	vadd.f32 v12, v14;
	v8 =	vld [tilespmem:s31+$0x8C60]  }
.LBB2_14:
0x153: {  	s25 =	sshra.s32 s19, $0x2;
	p0 =	sne.s32 s19, $0xFE00;
	[tilespmem:s31+$0x8C00] =	vst v13;
	v6 =	vadd.f32 v6, v11;
	v11 =	vld [tilespmem:s31+$0x8C70]  }
0x154: {  	v13 =	vld [tilespmem:s25+$0x14C00];
	[tilespmem:s31+$0x8C10] =	vst v12;
	v5 =	vadd.f32 v5, v10  }
0x155: {  	v12 =	vld [tilespmem:s25+$0x14C10];
	[tilespmem:s31+$0x8C20] =	vst v6;
	v4 =	vadd.f32 v4, v9  }
0x156: {  	v6 =	vld [tilespmem:s25+$0x14C20];
	[tilespmem:s31+$0x8C30] =	vst v5;
	v3 =	vadd.f32 v3, v7  }
0x157: {  	v5 =	vld [tilespmem:s25+$0x14C30];
	[tilespmem:s31+$0x8C40] =	vst v4;
	v2 =	vadd.f32 v2, v8  }
0x158: {  	v4 =	vld [tilespmem:s25+$0x14C40];
	[tilespmem:s31+$0x8C50] =	vst v3;
	v1 =	vadd.f32 v1, v11  }
0x159: {  	v3 =	vld [tilespmem:s25+$0x14C50];
	[tilespmem:s31+$0x8C60] =	vst v2  }
0x15a: {  	v2 =	vld [tilespmem:s25+$0x14C60];
	[tilespmem:s31+$0x8C70] =	vst v1;
	s31 =	smov.u32 s25  }
0x15b: {  	v1 =	vld [tilespmem:s31+$0x14C70]  }
0x15c: {  	v7 =	vld [tilespmem:s31+$0x8C00]  }
0x15d: {  	v8 =	vld [tilespmem:s31+$0x8C10]  }
.Ltmp6:
0x15e: {  	v11 =	vld [tilespmem:s31+$0x8C20];
	(pc) =	sbr.rel @p0 .LBB2_14-.Ltmp6, $4  }
0x15f: {  	v10 =	vld [tilespmem:s31+$0x8C30]  }
0x160: {  	v9 =	vld [tilespmem:s31+$0x8C40]  }
0x161: {  	v13 =	vadd.f32 v13, v7;
	v7 =	vld [tilespmem:s31+$0x8C50]  }
0x162: {  	s19 =	sadd.s32 $0x200, s19;
	v12 =	vadd.f32 v12, v8;
	v8 =	vld [tilespmem:s31+$0x8C60]  }
0x163: {  	[tilespmem:s31+$0x8C00] =	vst v13;
	v6 =	vadd.f32 v6, v11;
	v11 =	vld [tilespmem:s31+$0x8C70]  }
0x164: {  	[tilespmem:s31+$0x8C10] =	vst v12;
	v5 =	vadd.f32 v5, v10  }
0x165: {  	[tilespmem:s31+$0x8C20] =	vst v6;
	v4 =	vadd.f32 v4, v9  }
0x166: {  	[tilespmem:s31+$0x8C30] =	vst v5;
	v3 =	vadd.f32 v3, v7  }
0x167: {  	[tilespmem:s31+$0x8C40] =	vst v4;
	v2 =	vadd.f32 v2, v8  }
0x168: {  	[tilespmem:s31+$0x8C50] =	vst v3;
	v1 =	vadd.f32 v1, v11  }
0x169: {  	[tilespmem:s31+$0x8C60] =	vst v2  }
0x16a: {  	s19 =	simm.s32 $0xA80;
	[tilespmem:s31+$0x8C70] =	vst v1  }
0x16b: {  	[spmem:s3] =	stream.indirect.scatter.add.f32 [tilespmem:s23], [sflag:$0x6], $0x80, s19, s14, $0xb8;
	[tilespmem:$0x1AC00] =	vst v63  }
0x16c: {  	_ =	swait.ge [sflag:s22], $0x4000  }
0x16d: {  	[sflag:s22] =	ssyncset.done $0x0  }
0x16e: {  	s25 =	simm.s32 $0x380;
	[sflag:s22] =	ssyncadd.s32 $0xFFFFC000  }
0x16f: {  	[tilespmem:s18], [sflag:$0x2] =	stream.indirect.gather [hbm4b:s1+s14], $0x80, s25, s14, $0xb8;
	[tilespmem:$0x1AC00] =	vst v63  }
0x170: {  	s25 =	simm.s32 $0x780  }
0x171: {  	[tilespmem:s20], [sflag:$0x2] =	stream.indirect.gather [hbm4b:s2+s14], $0x80, s25, s14, $0xb8;
	[tilespmem:$0x1AC00] =	vst v63  }
0x172: {  	_ =	swait.ge [sflag:s21], $0x4000  }
0x173: {  	[sflag:s21] =	ssyncset.done $0x0  }
0x174: {  	[sflag:s21] =	ssyncadd.s32 $0xFFFFC000  }
0x175: {  	_ =	swait.ge [sflag:s21], $0x4000  }
0x176: {  	[sflag:s21] =	ssyncset.done $0x0  }
0x177: {  	s31 =	simm.s32 $0x0;
	[sflag:s21] =	ssyncadd.s32 $0xFFFFC000  }
0x178: {  	v8 =	vld [tilespmem:s31+$0xCC00]  }
0x179: {  	v12 =	vld [tilespmem:s31+$0xCC10]  }
0x17a: {  	v6 =	vld [tilespmem:s31+$0xCC20]  }
0x17b: {  	v5 =	vld [tilespmem:s31+$0xCC30]  }
0x17c: {  	v4 =	vld [tilespmem:s31+$0xCC40]  }
0x17d: {  	v3 =	vld [tilespmem:s31+$0xCC50]  }
0x17e: {  	v2 =	vld [tilespmem:s31+$0xCC60]  }
0x17f: {  	v1 =	vld [tilespmem:s31+$0xCC70]  }
0x180: {  	v13 =	vld [tilespmem:s31+$0xC00]  }
0x181: {  	v14 =	vld [tilespmem:s31+$0xC10]  }
0x182: {  	v11 =	vld [tilespmem:s31+$0xC20]  }
0x183: {  	v10 =	vld [tilespmem:s31+$0xC30]  }
0x184: {  	v9 =	vld [tilespmem:s31+$0xC40]  }
0x185: {  	v7 =	vld [tilespmem:s31+$0xC50];
	v13 =	vadd.f32 v8, v13  }
0x186: {  	s19 =	simm.s32 $0x200;
	v12 =	vadd.f32 v12, v14;
	v8 =	vld [tilespmem:s31+$0xC60]  }
.LBB2_16:
0x187: {  	s25 =	sshra.s32 s19, $0x2;
	p0 =	sne.s32 s19, $0xFE00;
	[tilespmem:s31+$0xC00] =	vst v13;
	v6 =	vadd.f32 v6, v11;
	v11 =	vld [tilespmem:s31+$0xC70]  }
0x188: {  	v13 =	vld [tilespmem:s25+$0xCC00];
	[tilespmem:s31+$0xC10] =	vst v12;
	v5 =	vadd.f32 v5, v10  }
0x189: {  	v12 =	vld [tilespmem:s25+$0xCC10];
	[tilespmem:s31+$0xC20] =	vst v6;
	v4 =	vadd.f32 v4, v9  }
0x18a: {  	v6 =	vld [tilespmem:s25+$0xCC20];
	[tilespmem:s31+$0xC30] =	vst v5;
	v3 =	vadd.f32 v3, v7  }
0x18b: {  	v5 =	vld [tilespmem:s25+$0xCC30];
	[tilespmem:s31+$0xC40] =	vst v4;
	v2 =	vadd.f32 v2, v8  }
0x18c: {  	v4 =	vld [tilespmem:s25+$0xCC40];
	[tilespmem:s31+$0xC50] =	vst v3;
	v1 =	vadd.f32 v1, v11  }
0x18d: {  	v3 =	vld [tilespmem:s25+$0xCC50];
	[tilespmem:s31+$0xC60] =	vst v2  }
0x18e: {  	v2 =	vld [tilespmem:s25+$0xCC60];
	[tilespmem:s31+$0xC70] =	vst v1;
	s31 =	smov.u32 s25  }
0x18f: {  	v1 =	vld [tilespmem:s31+$0xCC70]  }
0x190: {  	v7 =	vld [tilespmem:s31+$0xC00]  }
0x191: {  	v8 =	vld [tilespmem:s31+$0xC10]  }
.Ltmp7:
0x192: {  	v11 =	vld [tilespmem:s31+$0xC20];
	(pc) =	sbr.rel @p0 .LBB2_16-.Ltmp7, $4  }
0x193: {  	v10 =	vld [tilespmem:s31+$0xC30]  }
0x194: {  	v9 =	vld [tilespmem:s31+$0xC40]  }
0x195: {  	v13 =	vadd.f32 v13, v7;
	v7 =	vld [tilespmem:s31+$0xC50]  }
0x196: {  	s19 =	sadd.s32 $0x200, s19;
	v12 =	vadd.f32 v12, v8;
	v8 =	vld [tilespmem:s31+$0xC60]  }
0x197: {  	[tilespmem:s31+$0xC00] =	vst v13;
	v6 =	vadd.f32 v6, v11;
	v11 =	vld [tilespmem:s31+$0xC70]  }
0x198: {  	[tilespmem:s31+$0xC10] =	vst v12;
	v5 =	vadd.f32 v5, v10  }
0x199: {  	[tilespmem:s31+$0xC20] =	vst v6;
	v4 =	vadd.f32 v4, v9  }
0x19a: {  	[tilespmem:s31+$0xC30] =	vst v5;
	v3 =	vadd.f32 v3, v7  }
0x19b: {  	[tilespmem:s31+$0xC40] =	vst v4;
	v2 =	vadd.f32 v2, v8  }
0x19c: {  	[tilespmem:s31+$0xC50] =	vst v3;
	v1 =	vadd.f32 v1, v11  }
0x19d: {  	[tilespmem:s31+$0xC60] =	vst v2  }
0x19e: {  	s19 =	simm.s32 $0xB00;
	[tilespmem:s31+$0xC70] =	vst v1  }
0x19f: {  	[spmem:s3] =	stream.indirect.scatter.add.f32 [tilespmem:s15], [sflag:$0x4], $0x80, s19, s14, $0xb8;
	[tilespmem:$0x1AC00] =	vst v63  }
0x1a0: {  	_ =	swait.ge [sflag:s28], $0x4000  }
0x1a1: {  	[sflag:s28] =	ssyncset.done $0x0  }
0x1a2: {  	[sflag:s28] =	ssyncadd.s32 $0xFFFFC000  }
0x1a3: {  	_ =	swait.ge [sflag:s28], $0x4000  }
0x1a4: {  	[sflag:s28] =	ssyncset.done $0x0  }
0x1a5: {  	s31 =	simm.s32 $0x0;
	[sflag:s28] =	ssyncadd.s32 $0xFFFFC000  }
0x1a6: {  	v8 =	vld [tilespmem:s31+$0x10C00]  }
0x1a7: {  	v12 =	vld [tilespmem:s31+$0x10C10]  }
0x1a8: {  	v6 =	vld [tilespmem:s31+$0x10C20]  }
0x1a9: {  	v5 =	vld [tilespmem:s31+$0x10C30]  }
0x1aa: {  	v4 =	vld [tilespmem:s31+$0x10C40]  }
0x1ab: {  	v3 =	vld [tilespmem:s31+$0x10C50]  }
0x1ac: {  	v2 =	vld [tilespmem:s31+$0x10C60]  }
0x1ad: {  	v1 =	vld [tilespmem:s31+$0x10C70]  }
0x1ae: {  	v13 =	vld [tilespmem:s31+$0x4C00]  }
0x1af: {  	v14 =	vld [tilespmem:s31+$0x4C10]  }
0x1b0: {  	v11 =	vld [tilespmem:s31+$0x4C20]  }
0x1b1: {  	v10 =	vld [tilespmem:s31+$0x4C30]  }
0x1b2: {  	v9 =	vld [tilespmem:s31+$0x4C40]  }
0x1b3: {  	v7 =	vld [tilespmem:s31+$0x4C50];
	v13 =	vadd.f32 v8, v13  }
0x1b4: {  	s19 =	simm.s32 $0x200;
	v12 =	vadd.f32 v12, v14;
	v8 =	vld [tilespmem:s31+$0x4C60]  }
.LBB2_18:
0x1b5: {  	s25 =	sshra.s32 s19, $0x2;
	p0 =	sne.s32 s19, $0xFE00;
	[tilespmem:s31+$0x4C00] =	vst v13;
	v6 =	vadd.f32 v6, v11;
	v11 =	vld [tilespmem:s31+$0x4C70]  }
0x1b6: {  	v13 =	vld [tilespmem:s25+$0x10C00];
	[tilespmem:s31+$0x4C10] =	vst v12;
	v5 =	vadd.f32 v5, v10  }
0x1b7: {  	v12 =	vld [tilespmem:s25+$0x10C10];
	[tilespmem:s31+$0x4C20] =	vst v6;
	v4 =	vadd.f32 v4, v9  }
0x1b8: {  	v6 =	vld [tilespmem:s25+$0x10C20];
	[tilespmem:s31+$0x4C30] =	vst v5;
	v3 =	vadd.f32 v3, v7  }
0x1b9: {  	v5 =	vld [tilespmem:s25+$0x10C30];
	[tilespmem:s31+$0x4C40] =	vst v4;
	v2 =	vadd.f32 v2, v8  }
0x1ba: {  	v4 =	vld [tilespmem:s25+$0x10C40];
	[tilespmem:s31+$0x4C50] =	vst v3;
	v1 =	vadd.f32 v1, v11  }
0x1bb: {  	v3 =	vld [tilespmem:s25+$0x10C50];
	[tilespmem:s31+$0x4C60] =	vst v2  }
0x1bc: {  	v2 =	vld [tilespmem:s25+$0x10C60];
	[tilespmem:s31+$0x4C70] =	vst v1;
	s31 =	smov.u32 s25  }
0x1bd: {  	v1 =	vld [tilespmem:s31+$0x10C70]  }
0x1be: {  	v7 =	vld [tilespmem:s31+$0x4C00]  }
0x1bf: {  	v8 =	vld [tilespmem:s31+$0x4C10]  }
.Ltmp8:
0x1c0: {  	v11 =	vld [tilespmem:s31+$0x4C20];
	(pc) =	sbr.rel @p0 .LBB2_18-.Ltmp8, $4  }
0x1c1: {  	v10 =	vld [tilespmem:s31+$0x4C30]  }
0x1c2: {  	v9 =	vld [tilespmem:s31+$0x4C40]  }
0x1c3: {  	v13 =	vadd.f32 v13, v7;
	v7 =	vld [tilespmem:s31+$0x4C50]  }
0x1c4: {  	s19 =	sadd.s32 $0x200, s19;
	v12 =	vadd.f32 v12, v8;
	v8 =	vld [tilespmem:s31+$0x4C60]  }
0x1c5: {  	[tilespmem:s31+$0x4C00] =	vst v13;
	v6 =	vadd.f32 v6, v11;
	v63 =	vld [tilespmem:s31+$0x4C70]  }
0x1c6: {  	[tilespmem:s31+$0x4C10] =	vst v12;
	v5 =	vadd.f32 v5, v10  }
0x1c7: {  	[tilespmem:s31+$0x4C20] =	vst v6;
	v4 =	vadd.f32 v4, v9  }
0x1c8: {  	[tilespmem:s31+$0x4C30] =	vst v5;
	v3 =	vadd.f32 v3, v7  }
0x1c9: {  	[tilespmem:s31+$0x4C40] =	vst v4;
	v2 =	vadd.f32 v2, v8  }
0x1ca: {  	[tilespmem:s31+$0x4C50] =	vst v3;
	v1 =	vadd.f32 v1, v63  }
0x1cb: {  	[tilespmem:s31+$0x4C60] =	vst v2  }
0x1cc: {  	s19 =	simm.s32 $0xB80;
	[tilespmem:s31+$0x4C70] =	vst v1  }
0x1cd: {  	[spmem:s3] =	stream.indirect.scatter.add.f32 [tilespmem:s18], [sflag:$0x5], $0x80, s19, s14, $0xb8;
	[tilespmem:$0x1AC00] =	vst v63  }
0x1ce: {  	_ =	swait.ge [sflag:s30], $0x4000  }
0x1cf: {  	[sflag:s30] =	ssyncset.done $0x0  }
0x1d0: {  	[sflag:s30] =	ssyncadd.s32 $0xFFFFC000  }
0x1d1: {  	_ =	swait.ge [sflag:s22], $0x4000  }
0x1d2: {  	[sflag:s22] =	ssyncset.done $0x0  }
0x1d3: {  	[sflag:s22] =	ssyncadd.s32 $0xFFFFC000  }
0x1d4: {  	_ =	swait.ge [sflag:s0], $0x4000  }
0x1d5: {  	s25 =	sshrl.u32 s9, $0x3;
	s29 =	sadd.s32 $0x1, s29;
	[sflag:s0] =	ssyncset.done $0x0  }
0x1d6: {  	p0 =	sne.s32 s29, s10;
	s31 =	sshll.u32 s5, $0x6;
	[sflag:s0] =	ssyncadd.s32 $0xFFFFC000  }
.Ltmp9:
0x1d7: {  	s19 =	sor.u32 $0x1C07, s31;
	[bflag:$0x0] =	sbarrier.arrive $0xFFFF;
	(pc) =	sbr.rel @p0 .LBB2_1-.Ltmp9, $4  }
0x1d8: {  	[hbm:s24], [sflag:s19] =	dma.local [spmem:s25], $0x200  }
0x1d9: {  	_ =	swait.ge [sflag:s11], $0x200  }
0x1da: {  	[sflag:s11] =	ssyncset.done $0x0  }
0x1db: {  	[sflag:s11] =	ssyncadd.s32 $0xFFFFFE00  }
0x1dc: {  	_ =	sfence.sel $0x180000  }
0x1dd: {  	[bflag:$0x0] =	sbarrier.arrive $0xFFFF  }
0x1de: {  	_ =	strace $0x90000047  }
0x1df: {  	[bflag:$0x2] =	sbarrier.arrive $0xFFFF  }
0x1e0: {  	p0 =	sne.s32 s5, $0x0;
	s0 =	rddreg [dreg:$0x7]  }
0x1e1: {  	s0 =	sadd.s32 @!p0 $0x100000, s0  }
0x1e2: {  	[sflag:s0] =	ssyncadd.tile.s32 @!p0 $0x1;
	_ =	shalt  }
.Lfunc_end2:
_tile_overlayer_lowered:
.L_overlay_start_2:
0x1e3: {  	(tag) =	ssettag $0x2  }
0x1e4: {  	s0 =	rddreg [dreg:$0x0];
	s2 =	stileid.u32  }
0x1e5: {  	s1 =	rddreg [dreg:$0x1];
	p0 =	sne.s32 s2, $0x0  }
0x1e6: {  	s3 =	rddreg [dreg:$0x2];
	[bflag:$0x3] =	sbarrier.arrive $0xFFFF;
	s2 =	simm.s32 @!p0 $0x1C07  }
0x1e7: {  	[timem:s3], [sflag:s2] =	dma.local @!p0 [hbm:s0], s1  }
0x1e8: {  	s0 =	simm.s32 @!p0 $0x7  }
0x1e9: {  	_ =	swait.ge @!p0 [sflag:s0], s1  }
0x1ea: {  	s1 =	ssub.s32 @!p0 $0x0, s1;
	[sflag:s0] =	ssyncset.done @!p0 $0x0  }
0x1eb: {  	[sflag:s0] =	ssyncadd.s32 @!p0 s1  }
0x1ec: {  	[bflag:$0x3] =	sbarrier.arrive $0xFFFF  }
0x1ed: {  	_ =	shalt  }

</sc_bundles>
